<compile_context>
chip_gen: v7x
topology: tpu7x:2x2x1
jax: 0.10.2.dev20260603
libtpu: 0.0.44.dev20260713+nightly
codegen_flags: <defaults>
</compile_context>

<pallas_src>
import functools
import jax
import jax.numpy as jnp
from jax import lax
from jax.experimental import pallas as pl
from jax.experimental.pallas import tpu as pltpu
from jax.experimental.pallas import tpu_sc as plsc

NN = 10000
EE = 320000
DD = 128
NG = 64
NCLS = 10

NC = 2
NS = 16
NW = NC * NS
KCH = 128
CPS = 160
TOTCH = NS * CPS
EPAD = TOTCH * KCH
CA = 116
CB = CPS - CA
CDG = 80
CAM = max(CA, CB)
NP = 10240
RPT = NP // NS

_mesh = plsc.VectorSubcoreMesh(core_axis_name="c", subcore_axis_name="s")


def _zero_rows(ref, nrows, ncolchunks, val=0.0):
    v = jnp.full((16,), val, jnp.float32)

    def body(r, _):
        for k in range(ncolchunks):
            ref[r, pl.ds(k * 16, 16)] = v
        return 0

    lax.fori_loop(0, nrows, body, 0)


@functools.partial(
    pl.kernel,
    out_type=jax.ShapeDtypeStruct((NC, NP, DD), jnp.float32),
    mesh=_mesh,
    scratch_types=[
        pltpu.VMEM((CPS, KCH), jnp.int32),
        pltpu.VMEM((KCH, DD), jnp.float32),
        pltpu.VMEM_SHARED((NP, DD), jnp.float32),
    ],
)
def _deg_sc(eidx_hbm, degp_hbm, didx_v, ones_v, acc_sh):
    cid = lax.axis_index("c")
    sid = lax.axis_index("s")

    _zero_rows(ones_v, KCH, DD // 16, 0.0)

    def zbody(c, _):
        pltpu.sync_copy(ones_v, acc_sh.at[pl.ds(sid * RPT + c * KCH, KCH)])
        return 0

    lax.fori_loop(0, RPT // KCH, zbody, 0)
    plsc.subcore_barrier()

    _zero_rows(ones_v, KCH, DD // 16, 1.0)
    off = cid * CDG
    n = jnp.where(cid == 0, CDG, CPS - CDG)
    pltpu.sync_copy(eidx_hbm.at[sid, pl.ds(CPS, CPS)], didx_v)

    def body(c, _):
        pltpu.sync_copy(ones_v, acc_sh.at[didx_v.at[off + c]], add=True)
        return 0

    lax.fori_loop(0, n, body, 0)
    plsc.subcore_barrier()
    pltpu.sync_copy(acc_sh.at[pl.ds(sid * RPT, RPT)],
                    degp_hbm.at[cid, pl.ds(sid * RPT, RPT)])


@functools.partial(
    pl.kernel,
    out_type=jax.ShapeDtypeStruct((NC, NP, DD), jnp.float32),
    mesh=_mesh,
    scratch_types=[
        pltpu.VMEM((2 * CAM, KCH), jnp.int32),
        pltpu.VMEM((KCH, DD), jnp.float32),
        pltpu.SemaphoreType.DMA,
        pltpu.VMEM_SHARED((NP, DD), jnp.float32),
    ],
)
def _edge_sc(y_hbm, eidx_hbm, accp_hbm, eidx_v, rows_v, sem, acc_sh):
    cid = lax.axis_index("c")
    sid = lax.axis_index("s")

    _zero_rows(rows_v, KCH, DD // 16, 0.0)

    def zbody(c, _):
        pltpu.sync_copy(rows_v, acc_sh.at[pl.ds(sid * RPT + c * KCH, KCH)])
        return 0

    lax.fori_loop(0, RPT // KCH, zbody, 0)
    plsc.subcore_barrier()

    wid = sid * NC + cid
    n = jnp.where(cid == 0, CA, CB)
    pltpu.sync_copy(eidx_hbm.at[wid], eidx_v)

    def body(c, _):
        pltpu.async_copy(y_hbm.at[eidx_v.at[c]], rows_v, sem).wait()
        pltpu.sync_copy(rows_v, acc_sh.at[eidx_v.at[CAM + c]], add=True)
        return 0

    lax.fori_loop(0, n, body, 0)
    plsc.subcore_barrier()
    pltpu.sync_copy(acc_sh.at[pl.ds(sid * RPT, RPT)],
                    accp_hbm.at[cid, pl.ds(sid * RPT, RPT)])


def _dot(a, b):
    return lax.dot_general(a, b, (((1,), (0,)), ((), ())),
                           precision=lax.Precision.HIGHEST,
                           preferred_element_type=jnp.float32)


def _dinv(d0, d1):
    return lax.rsqrt(d0 + d1 + 1.0)


BLK = 2048
NBLK = NP // BLK


def _p1a_body(x_ref, w_ref, y_ref):
    y_ref[...] = _dot(x_ref[...], w_ref[...])


def _p1a(x_pad, W1):
    return pl.pallas_call(
        _p1a_body,
        grid=(NBLK,),
        in_specs=[
            pl.BlockSpec((BLK, DD), lambda i: (i, 0)),
            pl.BlockSpec((DD, DD), lambda i: (0, 0)),
        ],
        out_specs=pl.BlockSpec((BLK, DD), lambda i: (i, 0)),
        out_shape=jax.ShapeDtypeStruct((NP, DD), jnp.float32),
    )(x_pad, W1)


def _p1b_body(xw_ref, d0_ref, d1_ref, y_ref):
    y_ref[...] = xw_ref[...] * _dinv(d0_ref[...], d1_ref[...])


def _p1b(xw, d0, d1):
    return pl.pallas_call(
        _p1b_body,
        grid=(NBLK,),
        in_specs=[
            pl.BlockSpec((BLK, DD), lambda i: (i, 0)),
            pl.BlockSpec((BLK, 1), lambda i: (i, 0)),
            pl.BlockSpec((BLK, 1), lambda i: (i, 0)),
        ],
        out_specs=pl.BlockSpec((BLK, DD), lambda i: (i, 0)),
        out_shape=jax.ShapeDtypeStruct((NP, DD), jnp.float32),
    )(xw, d0, d1)


def _p3_body(a0_ref, a1_ref, y_ref, d0_ref, d1_ref, b_ref, w_ref, out_ref):
    dinv = _dinv(d0_ref[...], d1_ref[...])
    h = jax.nn.relu(dinv * (a0_ref[...] + a1_ref[...] + y_ref[...]) + b_ref[...])
    out_ref[...] = _dot(h, w_ref[...]) * dinv


def _p3(a0, a1, y, d0, d1, b, Wn):
    return pl.pallas_call(
        _p3_body,
        grid=(NBLK,),
        in_specs=[
            pl.BlockSpec((BLK, DD), lambda i: (i, 0)),
            pl.BlockSpec((BLK, DD), lambda i: (i, 0)),
            pl.BlockSpec((BLK, DD), lambda i: (i, 0)),
            pl.BlockSpec((BLK, 1), lambda i: (i, 0)),
            pl.BlockSpec((BLK, 1), lambda i: (i, 0)),
            pl.BlockSpec((1, DD), lambda i: (0, 0)),
            pl.BlockSpec((DD, DD), lambda i: (0, 0)),
        ],
        out_specs=pl.BlockSpec((BLK, DD), lambda i: (i, 0)),
        out_shape=jax.ShapeDtypeStruct((NP, DD), jnp.float32),
    )(a0, a1, y, d0, d1, b, Wn)


def _p7_body(a0_ref, a1_ref, y_ref, d0_ref, d1_ref, b_ref, g_ref, be_ref,
             h_ref, ss_ref, acc_ref):
    i = pl.program_id(0)
    dinv = _dinv(d0_ref[...], d1_ref[...])
    h = jax.nn.relu(dinv * (a0_ref[...] + a1_ref[...] + y_ref[...]) + b_ref[...])
    h_ref[...] = h

    rid = i * BLK + lax.broadcasted_iota(jnp.int32, (BLK, 1), 0)
    hm = jnp.where(rid < NN, h, 0.0)

    @pl.when(i == 0)
    def _():
        acc_ref[...] = jnp.zeros_like(acc_ref)

    acc_ref[0:1, :] += jnp.sum(hm, axis=0, keepdims=True)
    acc_ref[1:2, :] += jnp.sum(hm * hm, axis=0, keepdims=True)

    @pl.when(i == NBLK - 1)
    def _():
        mean = acc_ref[0:1, :] / NN
        var = acc_ref[1:2, :] / NN - mean * mean
        scale = g_ref[...] / jnp.sqrt(var + 1e-5)
        shift = be_ref[...] - mean * scale
        ss_ref[...] = jnp.concatenate(
            [scale, shift, jnp.zeros((6, DD), jnp.float32)], axis=0)


def _p7(a0, a1, y, d0, d1, b, gamma, beta):
    return pl.pallas_call(
        _p7_body,
        grid=(NBLK,),
        in_specs=[
            pl.BlockSpec((BLK, DD), lambda i: (i, 0)),
            pl.BlockSpec((BLK, DD), lambda i: (i, 0)),
            pl.BlockSpec((BLK, DD), lambda i: (i, 0)),
            pl.BlockSpec((BLK, 1), lambda i: (i, 0)),
            pl.BlockSpec((BLK, 1), lambda i: (i, 0)),
            pl.BlockSpec((1, DD), lambda i: (0, 0)),
            pl.BlockSpec((1, DD), lambda i: (0, 0)),
            pl.BlockSpec((1, DD), lambda i: (0, 0)),
        ],
        out_specs=[
            pl.BlockSpec((BLK, DD), lambda i: (i, 0)),
            pl.BlockSpec((8, DD), lambda i: (0, 0)),
        ],
        out_shape=[
            jax.ShapeDtypeStruct((NP, DD), jnp.float32),
            jax.ShapeDtypeStruct((8, DD), jnp.float32),
        ],
        scratch_shapes=[pltpu.VMEM((8, DD), jnp.float32)],
    )(a0, a1, y, d0, d1, b, gamma, beta)


def _p8_body(bat_smem, h_ref, bat_ref, ss_ref, w1_ref, b1_ref, w2_ref,
             b2_ref, w3_ref, b3_ref, out_ref, gmax_ref):
    i = pl.program_id(0)

    @pl.when(i == 0)
    def _():
        gmax_ref[...] = jnp.full((NG, DD), -jnp.inf, jnp.float32)

    hn = h_ref[...] * ss_ref[0:1, :] + ss_ref[1:2, :]
    bat = bat_ref[...]

    glo = bat_smem[i * BLK]
    ghi = jnp.minimum(bat_smem[i * BLK + BLK - 1], NG - 1)

    def body(g, _):
        mask = bat == g
        mm = jnp.max(jnp.where(mask, hn, -jnp.inf), axis=0, keepdims=True)
        cur = gmax_ref[pl.ds(g, 1), :]
        gmax_ref[pl.ds(g, 1), :] = jnp.maximum(cur, mm)
        return 0

    lax.fori_loop(glo, ghi + 1, body, 0)

    @pl.when(i == NBLK - 1)
    def _():
        g = gmax_ref[...]
        g = jnp.where(g == -jnp.inf, 0.0, g)
        g = jax.nn.relu(_dot(g, w1_ref[...]) + b1_ref[...])
        g = jax.nn.relu(_dot(g, w2_ref[...]) + b2_ref[...])
        out_ref[...] = _dot(g, w3_ref[...]) + b3_ref[...]


def _p8(h3, batp, ss, lW1, lb1, lW2p, lb2p, lW3p, lb3p):
    full = lambda i, s: (0, 0)
    out, _ = pl.pallas_call(
        _p8_body,
        grid_spec=pltpu.PrefetchScalarGridSpec(
            num_scalar_prefetch=1,
            grid=(NBLK,),
            in_specs=[
                pl.BlockSpec((BLK, DD), lambda i, s: (i, 0)),
                pl.BlockSpec((BLK, 1), lambda i, s: (i, 0)),
                pl.BlockSpec((8, DD), full),
                pl.BlockSpec((DD, DD), full),
                pl.BlockSpec((1, DD), full),
                pl.BlockSpec((DD, DD), full),
                pl.BlockSpec((1, DD), full),
                pl.BlockSpec((DD, DD), full),
                pl.BlockSpec((1, DD), full),
            ],
            out_specs=[
                pl.BlockSpec((NG, DD), full),
                pl.BlockSpec((NG, DD), full),
            ],
        ),
        out_shape=[
            jax.ShapeDtypeStruct((NG, DD), jnp.float32),
            jax.ShapeDtypeStruct((NG, DD), jnp.float32),
        ],
    )(batp.reshape(NP), h3, batp, ss, lW1, lb1, lW2p, lb2p, lW3p, lb3p)
    return out


def kernel(x, edge_index, batch, W1, b1, W2, b2, W3, b3, gamma, beta,
           lW1, lb1, lW2, lb2, lW3, lb3):
    src = edge_index[0]
    dst = edge_index[1]
    npad = EPAD - EE
    sidx2 = jnp.concatenate([src, jnp.zeros((npad,), jnp.int32)]).reshape(
        NS, CPS, KCH)
    didx2 = jnp.concatenate([dst, jnp.full((npad,), NP - 1, jnp.int32)]).reshape(
        NS, CPS, KCH)
    eidx2 = jnp.concatenate([sidx2, didx2], axis=1)
    sw = jnp.zeros((NS, NC, CAM, KCH), jnp.int32)
    dw = jnp.full((NS, NC, CAM, KCH), NP - 1, jnp.int32)
    sw = sw.at[:, 0, :CA].set(sidx2[:, :CA]).at[:, 1, :CB].set(sidx2[:, CA:])
    dw = dw.at[:, 0, :CA].set(didx2[:, :CA]).at[:, 1, :CB].set(didx2[:, CA:])
    eidxw = jnp.concatenate([sw, dw], axis=2).reshape(NW, 2 * CAM, KCH)
    x_pad = jnp.concatenate([x, jnp.zeros((NP - NN, DD), jnp.float32)], axis=0)
    batp = jnp.concatenate([batch, jnp.full((NP - NN,), NG, jnp.int32)]).reshape(
        NP, 1)

    b1r = b1.reshape(1, DD)
    b2r = b2.reshape(1, DD)
    b3r = b3.reshape(1, DD)
    gr = gamma.reshape(1, DD)
    ber = beta.reshape(1, DD)
    lb1r = lb1.reshape(1, DD)
    lW2p = jnp.pad(lW2, ((0, 0), (0, DD - lW2.shape[1])))
    lb2p = jnp.pad(lb2, (0, DD - lb2.shape[0])).reshape(1, DD)
    lW3p = jnp.pad(lW3, ((0, DD - lW3.shape[0]), (0, DD - lW3.shape[1])))
    lb3p = jnp.pad(lb3, (0, DD - lb3.shape[0])).reshape(1, DD)

    degp = _deg_sc(eidx2)
    d0 = lax.slice(degp[0], (0, 0), (NP, 1))
    d1 = lax.slice(degp[1], (0, 0), (NP, 1))

    xw1 = _p1a(x_pad, W1)
    y1 = _p1b(xw1, d0, d1)
    a1 = _edge_sc(y1, eidxw)
    y2 = _p3(a1[0], a1[1], y1, d0, d1, b1r, W2)
    a2 = _edge_sc(y2, eidxw)
    y3 = _p3(a2[0], a2[1], y2, d0, d1, b2r, W3)
    a3 = _edge_sc(y3, eidxw)
    h3, ss = _p7(a3[0], a3[1], y3, d0, d1, b3r, gr, ber)
    out = _p8(h3, batp, ss, lW1, lb1r, lW2p, lb2p, lW3p, lb3p)
    return out[:, :NCLS]

# --- scband reference (transcript-rebuilt; emitter-appended) ---
"""Pipeline reference for scband-net-34428457845336 (READ-ONLY COPY).

The authoritative reference and input builder live on the scoring server;
editing this copy changes nothing except your own understanding.
"""

import jax, jax.numpy as jnp
import numpy as np

N = 10000
E = 320000
D = 128
NHID = 128
NGRAPH = 64
NCLS = 10


def _gcn(x, src, dst, W, b, n):
    # GCNConv with self-loops and symmetric normalization
    loop = jnp.arange(n, dtype=src.dtype)
    s = jnp.concatenate([src, loop])
    d = jnp.concatenate([dst, loop])
    deg = jnp.zeros((n,), jnp.float32).at[d].add(1.0)
    dinv = jnp.where(deg > 0, deg ** -0.5, 0.0)
    norm = dinv[s] * dinv[d]
    xw = x @ W
    out = jnp.zeros((n, W.shape[1]), jnp.float32).at[d].add(xw[s] * norm[:, None])
    return out + b


def setup_inputs(seed: int = 0):
    key = jax.random.key(seed)
    ks = jax.random.split(key, 20)
    p = {}
    p["x"] = jax.random.normal(ks[0], (N, D), dtype=jnp.float32)
    p["edge_index"] = jax.random.randint(ks[1], (2, E), 0, N, dtype=jnp.int32)
    p["batch"] = jnp.sort(jax.random.randint(ks[2], (N,), 0, NGRAPH, dtype=jnp.int32))
    p["W1"] = jax.random.normal(ks[3], (D, NHID), dtype=jnp.float32) * 0.05
    p["b1"] = jnp.zeros((NHID,), jnp.float32)
    p["W2"] = jax.random.normal(ks[4], (NHID, NHID), dtype=jnp.float32) * 0.05
    p["b2"] = jnp.zeros((NHID,), jnp.float32)
    p["W3"] = jax.random.normal(ks[5], (NHID, NHID), dtype=jnp.float32) * 0.05
    p["b3"] = jnp.zeros((NHID,), jnp.float32)
    p["gamma"] = jnp.ones((NHID,), jnp.float32)
    p["beta"] = jnp.zeros((NHID,), jnp.float32)
    p["lW1"] = jax.random.normal(ks[6], (NHID, NHID), dtype=jnp.float32) * 0.05
    p["lb1"] = jnp.zeros((NHID,), jnp.float32)
    p["lW2"] = jax.random.normal(ks[7], (NHID, NHID // 2), dtype=jnp.float32) * 0.05
    p["lb2"] = jnp.zeros((NHID // 2,), jnp.float32)
    p["lW3"] = jax.random.normal(ks[8], (NHID // 2, NCLS), dtype=jnp.float32) * 0.05
    p["lb3"] = jnp.zeros((NCLS,), jnp.float32)
    return p


def reference(x, edge_index, batch, W1, b1, W2, b2, W3, b3, gamma, beta, lW1, lb1, lW2, lb2, lW3, lb3):
    src, dst = edge_index[0], edge_index[1]
    h = jax.nn.relu(_gcn(x, src, dst, W1, b1, N))
    h = jax.nn.relu(_gcn(h, src, dst, W2, b2, N))
    h = jax.nn.relu(_gcn(h, src, dst, W3, b3, N))
    # BatchNorm1d (training-mode batch statistics)
    mean = h.mean(axis=0)
    var = h.var(axis=0)
    h = (h - mean) / jnp.sqrt(var + 1e-5) * gamma + beta
    # scatter_max over graph ids
    g = jax.ops.segment_max(h, batch, num_segments=NGRAPH)
    g = jnp.where(jnp.isfinite(g), g, 0.0)
    # MLP head (dropout = identity in eval)
    g = jax.nn.relu(g @ lW1 + lb1)
    g = jax.nn.relu(g @ lW2 + lb2)
    return g @ lW3 + lb3

if __name__ == "__main__":
    import jax
    _d = setup_inputs()
    print(jax.jit(kernel)(*tuple(_d.values())))

</pallas_src>

<mosaic_0001>
#map = affine_map<(d0, d1) -> (0, 0)>
#map1 = affine_map<(d0, d1) -> (0, 0, 0)>
module attributes {stable_mosaic.version = 14 : i64} {
  func.func @_edge_sc(%arg0: i32, %arg1: i32, %arg2: memref<10240x128xf32, #tpu.memory_space<hbm>>, %arg3: memref<32x232x128xi32, #tpu.memory_space<hbm>>, %arg4: memref<2x10240x128xf32, #tpu.memory_space<hbm>>, %arg5: memref<232x128xi32, #tpu.memory_space<vmem>>, %arg6: memref<128x128xf32, #tpu.memory_space<vmem>>, %arg7: memref<!tpu.dma_semaphore, #tpu.memory_space<semaphore_mem>>, %arg8: memref<10240x128xf32, #tpu.memory_space<vmem_shared>>) attributes {dimension_semantics = [#tpu.dimension_semantics<core_parallel>, #tpu.dimension_semantics<subcore_parallel>], iteration_bounds = array<i64: 2, 16>, scalar_prefetch = 0 : i64, scratch_operands = 4 : i64, tpu.core_type = #tpu.core_type<sc_vector_subcore>, window_params = [{transform_indices = #map}, {transform_indices = #map1}, {transform_indices = #map1}]} {
    %broadcast_in_dim3A = arith.constant 0.000000e+00 : f32
    %broadcast_in_dim3A_0 = vector.broadcast %broadcast_in_dim3A : f32 to vector<16xf32>
    %scan3A = arith.constant 0 : i32
    %scan3A_1 = arith.constant 0 : i32
    %scan3A_2 = arith.constant 128 : i32
    %scan3A_3 = arith.addi %scan3A_1, %scan3A_2 : i32
    %scan3A_4 = arith.constant 1 : i32
    %scan3A_5 = scf.for %scan3A_33 = %scan3A_1 to %scan3A_3 step %scan3A_4 iter_args(%scan3A_34 = %scan3A) -> (i32)  : i32 {
      %swap3A = arith.index_cast %scan3A_33 : i32 to index
      %swap3A_35 = arith.constant 0 : index
      %swap3A_36 = tpu.vector_load %arg6[%swap3A, %swap3A_35] {strides = array<i32>} : memref<128x128xf32, #tpu.memory_space<vmem>>, vector<1x16xf32>,
      %swap3A_37 = vector.shape_cast %swap3A_36 : vector<1x16xf32> to vector<16xf32>
      %swap3A_38 = vector.shape_cast %broadcast_in_dim3A_0 : vector<16xf32> to vector<1x16xf32>
      tpu.vector_store %arg6[%swap3A, %swap3A_35], %swap3A_38 {strides = array<i32>} : memref<128x128xf32, #tpu.memory_space<vmem>>, vector<1x16xf32>,
      %swap3A_39 = arith.index_cast %scan3A_33 : i32 to index
      %swap3A_40 = arith.constant 16 : index
      %swap3A_41 = tpu.vector_load %arg6[%swap3A_39, %swap3A_40] {strides = array<i32>} : memref<128x128xf32, #tpu.memory_space<vmem>>, vector<1x16xf32>,
      %swap3A_42 = vector.shape_cast %swap3A_41 : vector<1x16xf32> to vector<16xf32>
      %swap3A_43 = vector.shape_cast %broadcast_in_dim3A_0 : vector<16xf32> to vector<1x16xf32>
      tpu.vector_store %arg6[%swap3A_39, %swap3A_40], %swap3A_43 {strides = array<i32>} : memref<128x128xf32, #tpu.memory_space<vmem>>, vector<1x16xf32>,
      %swap3A_44 = arith.index_cast %scan3A_33 : i32 to index
      %swap3A_45 = arith.constant 32 : index
      %swap3A_46 = tpu.vector_load %arg6[%swap3A_44, %swap3A_45] {strides = array<i32>} : memref<128x128xf32, #tpu.memory_space<vmem>>, vector<1x16xf32>,
      %swap3A_47 = vector.shape_cast %swap3A_46 : vector<1x16xf32> to vector<16xf32>
      %swap3A_48 = vector.shape_cast %broadcast_in_dim3A_0 : vector<16xf32> to vector<1x16xf32>
      tpu.vector_store %arg6[%swap3A_44, %swap3A_45], %swap3A_48 {strides = array<i32>} : memref<128x128xf32, #tpu.memory_space<vmem>>, vector<1x16xf32>,
      %swap3A_49 = arith.index_cast %scan3A_33 : i32 to index
      %swap3A_50 = arith.constant 48 : index
      %swap3A_51 = tpu.vector_load %arg6[%swap3A_49, %swap3A_50] {strides = array<i32>} : memref<128x128xf32, #tpu.memory_space<vmem>>, vector<1x16xf32>,
      %swap3A_52 = vector.shape_cast %swap3A_51 : vector<1x16xf32> to vector<16xf32>
      %swap3A_53 = vector.shape_cast %broadcast_in_dim3A_0 : vector<16xf32> to vector<1x16xf32>
      tpu.vector_store %arg6[%swap3A_49, %swap3A_50], %swap3A_53 {strides = array<i32>} : memref<128x128xf32, #tpu.memory_space<vmem>>, vector<1x16xf32>,
      %swap3A_54 = arith.index_cast %scan3A_33 : i32 to index
      %swap3A_55 = arith.constant 64 : index
      %swap3A_56 = tpu.vector_load %arg6[%swap3A_54, %swap3A_55] {strides = array<i32>} : memref<128x128xf32, #tpu.memory_space<vmem>>, vector<1x16xf32>,
      %swap3A_57 = vector.shape_cast %swap3A_56 : vector<1x16xf32> to vector<16xf32>
      %swap3A_58 = vector.shape_cast %broadcast_in_dim3A_0 : vector<16xf32> to vector<1x16xf32>
      tpu.vector_store %arg6[%swap3A_54, %swap3A_55], %swap3A_58 {strides = array<i32>} : memref<128x128xf32, #tpu.memory_space<vmem>>, vector<1x16xf32>,
      %swap3A_59 = arith.index_cast %scan3A_33 : i32 to index
      %swap3A_60 = arith.constant 80 : index
      %swap3A_61 = tpu.vector_load %arg6[%swap3A_59, %swap3A_60] {strides = array<i32>} : memref<128x128xf32, #tpu.memory_space<vmem>>, vector<1x16xf32>,
      %swap3A_62 = vector.shape_cast %swap3A_61 : vector<1x16xf32> to vector<16xf32>
      %swap3A_63 = vector.shape_cast %broadcast_in_dim3A_0 : vector<16xf32> to vector<1x16xf32>
      tpu.vector_store %arg6[%swap3A_59, %swap3A_60], %swap3A_63 {strides = array<i32>} : memref<128x128xf32, #tpu.memory_space<vmem>>, vector<1x16xf32>,
      %swap3A_64 = arith.index_cast %scan3A_33 : i32 to index
      %swap3A_65 = arith.constant 96 : index
      %swap3A_66 = tpu.vector_load %arg6[%swap3A_64, %swap3A_65] {strides = array<i32>} : memref<128x128xf32, #tpu.memory_space<vmem>>, vector<1x16xf32>,
      %swap3A_67 = vector.shape_cast %swap3A_66 : vector<1x16xf32> to vector<16xf32>
      %swap3A_68 = vector.shape_cast %broadcast_in_dim3A_0 : vector<16xf32> to vector<1x16xf32>
      tpu.vector_store %arg6[%swap3A_64, %swap3A_65], %swap3A_68 {strides = array<i32>} : memref<128x128xf32, #tpu.memory_space<vmem>>, vector<1x16xf32>,
      %swap3A_69 = arith.index_cast %scan3A_33 : i32 to index
      %swap3A_70 = arith.constant 112 : index
      %swap3A_71 = tpu.vector_load %arg6[%swap3A_69, %swap3A_70] {strides = array<i32>} : memref<128x128xf32, #tpu.memory_space<vmem>>, vector<1x16xf32>,
      %swap3A_72 = vector.shape_cast %swap3A_71 : vector<1x16xf32> to vector<16xf32>
      %swap3A_73 = vector.shape_cast %broadcast_in_dim3A_0 : vector<16xf32> to vector<1x16xf32>
      tpu.vector_store %arg6[%swap3A_69, %swap3A_70], %swap3A_73 {strides = array<i32>} : memref<128x128xf32, #tpu.memory_space<vmem>>, vector<1x16xf32>,
      %scan3A_74 = arith.constant 0 : i32
      scf.yield %scan3A_74 : i32
    }
    %scan3A_6 = arith.constant 128 : i32
    %scan3A_7 = arith.constant 0 : i32
    %scan3A_8 = arith.constant 0 : i32
    %scan3A_9 = arith.constant 5 : i32
    %scan3A_10 = arith.addi %scan3A_8, %scan3A_9 : i32
    %scan3A_11 = arith.constant 1 : i32
    %scan3A_12 = scf.for %scan3A_33 = %scan3A_8 to %scan3A_10 step %scan3A_11 iter_args(%scan3A_34 = %scan3A_7) -> (i32)  : i32 {
      %mul3A_35 = arith.constant 640 : i32
      %mul3A_36 = arith.muli %arg1, %mul3A_35 : i32
      %mul3A_37 = arith.constant 128 : i32
      %mul3A_38 = arith.muli %scan3A_33, %mul3A_37 : i32
      %add3A_39 = arith.addi %mul3A_36, %mul3A_38 : i32
      "tpu.region"() ({
        %run_scoped3A = tpu.sem_alloc : memref<!tpu.dma_semaphore, #tpu.memory_space<semaphore_mem>>
        %dma_start3A = arith.constant 0 : i32
        %dma_start3A_41 = tpu.memref_slice %arg8[%add3A_39, %dma_start3A] : memref<10240x128xf32, #tpu.memory_space<vmem_shared>> -> memref<128x128xf32, #tpu.memory_space<vmem_shared>>
        %dma_start3A_42 = arith.constant 0 : i32
        %dma_start3A_43 = tpu.memref_slice %arg8[%add3A_39, %dma_start3A_42] : memref<10240x128xf32, #tpu.memory_space<vmem_shared>> -> memref<128x128xf32, #tpu.memory_space<vmem_shared>>
        tpu.enqueue_dma source(%arg6 : memref<128x128xf32, #tpu.memory_space<vmem>>) target(%dma_start3A_43 : memref<128x128xf32, #tpu.memory_space<vmem_shared>>) target_semaphore(%run_scoped3A : memref<!tpu.dma_semaphore, #tpu.memory_space<semaphore_mem>>)
        %dma_wait3A = arith.constant 0 : i32
        %dma_wait3A_44 = tpu.memref_slice %arg8[%add3A_39, %dma_wait3A] : memref<10240x128xf32, #tpu.memory_space<vmem_shared>> -> memref<128x128xf32, #tpu.memory_space<vmem_shared>>
        %dma_wait3A_45 = arith.constant 0 : i32
        %dma_wait3A_46 = tpu.memref_slice %arg8[%add3A_39, %dma_wait3A_45] : memref<10240x128xf32, #tpu.memory_space<vmem_shared>> -> memref<128x128xf32, #tpu.memory_space<vmem_shared>>
        tpu.wait_dma2 semaphore(%run_scoped3A : memref<!tpu.dma_semaphore, #tpu.memory_space<semaphore_mem>>) src(%arg6 : memref<128x128xf32, #tpu.memory_space<vmem>>) dst(%dma_wait3A_46 : memref<128x128xf32, #tpu.memory_space<vmem_shared>>)
        tpu.yield
      }) : () -> ()
      %scan3A_40 = arith.constant 0 : i32
      scf.yield %scan3A_40 : i32
    }
    %scan3A_13 = arith.constant 5 : i32
    %barrier3A = arith.constant 0 : index
    tpu.barrier barrier_id(%barrier3A)
    %mul3A = arith.constant 2 : i32
    %mul3A_14 = arith.muli %arg1, %mul3A : i32
    %add3A = arith.addi %mul3A_14, %arg0 : i32
    %eq3A = arith.constant 0 : i32
    %eq3A_15 = arith.cmpi eq, %arg0, %eq3A : i32
    %jit3A = arith.constant 116 : i32
    %jit3A_16 = arith.constant 44 : i32
    %select_n3A = arith.select %eq3A_15, %jit3A, %jit3A_16 : i32
    "tpu.region"() ({
      %run_scoped3A = tpu.sem_alloc : memref<!tpu.dma_semaphore, #tpu.memory_space<semaphore_mem>>
      %dma_start3A = arith.constant 0 : i32
      %dma_start3A_33 = arith.constant 0 : i32
      %dma_start3A_34 = tpu.memref_slice %arg3[%add3A, %dma_start3A, %dma_start3A_33] : memref<32x232x128xi32, #tpu.memory_space<hbm>> -> memref<1x232x128xi32, #tpu.memory_space<hbm>>
      %dma_start3A_35 = tpu.memref_squeeze %dma_start3A_34 : memref<1x232x128xi32, #tpu.memory_space<hbm>> -> memref<232x128xi32, #tpu.memory_space<hbm>>
      %dma_start3A_36 = arith.constant 0 : i32
      %dma_start3A_37 = arith.constant 0 : i32
      %dma_start3A_38 = tpu.memref_slice %arg3[%add3A, %dma_start3A_36, %dma_start3A_37] : memref<32x232x128xi32, #tpu.memory_space<hbm>> -> memref<1x232x128xi32, #tpu.memory_space<hbm>>
      %dma_start3A_39 = tpu.memref_squeeze %dma_start3A_38 : memref<1x232x128xi32, #tpu.memory_space<hbm>> -> memref<232x128xi32, #tpu.memory_space<hbm>>
      tpu.enqueue_dma source(%dma_start3A_39 : memref<232x128xi32, #tpu.memory_space<hbm>>) target(%arg5 : memref<232x128xi32, #tpu.memory_space<vmem>>) target_semaphore(%run_scoped3A : memref<!tpu.dma_semaphore, #tpu.memory_space<semaphore_mem>>)
      %dma_wait3A = arith.constant 0 : i32
      %dma_wait3A_40 = arith.constant 0 : i32
      %dma_wait3A_41 = tpu.memref_slice %arg3[%add3A, %dma_wait3A, %dma_wait3A_40] : memref<32x232x128xi32, #tpu.memory_space<hbm>> -> memref<1x232x128xi32, #tpu.memory_space<hbm>>
      %dma_wait3A_42 = tpu.memref_squeeze %dma_wait3A_41 : memref<1x232x128xi32, #tpu.memory_space<hbm>> -> memref<232x128xi32, #tpu.memory_space<hbm>>
      %dma_wait3A_43 = arith.constant 0 : i32
      %dma_wait3A_44 = arith.constant 0 : i32
      %dma_wait3A_45 = tpu.memref_slice %arg3[%add3A, %dma_wait3A_43, %dma_wait3A_44] : memref<32x232x128xi32, #tpu.memory_space<hbm>> -> memref<1x232x128xi32, #tpu.memory_space<hbm>>
      %dma_wait3A_46 = tpu.memref_squeeze %dma_wait3A_45 : memref<1x232x128xi32, #tpu.memory_space<hbm>> -> memref<232x128xi32, #tpu.memory_space<hbm>>
      tpu.wait_dma2 semaphore(%run_scoped3A : memref<!tpu.dma_semaphore, #tpu.memory_space<semaphore_mem>>) src(%dma_wait3A_46 : memref<232x128xi32, #tpu.memory_space<hbm>>) dst(%arg5 : memref<232x128xi32, #tpu.memory_space<vmem>>)
      tpu.yield
    }) : () -> ()
    %while3A = arith.constant 0 : i32
    %while3A_17 = arith.constant 0 : i32
    %while3A_18 = arith.subi %select_n3A, %while3A : i32
    %while3A_19 = arith.addi %while3A, %while3A_18 : i32
    %while3A_20 = arith.constant 1 : i32
    %while3A_21 = arith.divsi %while3A_18, %while3A_20 : i32
    %while3A_22 = arith.muli %while3A_21, %while3A_20 : i32
    %while3A_23 = arith.addi %while3A, %while3A_22 : i32
    %while3A_24 = arith.constant 1 : i32
    %while3A_25 = scf.for %while3A_33 = %while3A to %while3A_23 step %while3A_24 iter_args(%while3A_34 = %while3A_17) -> (i32)  : i32 {
      %dma_start3A = arith.constant 0 : i32
      %dma_start3A_35 = tpu.memref_slice %arg5[%while3A_33, %dma_start3A] : memref<232x128xi32, #tpu.memory_space<vmem>> -> memref<1x128xi32, #tpu.memory_space<vmem>>
      %dma_start3A_36 = tpu.memref_squeeze %dma_start3A_35 : memref<1x128xi32, #tpu.memory_space<vmem>> -> memref<128xi32, #tpu.memory_space<vmem>>
      %dma_start3A_37 = arith.constant 0 : i32
      %dma_start3A_38 = arith.constant 0 : i32
      %dma_start3A_39 = tpu.memref_slice %arg2[%dma_start3A_37, %dma_start3A_38] : memref<10240x128xf32, #tpu.memory_space<hbm>> -> memref<10240x128xf32, #tpu.memory_space<hbm>>
      tpu.enqueue_indirect_dma source(%dma_start3A_39 : memref<10240x128xf32, #tpu.memory_space<hbm>>) target(%arg6 : memref<128x128xf32, #tpu.memory_space<vmem>>) offsets(%dma_start3A_36 : memref<128xi32, #tpu.memory_space<vmem>>) semaphore(%arg7 : memref<!tpu.dma_semaphore, #tpu.memory_space<semaphore_mem>>)
      %dma_wait3A = arith.constant 0 : i32
      %dma_wait3A_40 = tpu.memref_slice %arg5[%while3A_33, %dma_wait3A] : memref<232x128xi32, #tpu.memory_space<vmem>> -> memref<1x128xi32, #tpu.memory_space<vmem>>
      %dma_wait3A_41 = tpu.memref_squeeze %dma_wait3A_40 : memref<1x128xi32, #tpu.memory_space<vmem>> -> memref<128xi32, #tpu.memory_space<vmem>>
      %dma_wait3A_42 = arith.constant 0 : i32
      %dma_wait3A_43 = arith.constant 0 : i32
      %dma_wait3A_44 = tpu.memref_slice %arg2[%dma_wait3A_42, %dma_wait3A_43] : memref<10240x128xf32, #tpu.memory_space<hbm>> -> memref<10240x128xf32, #tpu.memory_space<hbm>>
      tpu.wait_indirect_dma semaphore(%arg7 : memref<!tpu.dma_semaphore, #tpu.memory_space<semaphore_mem>>) src(%dma_wait3A_44 : memref<10240x128xf32, #tpu.memory_space<hbm>>) dst(%arg6 : memref<128x128xf32, #tpu.memory_space<vmem>>)
      %add3A_45 = arith.constant 116 : i32
      %add3A_46 = arith.addi %add3A_45, %while3A_33 : i32
      "tpu.region"() ({
        %run_scoped3A = tpu.sem_alloc : memref<!tpu.dma_semaphore, #tpu.memory_space<semaphore_mem>>
        %dma_start3A_48 = arith.constant 0 : i32
        %dma_start3A_49 = tpu.memref_slice %arg5[%add3A_46, %dma_start3A_48] : memref<232x128xi32, #tpu.memory_space<vmem>> -> memref<1x128xi32, #tpu.memory_space<vmem>>
        %dma_start3A_50 = tpu.memref_squeeze %dma_start3A_49 : memref<1x128xi32, #tpu.memory_space<vmem>> -> memref<128xi32, #tpu.memory_space<vmem>>
        %dma_start3A_51 = arith.constant 0 : i32
        %dma_start3A_52 = arith.constant 0 : i32
        %dma_start3A_53 = tpu.memref_slice %arg8[%dma_start3A_51, %dma_start3A_52] : memref<10240x128xf32, #tpu.memory_space<vmem_shared>> -> memref<10240x128xf32, #tpu.memory_space<vmem_shared>>
        tpu.enqueue_indirect_dma source(%arg6 : memref<128x128xf32, #tpu.memory_space<vmem>>) target(%dma_start3A_53 : memref<10240x128xf32, #tpu.memory_space<vmem_shared>>) offsets(%dma_start3A_50 : memref<128xi32, #tpu.memory_space<vmem>>) semaphore(%run_scoped3A : memref<!tpu.dma_semaphore, #tpu.memory_space<semaphore_mem>>) {add = true}
        %dma_wait3A_54 = arith.constant 0 : i32
        %dma_wait3A_55 = tpu.memref_slice %arg5[%add3A_46, %dma_wait3A_54] : memref<232x128xi32, #tpu.memory_space<vmem>> -> memref<1x128xi32, #tpu.memory_space<vmem>>
        %dma_wait3A_56 = tpu.memref_squeeze %dma_wait3A_55 : memref<1x128xi32, #tpu.memory_space<vmem>> -> memref<128xi32, #tpu.memory_space<vmem>>
        %dma_wait3A_57 = arith.constant 0 : i32
        %dma_wait3A_58 = arith.constant 0 : i32
        %dma_wait3A_59 = tpu.memref_slice %arg8[%dma_wait3A_57, %dma_wait3A_58] : memref<10240x128xf32, #tpu.memory_space<vmem_shared>> -> memref<10240x128xf32, #tpu.memory_space<vmem_shared>>
        tpu.wait_indirect_dma semaphore(%run_scoped3A : memref<!tpu.dma_semaphore, #tpu.memory_space<semaphore_mem>>) src(%arg6 : memref<128x128xf32, #tpu.memory_space<vmem>>) dst(%dma_wait3A_59 : memref<10240x128xf32, #tpu.memory_space<vmem_shared>>)
        tpu.yield
      }) : () -> ()
      %while3A_47 = arith.constant 0 : i32
      scf.yield %while3A_47 : i32
    }
    %while3A_26 = arith.constant 1 : i32
    %while3A_27 = scf.for %while3A_33 = %while3A_23 to %while3A_19 step %while3A_26 iter_args(%while3A_34 = %while3A_25) -> (i32)  : i32 {
      %dma_start3A = arith.constant 0 : i32
      %dma_start3A_35 = tpu.memref_slice %arg5[%while3A_33, %dma_start3A] : memref<232x128xi32, #tpu.memory_space<vmem>> -> memref<1x128xi32, #tpu.memory_space<vmem>>
      %dma_start3A_36 = tpu.memref_squeeze %dma_start3A_35 : memref<1x128xi32, #tpu.memory_space<vmem>> -> memref<128xi32, #tpu.memory_space<vmem>>
      %dma_start3A_37 = arith.constant 0 : i32
      %dma_start3A_38 = arith.constant 0 : i32
      %dma_start3A_39 = tpu.memref_slice %arg2[%dma_start3A_37, %dma_start3A_38] : memref<10240x128xf32, #tpu.memory_space<hbm>> -> memref<10240x128xf32, #tpu.memory_space<hbm>>
      tpu.enqueue_indirect_dma source(%dma_start3A_39 : memref<10240x128xf32, #tpu.memory_space<hbm>>) target(%arg6 : memref<128x128xf32, #tpu.memory_space<vmem>>) offsets(%dma_start3A_36 : memref<128xi32, #tpu.memory_space<vmem>>) semaphore(%arg7 : memref<!tpu.dma_semaphore, #tpu.memory_space<semaphore_mem>>)
      %dma_wait3A = arith.constant 0 : i32
      %dma_wait3A_40 = tpu.memref_slice %arg5[%while3A_33, %dma_wait3A] : memref<232x128xi32, #tpu.memory_space<vmem>> -> memref<1x128xi32, #tpu.memory_space<vmem>>
      %dma_wait3A_41 = tpu.memref_squeeze %dma_wait3A_40 : memref<1x128xi32, #tpu.memory_space<vmem>> -> memref<128xi32, #tpu.memory_space<vmem>>
      %dma_wait3A_42 = arith.constant 0 : i32
      %dma_wait3A_43 = arith.constant 0 : i32
      %dma_wait3A_44 = tpu.memref_slice %arg2[%dma_wait3A_42, %dma_wait3A_43] : memref<10240x128xf32, #tpu.memory_space<hbm>> -> memref<10240x128xf32, #tpu.memory_space<hbm>>
      tpu.wait_indirect_dma semaphore(%arg7 : memref<!tpu.dma_semaphore, #tpu.memory_space<semaphore_mem>>) src(%dma_wait3A_44 : memref<10240x128xf32, #tpu.memory_space<hbm>>) dst(%arg6 : memref<128x128xf32, #tpu.memory_space<vmem>>)
      %add3A_45 = arith.constant 116 : i32
      %add3A_46 = arith.addi %add3A_45, %while3A_33 : i32
      "tpu.region"() ({
        %run_scoped3A = tpu.sem_alloc : memref<!tpu.dma_semaphore, #tpu.memory_space<semaphore_mem>>
        %dma_start3A_48 = arith.constant 0 : i32
        %dma_start3A_49 = tpu.memref_slice %arg5[%add3A_46, %dma_start3A_48] : memref<232x128xi32, #tpu.memory_space<vmem>> -> memref<1x128xi32, #tpu.memory_space<vmem>>
        %dma_start3A_50 = tpu.memref_squeeze %dma_start3A_49 : memref<1x128xi32, #tpu.memory_space<vmem>> -> memref<128xi32, #tpu.memory_space<vmem>>
        %dma_start3A_51 = arith.constant 0 : i32
        %dma_start3A_52 = arith.constant 0 : i32
        %dma_start3A_53 = tpu.memref_slice %arg8[%dma_start3A_51, %dma_start3A_52] : memref<10240x128xf32, #tpu.memory_space<vmem_shared>> -> memref<10240x128xf32, #tpu.memory_space<vmem_shared>>
        tpu.enqueue_indirect_dma source(%arg6 : memref<128x128xf32, #tpu.memory_space<vmem>>) target(%dma_start3A_53 : memref<10240x128xf32, #tpu.memory_space<vmem_shared>>) offsets(%dma_start3A_50 : memref<128xi32, #tpu.memory_space<vmem>>) semaphore(%run_scoped3A : memref<!tpu.dma_semaphore, #tpu.memory_space<semaphore_mem>>) {add = true}
        %dma_wait3A_54 = arith.constant 0 : i32
        %dma_wait3A_55 = tpu.memref_slice %arg5[%add3A_46, %dma_wait3A_54] : memref<232x128xi32, #tpu.memory_space<vmem>> -> memref<1x128xi32, #tpu.memory_space<vmem>>
        %dma_wait3A_56 = tpu.memref_squeeze %dma_wait3A_55 : memref<1x128xi32, #tpu.memory_space<vmem>> -> memref<128xi32, #tpu.memory_space<vmem>>
        %dma_wait3A_57 = arith.constant 0 : i32
        %dma_wait3A_58 = arith.constant 0 : i32
        %dma_wait3A_59 = tpu.memref_slice %arg8[%dma_wait3A_57, %dma_wait3A_58] : memref<10240x128xf32, #tpu.memory_space<vmem_shared>> -> memref<10240x128xf32, #tpu.memory_space<vmem_shared>>
        tpu.wait_indirect_dma semaphore(%run_scoped3A : memref<!tpu.dma_semaphore, #tpu.memory_space<semaphore_mem>>) src(%arg6 : memref<128x128xf32, #tpu.memory_space<vmem>>) dst(%dma_wait3A_59 : memref<10240x128xf32, #tpu.memory_space<vmem_shared>>)
        tpu.yield
      }) : () -> ()
      %while3A_47 = arith.constant 0 : i32
      scf.yield %while3A_47 : i32
    }
    %barrier3A_28 = arith.constant 0 : index
    tpu.barrier barrier_id(%barrier3A_28)
    %mul3A_29 = arith.constant 640 : i32
    %mul3A_30 = arith.muli %arg1, %mul3A_29 : i32
    %mul3A_31 = arith.constant 640 : i32
    %mul3A_32 = arith.muli %arg1, %mul3A_31 : i32
    "tpu.region"() ({
      %run_scoped3A = tpu.sem_alloc : memref<!tpu.dma_semaphore, #tpu.memory_space<semaphore_mem>>
      %dma_start3A = arith.constant 0 : i32
      %dma_start3A_33 = tpu.memref_slice %arg4[%arg0, %mul3A_32, %dma_start3A] : memref<2x10240x128xf32, #tpu.memory_space<hbm>> -> memref<1x640x128xf32, #tpu.memory_space<hbm>>
      %dma_start3A_34 = tpu.memref_squeeze %dma_start3A_33 : memref<1x640x128xf32, #tpu.memory_space<hbm>> -> memref<640x128xf32, #tpu.memory_space<hbm>>
      %dma_start3A_35 = arith.constant 0 : i32
      %dma_start3A_36 = tpu.memref_slice %arg8[%mul3A_30, %dma_start3A_35] : memref<10240x128xf32, #tpu.memory_space<vmem_shared>> -> memref<640x128xf32, #tpu.memory_space<vmem_shared>>
      tpu.enqueue_dma source(%dma_start3A_36 : memref<640x128xf32, #tpu.memory_space<vmem_shared>>) target(%dma_start3A_34 : memref<640x128xf32, #tpu.memory_space<hbm>>) target_semaphore(%run_scoped3A : memref<!tpu.dma_semaphore, #tpu.memory_space<semaphore_mem>>)
      %dma_wait3A = arith.constant 0 : i32
      %dma_wait3A_37 = tpu.memref_slice %arg4[%arg0, %mul3A_32, %dma_wait3A] : memref<2x10240x128xf32, #tpu.memory_space<hbm>> -> memref<1x640x128xf32, #tpu.memory_space<hbm>>
      %dma_wait3A_38 = tpu.memref_squeeze %dma_wait3A_37 : memref<1x640x128xf32, #tpu.memory_space<hbm>> -> memref<640x128xf32, #tpu.memory_space<hbm>>
      %dma_wait3A_39 = arith.constant 0 : i32
      %dma_wait3A_40 = tpu.memref_slice %arg8[%mul3A_30, %dma_wait3A_39] : memref<10240x128xf32, #tpu.memory_space<vmem_shared>> -> memref<640x128xf32, #tpu.memory_space<vmem_shared>>
      tpu.wait_dma2 semaphore(%run_scoped3A : memref<!tpu.dma_semaphore, #tpu.memory_space<semaphore_mem>>) src(%dma_wait3A_40 : memref<640x128xf32, #tpu.memory_space<vmem_shared>>) dst(%dma_wait3A_38 : memref<640x128xf32, #tpu.memory_space<hbm>>)
      tpu.yield
    }) : () -> ()
    return
  }
}

#map = affine_map<(d0, d1) -> (0, 0, 0)>
module attributes {stable_mosaic.version = 14 : i64} {
  func.func @_deg_sc(%arg0: i32, %arg1: i32, %arg2: memref<16x320x128xi32, #tpu.memory_space<hbm>>, %arg3: memref<2x10240x128xf32, #tpu.memory_space<hbm>>, %arg4: memref<160x128xi32, #tpu.memory_space<vmem>>, %arg5: memref<128x128xf32, #tpu.memory_space<vmem>>, %arg6: memref<10240x128xf32, #tpu.memory_space<vmem_shared>>) attributes {dimension_semantics = [#tpu.dimension_semantics<core_parallel>, #tpu.dimension_semantics<subcore_parallel>], iteration_bounds = array<i64: 2, 16>, scalar_prefetch = 0 : i64, scratch_operands = 3 : i64, tpu.core_type = #tpu.core_type<sc_vector_subcore>, window_params = [{transform_indices = #map}, {transform_indices = #map}]} {
    %broadcast_in_dim3A = arith.constant 0.000000e+00 : f32
    %broadcast_in_dim3A_0 = vector.broadcast %broadcast_in_dim3A : f32 to vector<16xf32>
    %scan3A = arith.constant 0 : i32
    %scan3A_1 = arith.constant 0 : i32
    %scan3A_2 = arith.constant 128 : i32
    %scan3A_3 = arith.addi %scan3A_1, %scan3A_2 : i32
    %scan3A_4 = arith.constant 1 : i32
    %scan3A_5 = scf.for %scan3A_42 = %scan3A_1 to %scan3A_3 step %scan3A_4 iter_args(%scan3A_43 = %scan3A) -> (i32)  : i32 {
      %swap3A = arith.index_cast %scan3A_42 : i32 to index
      %swap3A_44 = arith.constant 0 : index
      %swap3A_45 = tpu.vector_load %arg5[%swap3A, %swap3A_44] {strides = array<i32>} : memref<128x128xf32, #tpu.memory_space<vmem>>, vector<1x16xf32>,
      %swap3A_46 = vector.shape_cast %swap3A_45 : vector<1x16xf32> to vector<16xf32>
      %swap3A_47 = vector.shape_cast %broadcast_in_dim3A_0 : vector<16xf32> to vector<1x16xf32>
      tpu.vector_store %arg5[%swap3A, %swap3A_44], %swap3A_47 {strides = array<i32>} : memref<128x128xf32, #tpu.memory_space<vmem>>, vector<1x16xf32>,
      %swap3A_48 = arith.index_cast %scan3A_42 : i32 to index
      %swap3A_49 = arith.constant 16 : index
      %swap3A_50 = tpu.vector_load %arg5[%swap3A_48, %swap3A_49] {strides = array<i32>} : memref<128x128xf32, #tpu.memory_space<vmem>>, vector<1x16xf32>,
      %swap3A_51 = vector.shape_cast %swap3A_50 : vector<1x16xf32> to vector<16xf32>
      %swap3A_52 = vector.shape_cast %broadcast_in_dim3A_0 : vector<16xf32> to vector<1x16xf32>
      tpu.vector_store %arg5[%swap3A_48, %swap3A_49], %swap3A_52 {strides = array<i32>} : memref<128x128xf32, #tpu.memory_space<vmem>>, vector<1x16xf32>,
      %swap3A_53 = arith.index_cast %scan3A_42 : i32 to index
      %swap3A_54 = arith.constant 32 : index
      %swap3A_55 = tpu.vector_load %arg5[%swap3A_53, %swap3A_54] {strides = array<i32>} : memref<128x128xf32, #tpu.memory_space<vmem>>, vector<1x16xf32>,
      %swap3A_56 = vector.shape_cast %swap3A_55 : vector<1x16xf32> to vector<16xf32>
      %swap3A_57 = vector.shape_cast %broadcast_in_dim3A_0 : vector<16xf32> to vector<1x16xf32>
      tpu.vector_store %arg5[%swap3A_53, %swap3A_54], %swap3A_57 {strides = array<i32>} : memref<128x128xf32, #tpu.memory_space<vmem>>, vector<1x16xf32>,
      %swap3A_58 = arith.index_cast %scan3A_42 : i32 to index
      %swap3A_59 = arith.constant 48 : index
      %swap3A_60 = tpu.vector_load %arg5[%swap3A_58, %swap3A_59] {strides = array<i32>} : memref<128x128xf32, #tpu.memory_space<vmem>>, vector<1x16xf32>,
      %swap3A_61 = vector.shape_cast %swap3A_60 : vector<1x16xf32> to vector<16xf32>
      %swap3A_62 = vector.shape_cast %broadcast_in_dim3A_0 : vector<16xf32> to vector<1x16xf32>
      tpu.vector_store %arg5[%swap3A_58, %swap3A_59], %swap3A_62 {strides = array<i32>} : memref<128x128xf32, #tpu.memory_space<vmem>>, vector<1x16xf32>,
      %swap3A_63 = arith.index_cast %scan3A_42 : i32 to index
      %swap3A_64 = arith.constant 64 : index
      %swap3A_65 = tpu.vector_load %arg5[%swap3A_63, %swap3A_64] {strides = array<i32>} : memref<128x128xf32, #tpu.memory_space<vmem>>, vector<1x16xf32>,
      %swap3A_66 = vector.shape_cast %swap3A_65 : vector<1x16xf32> to vector<16xf32>
      %swap3A_67 = vector.shape_cast %broadcast_in_dim3A_0 : vector<16xf32> to vector<1x16xf32>
      tpu.vector_store %arg5[%swap3A_63, %swap3A_64], %swap3A_67 {strides = array<i32>} : memref<128x128xf32, #tpu.memory_space<vmem>>, vector<1x16xf32>,
      %swap3A_68 = arith.index_cast %scan3A_42 : i32 to index
      %swap3A_69 = arith.constant 80 : index
      %swap3A_70 = tpu.vector_load %arg5[%swap3A_68, %swap3A_69] {strides = array<i32>} : memref<128x128xf32, #tpu.memory_space<vmem>>, vector<1x16xf32>,
      %swap3A_71 = vector.shape_cast %swap3A_70 : vector<1x16xf32> to vector<16xf32>
      %swap3A_72 = vector.shape_cast %broadcast_in_dim3A_0 : vector<16xf32> to vector<1x16xf32>
      tpu.vector_store %arg5[%swap3A_68, %swap3A_69], %swap3A_72 {strides = array<i32>} : memref<128x128xf32, #tpu.memory_space<vmem>>, vector<1x16xf32>,
      %swap3A_73 = arith.index_cast %scan3A_42 : i32 to index
      %swap3A_74 = arith.constant 96 : index
      %swap3A_75 = tpu.vector_load %arg5[%swap3A_73, %swap3A_74] {strides = array<i32>} : memref<128x128xf32, #tpu.memory_space<vmem>>, vector<1x16xf32>,
      %swap3A_76 = vector.shape_cast %swap3A_75 : vector<1x16xf32> to vector<16xf32>
      %swap3A_77 = vector.shape_cast %broadcast_in_dim3A_0 : vector<16xf32> to vector<1x16xf32>
      tpu.vector_store %arg5[%swap3A_73, %swap3A_74], %swap3A_77 {strides = array<i32>} : memref<128x128xf32, #tpu.memory_space<vmem>>, vector<1x16xf32>,
      %swap3A_78 = arith.index_cast %scan3A_42 : i32 to index
      %swap3A_79 = arith.constant 112 : index
      %swap3A_80 = tpu.vector_load %arg5[%swap3A_78, %swap3A_79] {strides = array<i32>} : memref<128x128xf32, #tpu.memory_space<vmem>>, vector<1x16xf32>,
      %swap3A_81 = vector.shape_cast %swap3A_80 : vector<1x16xf32> to vector<16xf32>
      %swap3A_82 = vector.shape_cast %broadcast_in_dim3A_0 : vector<16xf32> to vector<1x16xf32>
      tpu.vector_store %arg5[%swap3A_78, %swap3A_79], %swap3A_82 {strides = array<i32>} : memref<128x128xf32, #tpu.memory_space<vmem>>, vector<1x16xf32>,
      %scan3A_83 = arith.constant 0 : i32
      scf.yield %scan3A_83 : i32
    }
    %scan3A_6 = arith.constant 128 : i32
    %scan3A_7 = arith.constant 0 : i32
    %scan3A_8 = arith.constant 0 : i32
    %scan3A_9 = arith.constant 5 : i32
    %scan3A_10 = arith.addi %scan3A_8, %scan3A_9 : i32
    %scan3A_11 = arith.constant 1 : i32
    %scan3A_12 = scf.for %scan3A_42 = %scan3A_8 to %scan3A_10 step %scan3A_11 iter_args(%scan3A_43 = %scan3A_7) -> (i32)  : i32 {
      %mul3A_44 = arith.constant 640 : i32
      %mul3A_45 = arith.muli %arg1, %mul3A_44 : i32
      %mul3A_46 = arith.constant 128 : i32
      %mul3A_47 = arith.muli %scan3A_42, %mul3A_46 : i32
      %add3A = arith.addi %mul3A_45, %mul3A_47 : i32
      "tpu.region"() ({
        %run_scoped3A = tpu.sem_alloc : memref<!tpu.dma_semaphore, #tpu.memory_space<semaphore_mem>>
        %dma_start3A = arith.constant 0 : i32
        %dma_start3A_49 = tpu.memref_slice %arg6[%add3A, %dma_start3A] : memref<10240x128xf32, #tpu.memory_space<vmem_shared>> -> memref<128x128xf32, #tpu.memory_space<vmem_shared>>
        %dma_start3A_50 = arith.constant 0 : i32
        %dma_start3A_51 = tpu.memref_slice %arg6[%add3A, %dma_start3A_50] : memref<10240x128xf32, #tpu.memory_space<vmem_shared>> -> memref<128x128xf32, #tpu.memory_space<vmem_shared>>
        tpu.enqueue_dma source(%arg5 : memref<128x128xf32, #tpu.memory_space<vmem>>) target(%dma_start3A_51 : memref<128x128xf32, #tpu.memory_space<vmem_shared>>) target_semaphore(%run_scoped3A : memref<!tpu.dma_semaphore, #tpu.memory_space<semaphore_mem>>)
        %dma_wait3A = arith.constant 0 : i32
        %dma_wait3A_52 = tpu.memref_slice %arg6[%add3A, %dma_wait3A] : memref<10240x128xf32, #tpu.memory_space<vmem_shared>> -> memref<128x128xf32, #tpu.memory_space<vmem_shared>>
        %dma_wait3A_53 = arith.constant 0 : i32
        %dma_wait3A_54 = tpu.memref_slice %arg6[%add3A, %dma_wait3A_53] : memref<10240x128xf32, #tpu.memory_space<vmem_shared>> -> memref<128x128xf32, #tpu.memory_space<vmem_shared>>
        tpu.wait_dma2 semaphore(%run_scoped3A : memref<!tpu.dma_semaphore, #tpu.memory_space<semaphore_mem>>) src(%arg5 : memref<128x128xf32, #tpu.memory_space<vmem>>) dst(%dma_wait3A_54 : memref<128x128xf32, #tpu.memory_space<vmem_shared>>)
        tpu.yield
      }) : () -> ()
      %scan3A_48 = arith.constant 0 : i32
      scf.yield %scan3A_48 : i32
    }
    %scan3A_13 = arith.constant 5 : i32
    %barrier3A = arith.constant 0 : index
    tpu.barrier barrier_id(%barrier3A)
    %broadcast_in_dim3A_14 = arith.constant 1.000000e+00 : f32
    %broadcast_in_dim3A_15 = vector.broadcast %broadcast_in_dim3A_14 : f32 to vector<16xf32>
    %scan3A_16 = arith.constant 0 : i32
    %scan3A_17 = arith.constant 0 : i32
    %scan3A_18 = arith.constant 128 : i32
    %scan3A_19 = arith.addi %scan3A_17, %scan3A_18 : i32
    %scan3A_20 = arith.constant 1 : i32
    %scan3A_21 = scf.for %scan3A_42 = %scan3A_17 to %scan3A_19 step %scan3A_20 iter_args(%scan3A_43 = %scan3A_16) -> (i32)  : i32 {
      %swap3A = arith.index_cast %scan3A_42 : i32 to index
      %swap3A_44 = arith.constant 0 : index
      %swap3A_45 = tpu.vector_load %arg5[%swap3A, %swap3A_44] {strides = array<i32>} : memref<128x128xf32, #tpu.memory_space<vmem>>, vector<1x16xf32>,
      %swap3A_46 = vector.shape_cast %swap3A_45 : vector<1x16xf32> to vector<16xf32>
      %swap3A_47 = vector.shape_cast %broadcast_in_dim3A_15 : vector<16xf32> to vector<1x16xf32>
      tpu.vector_store %arg5[%swap3A, %swap3A_44], %swap3A_47 {strides = array<i32>} : memref<128x128xf32, #tpu.memory_space<vmem>>, vector<1x16xf32>,
      %swap3A_48 = arith.index_cast %scan3A_42 : i32 to index
      %swap3A_49 = arith.constant 16 : index
      %swap3A_50 = tpu.vector_load %arg5[%swap3A_48, %swap3A_49] {strides = array<i32>} : memref<128x128xf32, #tpu.memory_space<vmem>>, vector<1x16xf32>,
      %swap3A_51 = vector.shape_cast %swap3A_50 : vector<1x16xf32> to vector<16xf32>
      %swap3A_52 = vector.shape_cast %broadcast_in_dim3A_15 : vector<16xf32> to vector<1x16xf32>
      tpu.vector_store %arg5[%swap3A_48, %swap3A_49], %swap3A_52 {strides = array<i32>} : memref<128x128xf32, #tpu.memory_space<vmem>>, vector<1x16xf32>,
      %swap3A_53 = arith.index_cast %scan3A_42 : i32 to index
      %swap3A_54 = arith.constant 32 : index
      %swap3A_55 = tpu.vector_load %arg5[%swap3A_53, %swap3A_54] {strides = array<i32>} : memref<128x128xf32, #tpu.memory_space<vmem>>, vector<1x16xf32>,
      %swap3A_56 = vector.shape_cast %swap3A_55 : vector<1x16xf32> to vector<16xf32>
      %swap3A_57 = vector.shape_cast %broadcast_in_dim3A_15 : vector<16xf32> to vector<1x16xf32>
      tpu.vector_store %arg5[%swap3A_53, %swap3A_54], %swap3A_57 {strides = array<i32>} : memref<128x128xf32, #tpu.memory_space<vmem>>, vector<1x16xf32>,
      %swap3A_58 = arith.index_cast %scan3A_42 : i32 to index
      %swap3A_59 = arith.constant 48 : index
      %swap3A_60 = tpu.vector_load %arg5[%swap3A_58, %swap3A_59] {strides = array<i32>} : memref<128x128xf32, #tpu.memory_space<vmem>>, vector<1x16xf32>,
      %swap3A_61 = vector.shape_cast %swap3A_60 : vector<1x16xf32> to vector<16xf32>
      %swap3A_62 = vector.shape_cast %broadcast_in_dim3A_15 : vector<16xf32> to vector<1x16xf32>
      tpu.vector_store %arg5[%swap3A_58, %swap3A_59], %swap3A_62 {strides = array<i32>} : memref<128x128xf32, #tpu.memory_space<vmem>>, vector<1x16xf32>,
      %swap3A_63 = arith.index_cast %scan3A_42 : i32 to index
      %swap3A_64 = arith.constant 64 : index
      %swap3A_65 = tpu.vector_load %arg5[%swap3A_63, %swap3A_64] {strides = array<i32>} : memref<128x128xf32, #tpu.memory_space<vmem>>, vector<1x16xf32>,
      %swap3A_66 = vector.shape_cast %swap3A_65 : vector<1x16xf32> to vector<16xf32>
      %swap3A_67 = vector.shape_cast %broadcast_in_dim3A_15 : vector<16xf32> to vector<1x16xf32>
      tpu.vector_store %arg5[%swap3A_63, %swap3A_64], %swap3A_67 {strides = array<i32>} : memref<128x128xf32, #tpu.memory_space<vmem>>, vector<1x16xf32>,
      %swap3A_68 = arith.index_cast %scan3A_42 : i32 to index
      %swap3A_69 = arith.constant 80 : index
      %swap3A_70 = tpu.vector_load %arg5[%swap3A_68, %swap3A_69] {strides = array<i32>} : memref<128x128xf32, #tpu.memory_space<vmem>>, vector<1x16xf32>,
      %swap3A_71 = vector.shape_cast %swap3A_70 : vector<1x16xf32> to vector<16xf32>
      %swap3A_72 = vector.shape_cast %broadcast_in_dim3A_15 : vector<16xf32> to vector<1x16xf32>
      tpu.vector_store %arg5[%swap3A_68, %swap3A_69], %swap3A_72 {strides = array<i32>} : memref<128x128xf32, #tpu.memory_space<vmem>>, vector<1x16xf32>,
      %swap3A_73 = arith.index_cast %scan3A_42 : i32 to index
      %swap3A_74 = arith.constant 96 : index
      %swap3A_75 = tpu.vector_load %arg5[%swap3A_73, %swap3A_74] {strides = array<i32>} : memref<128x128xf32, #tpu.memory_space<vmem>>, vector<1x16xf32>,
      %swap3A_76 = vector.shape_cast %swap3A_75 : vector<1x16xf32> to vector<16xf32>
      %swap3A_77 = vector.shape_cast %broadcast_in_dim3A_15 : vector<16xf32> to vector<1x16xf32>
      tpu.vector_store %arg5[%swap3A_73, %swap3A_74], %swap3A_77 {strides = array<i32>} : memref<128x128xf32, #tpu.memory_space<vmem>>, vector<1x16xf32>,
      %swap3A_78 = arith.index_cast %scan3A_42 : i32 to index
      %swap3A_79 = arith.constant 112 : index
      %swap3A_80 = tpu.vector_load %arg5[%swap3A_78, %swap3A_79] {strides = array<i32>} : memref<128x128xf32, #tpu.memory_space<vmem>>, vector<1x16xf32>,
      %swap3A_81 = vector.shape_cast %swap3A_80 : vector<1x16xf32> to vector<16xf32>
      %swap3A_82 = vector.shape_cast %broadcast_in_dim3A_15 : vector<16xf32> to vector<1x16xf32>
      tpu.vector_store %arg5[%swap3A_78, %swap3A_79], %swap3A_82 {strides = array<i32>} : memref<128x128xf32, #tpu.memory_space<vmem>>, vector<1x16xf32>,
      %scan3A_83 = arith.constant 0 : i32
      scf.yield %scan3A_83 : i32
    }
    %scan3A_22 = arith.constant 128 : i32
    %mul3A = arith.constant 80 : i32
    %mul3A_23 = arith.muli %arg0, %mul3A : i32
    %eq3A = arith.constant 0 : i32
    %eq3A_24 = arith.cmpi eq, %arg0, %eq3A : i32
    %jit3A = arith.constant 80 : i32
    %jit3A_25 = arith.constant 80 : i32
    %select_n3A = arith.select %eq3A_24, %jit3A, %jit3A_25 : i32
    "tpu.region"() ({
      %run_scoped3A = tpu.sem_alloc : memref<!tpu.dma_semaphore, #tpu.memory_space<semaphore_mem>>
      %dma_start3A = arith.constant 160 : i32
      %dma_start3A_42 = arith.constant 0 : i32
      %dma_start3A_43 = tpu.memref_slice %arg2[%arg1, %dma_start3A, %dma_start3A_42] : memref<16x320x128xi32, #tpu.memory_space<hbm>> -> memref<1x160x128xi32, #tpu.memory_space<hbm>>
      %dma_start3A_44 = tpu.memref_squeeze %dma_start3A_43 : memref<1x160x128xi32, #tpu.memory_space<hbm>> -> memref<160x128xi32, #tpu.memory_space<hbm>>
      %dma_start3A_45 = arith.constant 160 : i32
      %dma_start3A_46 = arith.constant 0 : i32
      %dma_start3A_47 = tpu.memref_slice %arg2[%arg1, %dma_start3A_45, %dma_start3A_46] : memref<16x320x128xi32, #tpu.memory_space<hbm>> -> memref<1x160x128xi32, #tpu.memory_space<hbm>>
      %dma_start3A_48 = tpu.memref_squeeze %dma_start3A_47 : memref<1x160x128xi32, #tpu.memory_space<hbm>> -> memref<160x128xi32, #tpu.memory_space<hbm>>
      tpu.enqueue_dma source(%dma_start3A_48 : memref<160x128xi32, #tpu.memory_space<hbm>>) target(%arg4 : memref<160x128xi32, #tpu.memory_space<vmem>>) target_semaphore(%run_scoped3A : memref<!tpu.dma_semaphore, #tpu.memory_space<semaphore_mem>>)
      %dma_wait3A = arith.constant 160 : i32
      %dma_wait3A_49 = arith.constant 0 : i32
      %dma_wait3A_50 = tpu.memref_slice %arg2[%arg1, %dma_wait3A, %dma_wait3A_49] : memref<16x320x128xi32, #tpu.memory_space<hbm>> -> memref<1x160x128xi32, #tpu.memory_space<hbm>>
      %dma_wait3A_51 = tpu.memref_squeeze %dma_wait3A_50 : memref<1x160x128xi32, #tpu.memory_space<hbm>> -> memref<160x128xi32, #tpu.memory_space<hbm>>
      %dma_wait3A_52 = arith.constant 160 : i32
      %dma_wait3A_53 = arith.constant 0 : i32
      %dma_wait3A_54 = tpu.memref_slice %arg2[%arg1, %dma_wait3A_52, %dma_wait3A_53] : memref<16x320x128xi32, #tpu.memory_space<hbm>> -> memref<1x160x128xi32, #tpu.memory_space<hbm>>
      %dma_wait3A_55 = tpu.memref_squeeze %dma_wait3A_54 : memref<1x160x128xi32, #tpu.memory_space<hbm>> -> memref<160x128xi32, #tpu.memory_space<hbm>>
      tpu.wait_dma2 semaphore(%run_scoped3A : memref<!tpu.dma_semaphore, #tpu.memory_space<semaphore_mem>>) src(%dma_wait3A_55 : memref<160x128xi32, #tpu.memory_space<hbm>>) dst(%arg4 : memref<160x128xi32, #tpu.memory_space<vmem>>)
      tpu.yield
    }) : () -> ()
    %while3A = arith.constant 0 : i32
    %while3A_26 = arith.constant 0 : i32
    %while3A_27 = arith.subi %select_n3A, %while3A : i32
    %while3A_28 = arith.addi %while3A, %while3A_27 : i32
    %while3A_29 = arith.constant 1 : i32
    %while3A_30 = arith.divsi %while3A_27, %while3A_29 : i32
    %while3A_31 = arith.muli %while3A_30, %while3A_29 : i32
    %while3A_32 = arith.addi %while3A, %while3A_31 : i32
    %while3A_33 = arith.constant 1 : i32
    %while3A_34 = scf.for %while3A_42 = %while3A to %while3A_32 step %while3A_33 iter_args(%while3A_43 = %while3A_26) -> (i32)  : i32 {
      %add3A = arith.addi %mul3A_23, %while3A_42 : i32
      "tpu.region"() ({
        %run_scoped3A = tpu.sem_alloc : memref<!tpu.dma_semaphore, #tpu.memory_space<semaphore_mem>>
        %dma_start3A = arith.constant 0 : i32
        %dma_start3A_45 = tpu.memref_slice %arg4[%add3A, %dma_start3A] : memref<160x128xi32, #tpu.memory_space<vmem>> -> memref<1x128xi32, #tpu.memory_space<vmem>>
        %dma_start3A_46 = tpu.memref_squeeze %dma_start3A_45 : memref<1x128xi32, #tpu.memory_space<vmem>> -> memref<128xi32, #tpu.memory_space<vmem>>
        %dma_start3A_47 = arith.constant 0 : i32
        %dma_start3A_48 = arith.constant 0 : i32
        %dma_start3A_49 = tpu.memref_slice %arg6[%dma_start3A_47, %dma_start3A_48] : memref<10240x128xf32, #tpu.memory_space<vmem_shared>> -> memref<10240x128xf32, #tpu.memory_space<vmem_shared>>
        tpu.enqueue_indirect_dma source(%arg5 : memref<128x128xf32, #tpu.memory_space<vmem>>) target(%dma_start3A_49 : memref<10240x128xf32, #tpu.memory_space<vmem_shared>>) offsets(%dma_start3A_46 : memref<128xi32, #tpu.memory_space<vmem>>) semaphore(%run_scoped3A : memref<!tpu.dma_semaphore, #tpu.memory_space<semaphore_mem>>) {add = true}
        %dma_wait3A = arith.constant 0 : i32
        %dma_wait3A_50 = tpu.memref_slice %arg4[%add3A, %dma_wait3A] : memref<160x128xi32, #tpu.memory_space<vmem>> -> memref<1x128xi32, #tpu.memory_space<vmem>>
        %dma_wait3A_51 = tpu.memref_squeeze %dma_wait3A_50 : memref<1x128xi32, #tpu.memory_space<vmem>> -> memref<128xi32, #tpu.memory_space<vmem>>
        %dma_wait3A_52 = arith.constant 0 : i32
        %dma_wait3A_53 = arith.constant 0 : i32
        %dma_wait3A_54 = tpu.memref_slice %arg6[%dma_wait3A_52, %dma_wait3A_53] : memref<10240x128xf32, #tpu.memory_space<vmem_shared>> -> memref<10240x128xf32, #tpu.memory_space<vmem_shared>>
        tpu.wait_indirect_dma semaphore(%run_scoped3A : memref<!tpu.dma_semaphore, #tpu.memory_space<semaphore_mem>>) src(%arg5 : memref<128x128xf32, #tpu.memory_space<vmem>>) dst(%dma_wait3A_54 : memref<10240x128xf32, #tpu.memory_space<vmem_shared>>)
        tpu.yield
      }) : () -> ()
      %while3A_44 = arith.constant 0 : i32
      scf.yield %while3A_44 : i32
    }
    %while3A_35 = arith.constant 1 : i32
    %while3A_36 = scf.for %while3A_42 = %while3A_32 to %while3A_28 step %while3A_35 iter_args(%while3A_43 = %while3A_34) -> (i32)  : i32 {
      %add3A = arith.addi %mul3A_23, %while3A_42 : i32
      "tpu.region"() ({
        %run_scoped3A = tpu.sem_alloc : memref<!tpu.dma_semaphore, #tpu.memory_space<semaphore_mem>>
        %dma_start3A = arith.constant 0 : i32
        %dma_start3A_45 = tpu.memref_slice %arg4[%add3A, %dma_start3A] : memref<160x128xi32, #tpu.memory_space<vmem>> -> memref<1x128xi32, #tpu.memory_space<vmem>>
        %dma_start3A_46 = tpu.memref_squeeze %dma_start3A_45 : memref<1x128xi32, #tpu.memory_space<vmem>> -> memref<128xi32, #tpu.memory_space<vmem>>
        %dma_start3A_47 = arith.constant 0 : i32
        %dma_start3A_48 = arith.constant 0 : i32
        %dma_start3A_49 = tpu.memref_slice %arg6[%dma_start3A_47, %dma_start3A_48] : memref<10240x128xf32, #tpu.memory_space<vmem_shared>> -> memref<10240x128xf32, #tpu.memory_space<vmem_shared>>
        tpu.enqueue_indirect_dma source(%arg5 : memref<128x128xf32, #tpu.memory_space<vmem>>) target(%dma_start3A_49 : memref<10240x128xf32, #tpu.memory_space<vmem_shared>>) offsets(%dma_start3A_46 : memref<128xi32, #tpu.memory_space<vmem>>) semaphore(%run_scoped3A : memref<!tpu.dma_semaphore, #tpu.memory_space<semaphore_mem>>) {add = true}
        %dma_wait3A = arith.constant 0 : i32
        %dma_wait3A_50 = tpu.memref_slice %arg4[%add3A, %dma_wait3A] : memref<160x128xi32, #tpu.memory_space<vmem>> -> memref<1x128xi32, #tpu.memory_space<vmem>>
        %dma_wait3A_51 = tpu.memref_squeeze %dma_wait3A_50 : memref<1x128xi32, #tpu.memory_space<vmem>> -> memref<128xi32, #tpu.memory_space<vmem>>
        %dma_wait3A_52 = arith.constant 0 : i32
        %dma_wait3A_53 = arith.constant 0 : i32
        %dma_wait3A_54 = tpu.memref_slice %arg6[%dma_wait3A_52, %dma_wait3A_53] : memref<10240x128xf32, #tpu.memory_space<vmem_shared>> -> memref<10240x128xf32, #tpu.memory_space<vmem_shared>>
        tpu.wait_indirect_dma semaphore(%run_scoped3A : memref<!tpu.dma_semaphore, #tpu.memory_space<semaphore_mem>>) src(%arg5 : memref<128x128xf32, #tpu.memory_space<vmem>>) dst(%dma_wait3A_54 : memref<10240x128xf32, #tpu.memory_space<vmem_shared>>)
        tpu.yield
      }) : () -> ()
      %while3A_44 = arith.constant 0 : i32
      scf.yield %while3A_44 : i32
    }
    %barrier3A_37 = arith.constant 0 : index
    tpu.barrier barrier_id(%barrier3A_37)
    %mul3A_38 = arith.constant 640 : i32
    %mul3A_39 = arith.muli %arg1, %mul3A_38 : i32
    %mul3A_40 = arith.constant 640 : i32
    %mul3A_41 = arith.muli %arg1, %mul3A_40 : i32
    "tpu.region"() ({
      %run_scoped3A = tpu.sem_alloc : memref<!tpu.dma_semaphore, #tpu.memory_space<semaphore_mem>>
      %dma_start3A = arith.constant 0 : i32
      %dma_start3A_42 = tpu.memref_slice %arg3[%arg0, %mul3A_41, %dma_start3A] : memref<2x10240x128xf32, #tpu.memory_space<hbm>> -> memref<1x640x128xf32, #tpu.memory_space<hbm>>
      %dma_start3A_43 = tpu.memref_squeeze %dma_start3A_42 : memref<1x640x128xf32, #tpu.memory_space<hbm>> -> memref<640x128xf32, #tpu.memory_space<hbm>>
      %dma_start3A_44 = arith.constant 0 : i32
      %dma_start3A_45 = tpu.memref_slice %arg6[%mul3A_39, %dma_start3A_44] : memref<10240x128xf32, #tpu.memory_space<vmem_shared>> -> memref<640x128xf32, #tpu.memory_space<vmem_shared>>
      tpu.enqueue_dma source(%dma_start3A_45 : memref<640x128xf32, #tpu.memory_space<vmem_shared>>) target(%dma_start3A_43 : memref<640x128xf32, #tpu.memory_space<hbm>>) target_semaphore(%run_scoped3A : memref<!tpu.dma_semaphore, #tpu.memory_space<semaphore_mem>>)
      %dma_wait3A = arith.constant 0 : i32
      %dma_wait3A_46 = tpu.memref_slice %arg3[%arg0, %mul3A_41, %dma_wait3A] : memref<2x10240x128xf32, #tpu.memory_space<hbm>> -> memref<1x640x128xf32, #tpu.memory_space<hbm>>
      %dma_wait3A_47 = tpu.memref_squeeze %dma_wait3A_46 : memref<1x640x128xf32, #tpu.memory_space<hbm>> -> memref<640x128xf32, #tpu.memory_space<hbm>>
      %dma_wait3A_48 = arith.constant 0 : i32
      %dma_wait3A_49 = tpu.memref_slice %arg6[%mul3A_39, %dma_wait3A_48] : memref<10240x128xf32, #tpu.memory_space<vmem_shared>> -> memref<640x128xf32, #tpu.memory_space<vmem_shared>>
      tpu.wait_dma2 semaphore(%run_scoped3A : memref<!tpu.dma_semaphore, #tpu.memory_space<semaphore_mem>>) src(%dma_wait3A_49 : memref<640x128xf32, #tpu.memory_space<vmem_shared>>) dst(%dma_wait3A_47 : memref<640x128xf32, #tpu.memory_space<hbm>>)
      tpu.yield
    }) : () -> ()
    return
  }
}

#map = affine_map<(d0, d1) -> (0, 0)>
#map1 = affine_map<(d0, d1) -> (0, 0, 0)>
module attributes {stable_mosaic.version = 14 : i64} {
  func.func @_edge_sc(%arg0: i32, %arg1: i32, %arg2: memref<10240x128xf32, #tpu.memory_space<hbm>>, %arg3: memref<32x232x128xi32, #tpu.memory_space<hbm>>, %arg4: memref<2x10240x128xf32, #tpu.memory_space<hbm>>, %arg5: memref<232x128xi32, #tpu.memory_space<vmem>>, %arg6: memref<128x128xf32, #tpu.memory_space<vmem>>, %arg7: memref<!tpu.dma_semaphore, #tpu.memory_space<semaphore_mem>>, %arg8: memref<10240x128xf32, #tpu.memory_space<vmem_shared>>) attributes {dimension_semantics = [#tpu.dimension_semantics<core_parallel>, #tpu.dimension_semantics<subcore_parallel>], iteration_bounds = array<i64: 2, 16>, scalar_prefetch = 0 : i64, scratch_operands = 4 : i64, tpu.core_type = #tpu.core_type<sc_vector_subcore>, window_params = [{transform_indices = #map}, {transform_indices = #map1}, {transform_indices = #map1}]} {
    %broadcast_in_dim3A = arith.constant 0.000000e+00 : f32
    %broadcast_in_dim3A_0 = vector.broadcast %broadcast_in_dim3A : f32 to vector<16xf32>
    %scan3A = arith.constant 0 : i32
    %scan3A_1 = arith.constant 0 : i32
    %scan3A_2 = arith.constant 128 : i32
    %scan3A_3 = arith.addi %scan3A_1, %scan3A_2 : i32
    %scan3A_4 = arith.constant 1 : i32
    %scan3A_5 = scf.for %scan3A_33 = %scan3A_1 to %scan3A_3 step %scan3A_4 iter_args(%scan3A_34 = %scan3A) -> (i32)  : i32 {
      %swap3A = arith.index_cast %scan3A_33 : i32 to index
      %swap3A_35 = arith.constant 0 : index
      %swap3A_36 = tpu.vector_load %arg6[%swap3A, %swap3A_35] {strides = array<i32>} : memref<128x128xf32, #tpu.memory_space<vmem>>, vector<1x16xf32>,
      %swap3A_37 = vector.shape_cast %swap3A_36 : vector<1x16xf32> to vector<16xf32>
      %swap3A_38 = vector.shape_cast %broadcast_in_dim3A_0 : vector<16xf32> to vector<1x16xf32>
      tpu.vector_store %arg6[%swap3A, %swap3A_35], %swap3A_38 {strides = array<i32>} : memref<128x128xf32, #tpu.memory_space<vmem>>, vector<1x16xf32>,
      %swap3A_39 = arith.index_cast %scan3A_33 : i32 to index
      %swap3A_40 = arith.constant 16 : index
      %swap3A_41 = tpu.vector_load %arg6[%swap3A_39, %swap3A_40] {strides = array<i32>} : memref<128x128xf32, #tpu.memory_space<vmem>>, vector<1x16xf32>,
      %swap3A_42 = vector.shape_cast %swap3A_41 : vector<1x16xf32> to vector<16xf32>
      %swap3A_43 = vector.shape_cast %broadcast_in_dim3A_0 : vector<16xf32> to vector<1x16xf32>
      tpu.vector_store %arg6[%swap3A_39, %swap3A_40], %swap3A_43 {strides = array<i32>} : memref<128x128xf32, #tpu.memory_space<vmem>>, vector<1x16xf32>,
      %swap3A_44 = arith.index_cast %scan3A_33 : i32 to index
      %swap3A_45 = arith.constant 32 : index
      %swap3A_46 = tpu.vector_load %arg6[%swap3A_44, %swap3A_45] {strides = array<i32>} : memref<128x128xf32, #tpu.memory_space<vmem>>, vector<1x16xf32>,
      %swap3A_47 = vector.shape_cast %swap3A_46 : vector<1x16xf32> to vector<16xf32>
      %swap3A_48 = vector.shape_cast %broadcast_in_dim3A_0 : vector<16xf32> to vector<1x16xf32>
      tpu.vector_store %arg6[%swap3A_44, %swap3A_45], %swap3A_48 {strides = array<i32>} : memref<128x128xf32, #tpu.memory_space<vmem>>, vector<1x16xf32>,
      %swap3A_49 = arith.index_cast %scan3A_33 : i32 to index
      %swap3A_50 = arith.constant 48 : index
      %swap3A_51 = tpu.vector_load %arg6[%swap3A_49, %swap3A_50] {strides = array<i32>} : memref<128x128xf32, #tpu.memory_space<vmem>>, vector<1x16xf32>,
      %swap3A_52 = vector.shape_cast %swap3A_51 : vector<1x16xf32> to vector<16xf32>
      %swap3A_53 = vector.shape_cast %broadcast_in_dim3A_0 : vector<16xf32> to vector<1x16xf32>
      tpu.vector_store %arg6[%swap3A_49, %swap3A_50], %swap3A_53 {strides = array<i32>} : memref<128x128xf32, #tpu.memory_space<vmem>>, vector<1x16xf32>,
      %swap3A_54 = arith.index_cast %scan3A_33 : i32 to index
      %swap3A_55 = arith.constant 64 : index
      %swap3A_56 = tpu.vector_load %arg6[%swap3A_54, %swap3A_55] {strides = array<i32>} : memref<128x128xf32, #tpu.memory_space<vmem>>, vector<1x16xf32>,
      %swap3A_57 = vector.shape_cast %swap3A_56 : vector<1x16xf32> to vector<16xf32>
      %swap3A_58 = vector.shape_cast %broadcast_in_dim3A_0 : vector<16xf32> to vector<1x16xf32>
      tpu.vector_store %arg6[%swap3A_54, %swap3A_55], %swap3A_58 {strides = array<i32>} : memref<128x128xf32, #tpu.memory_space<vmem>>, vector<1x16xf32>,
      %swap3A_59 = arith.index_cast %scan3A_33 : i32 to index
      %swap3A_60 = arith.constant 80 : index
      %swap3A_61 = tpu.vector_load %arg6[%swap3A_59, %swap3A_60] {strides = array<i32>} : memref<128x128xf32, #tpu.memory_space<vmem>>, vector<1x16xf32>,
      %swap3A_62 = vector.shape_cast %swap3A_61 : vector<1x16xf32> to vector<16xf32>
      %swap3A_63 = vector.shape_cast %broadcast_in_dim3A_0 : vector<16xf32> to vector<1x16xf32>
      tpu.vector_store %arg6[%swap3A_59, %swap3A_60], %swap3A_63 {strides = array<i32>} : memref<128x128xf32, #tpu.memory_space<vmem>>, vector<1x16xf32>,
      %swap3A_64 = arith.index_cast %scan3A_33 : i32 to index
      %swap3A_65 = arith.constant 96 : index
      %swap3A_66 = tpu.vector_load %arg6[%swap3A_64, %swap3A_65] {strides = array<i32>} : memref<128x128xf32, #tpu.memory_space<vmem>>, vector<1x16xf32>,
      %swap3A_67 = vector.shape_cast %swap3A_66 : vector<1x16xf32> to vector<16xf32>
      %swap3A_68 = vector.shape_cast %broadcast_in_dim3A_0 : vector<16xf32> to vector<1x16xf32>
      tpu.vector_store %arg6[%swap3A_64, %swap3A_65], %swap3A_68 {strides = array<i32>} : memref<128x128xf32, #tpu.memory_space<vmem>>, vector<1x16xf32>,
      %swap3A_69 = arith.index_cast %scan3A_33 : i32 to index
      %swap3A_70 = arith.constant 112 : index
      %swap3A_71 = tpu.vector_load %arg6[%swap3A_69, %swap3A_70] {strides = array<i32>} : memref<128x128xf32, #tpu.memory_space<vmem>>, vector<1x16xf32>,
      %swap3A_72 = vector.shape_cast %swap3A_71 : vector<1x16xf32> to vector<16xf32>
      %swap3A_73 = vector.shape_cast %broadcast_in_dim3A_0 : vector<16xf32> to vector<1x16xf32>
      tpu.vector_store %arg6[%swap3A_69, %swap3A_70], %swap3A_73 {strides = array<i32>} : memref<128x128xf32, #tpu.memory_space<vmem>>, vector<1x16xf32>,
      %scan3A_74 = arith.constant 0 : i32
      scf.yield %scan3A_74 : i32
    }
    %scan3A_6 = arith.constant 128 : i32
    %scan3A_7 = arith.constant 0 : i32
    %scan3A_8 = arith.constant 0 : i32
    %scan3A_9 = arith.constant 5 : i32
    %scan3A_10 = arith.addi %scan3A_8, %scan3A_9 : i32
    %scan3A_11 = arith.constant 1 : i32
    %scan3A_12 = scf.for %scan3A_33 = %scan3A_8 to %scan3A_10 step %scan3A_11 iter_args(%scan3A_34 = %scan3A_7) -> (i32)  : i32 {
      %mul3A_35 = arith.constant 640 : i32
      %mul3A_36 = arith.muli %arg1, %mul3A_35 : i32
      %mul3A_37 = arith.constant 128 : i32
      %mul3A_38 = arith.muli %scan3A_33, %mul3A_37 : i32
      %add3A_39 = arith.addi %mul3A_36, %mul3A_38 : i32
      "tpu.region"() ({
        %run_scoped3A = tpu.sem_alloc : memref<!tpu.dma_semaphore, #tpu.memory_space<semaphore_mem>>
        %dma_start3A = arith.constant 0 : i32
        %dma_start3A_41 = tpu.memref_slice %arg8[%add3A_39, %dma_start3A] : memref<10240x128xf32, #tpu.memory_space<vmem_shared>> -> memref<128x128xf32, #tpu.memory_space<vmem_shared>>
        %dma_start3A_42 = arith.constant 0 : i32
        %dma_start3A_43 = tpu.memref_slice %arg8[%add3A_39, %dma_start3A_42] : memref<10240x128xf32, #tpu.memory_space<vmem_shared>> -> memref<128x128xf32, #tpu.memory_space<vmem_shared>>
        tpu.enqueue_dma source(%arg6 : memref<128x128xf32, #tpu.memory_space<vmem>>) target(%dma_start3A_43 : memref<128x128xf32, #tpu.memory_space<vmem_shared>>) target_semaphore(%run_scoped3A : memref<!tpu.dma_semaphore, #tpu.memory_space<semaphore_mem>>)
        %dma_wait3A = arith.constant 0 : i32
        %dma_wait3A_44 = tpu.memref_slice %arg8[%add3A_39, %dma_wait3A] : memref<10240x128xf32, #tpu.memory_space<vmem_shared>> -> memref<128x128xf32, #tpu.memory_space<vmem_shared>>
        %dma_wait3A_45 = arith.constant 0 : i32
        %dma_wait3A_46 = tpu.memref_slice %arg8[%add3A_39, %dma_wait3A_45] : memref<10240x128xf32, #tpu.memory_space<vmem_shared>> -> memref<128x128xf32, #tpu.memory_space<vmem_shared>>
        tpu.wait_dma2 semaphore(%run_scoped3A : memref<!tpu.dma_semaphore, #tpu.memory_space<semaphore_mem>>) src(%arg6 : memref<128x128xf32, #tpu.memory_space<vmem>>) dst(%dma_wait3A_46 : memref<128x128xf32, #tpu.memory_space<vmem_shared>>)
        tpu.yield
      }) : () -> ()
      %scan3A_40 = arith.constant 0 : i32
      scf.yield %scan3A_40 : i32
    }
    %scan3A_13 = arith.constant 5 : i32
    %barrier3A = arith.constant 0 : index
    tpu.barrier barrier_id(%barrier3A)
    %mul3A = arith.constant 2 : i32
    %mul3A_14 = arith.muli %arg1, %mul3A : i32
    %add3A = arith.addi %mul3A_14, %arg0 : i32
    %eq3A = arith.constant 0 : i32
    %eq3A_15 = arith.cmpi eq, %arg0, %eq3A : i32
    %jit3A = arith.constant 116 : i32
    %jit3A_16 = arith.constant 44 : i32
    %select_n3A = arith.select %eq3A_15, %jit3A, %jit3A_16 : i32
    "tpu.region"() ({
      %run_scoped3A = tpu.sem_alloc : memref<!tpu.dma_semaphore, #tpu.memory_space<semaphore_mem>>
      %dma_start3A = arith.constant 0 : i32
      %dma_start3A_33 = arith.constant 0 : i32
      %dma_start3A_34 = tpu.memref_slice %arg3[%add3A, %dma_start3A, %dma_start3A_33] : memref<32x232x128xi32, #tpu.memory_space<hbm>> -> memref<1x232x128xi32, #tpu.memory_space<hbm>>
      %dma_start3A_35 = tpu.memref_squeeze %dma_start3A_34 : memref<1x232x128xi32, #tpu.memory_space<hbm>> -> memref<232x128xi32, #tpu.memory_space<hbm>>
      %dma_start3A_36 = arith.constant 0 : i32
      %dma_start3A_37 = arith.constant 0 : i32
      %dma_start3A_38 = tpu.memref_slice %arg3[%add3A, %dma_start3A_36, %dma_start3A_37] : memref<32x232x128xi32, #tpu.memory_space<hbm>> -> memref<1x232x128xi32, #tpu.memory_space<hbm>>
      %dma_start3A_39 = tpu.memref_squeeze %dma_start3A_38 : memref<1x232x128xi32, #tpu.memory_space<hbm>> -> memref<232x128xi32, #tpu.memory_space<hbm>>
      tpu.enqueue_dma source(%dma_start3A_39 : memref<232x128xi32, #tpu.memory_space<hbm>>) target(%arg5 : memref<232x128xi32, #tpu.memory_space<vmem>>) target_semaphore(%run_scoped3A : memref<!tpu.dma_semaphore, #tpu.memory_space<semaphore_mem>>)
      %dma_wait3A = arith.constant 0 : i32
      %dma_wait3A_40 = arith.constant 0 : i32
      %dma_wait3A_41 = tpu.memref_slice %arg3[%add3A, %dma_wait3A, %dma_wait3A_40] : memref<32x232x128xi32, #tpu.memory_space<hbm>> -> memref<1x232x128xi32, #tpu.memory_space<hbm>>
      %dma_wait3A_42 = tpu.memref_squeeze %dma_wait3A_41 : memref<1x232x128xi32, #tpu.memory_space<hbm>> -> memref<232x128xi32, #tpu.memory_space<hbm>>
      %dma_wait3A_43 = arith.constant 0 : i32
      %dma_wait3A_44 = arith.constant 0 : i32
      %dma_wait3A_45 = tpu.memref_slice %arg3[%add3A, %dma_wait3A_43, %dma_wait3A_44] : memref<32x232x128xi32, #tpu.memory_space<hbm>> -> memref<1x232x128xi32, #tpu.memory_space<hbm>>
      %dma_wait3A_46 = tpu.memref_squeeze %dma_wait3A_45 : memref<1x232x128xi32, #tpu.memory_space<hbm>> -> memref<232x128xi32, #tpu.memory_space<hbm>>
      tpu.wait_dma2 semaphore(%run_scoped3A : memref<!tpu.dma_semaphore, #tpu.memory_space<semaphore_mem>>) src(%dma_wait3A_46 : memref<232x128xi32, #tpu.memory_space<hbm>>) dst(%arg5 : memref<232x128xi32, #tpu.memory_space<vmem>>)
      tpu.yield
    }) : () -> ()
    %while3A = arith.constant 0 : i32
    %while3A_17 = arith.constant 0 : i32
    %while3A_18 = arith.subi %select_n3A, %while3A : i32
    %while3A_19 = arith.addi %while3A, %while3A_18 : i32
    %while3A_20 = arith.constant 1 : i32
    %while3A_21 = arith.divsi %while3A_18, %while3A_20 : i32
    %while3A_22 = arith.muli %while3A_21, %while3A_20 : i32
    %while3A_23 = arith.addi %while3A, %while3A_22 : i32
    %while3A_24 = arith.constant 1 : i32
    %while3A_25 = scf.for %while3A_33 = %while3A to %while3A_23 step %while3A_24 iter_args(%while3A_34 = %while3A_17) -> (i32)  : i32 {
      %dma_start3A = arith.constant 0 : i32
      %dma_start3A_35 = tpu.memref_slice %arg5[%while3A_33, %dma_start3A] : memref<232x128xi32, #tpu.memory_space<vmem>> -> memref<1x128xi32, #tpu.memory_space<vmem>>
      %dma_start3A_36 = tpu.memref_squeeze %dma_start3A_35 : memref<1x128xi32, #tpu.memory_space<vmem>> -> memref<128xi32, #tpu.memory_space<vmem>>
      %dma_start3A_37 = arith.constant 0 : i32
      %dma_start3A_38 = arith.constant 0 : i32
      %dma_start3A_39 = tpu.memref_slice %arg2[%dma_start3A_37, %dma_start3A_38] : memref<10240x128xf32, #tpu.memory_space<hbm>> -> memref<10240x128xf32, #tpu.memory_space<hbm>>
      tpu.enqueue_indirect_dma source(%dma_start3A_39 : memref<10240x128xf32, #tpu.memory_space<hbm>>) target(%arg6 : memref<128x128xf32, #tpu.memory_space<vmem>>) offsets(%dma_start3A_36 : memref<128xi32, #tpu.memory_space<vmem>>) semaphore(%arg7 : memref<!tpu.dma_semaphore, #tpu.memory_space<semaphore_mem>>)
      %dma_wait3A = arith.constant 0 : i32
      %dma_wait3A_40 = tpu.memref_slice %arg5[%while3A_33, %dma_wait3A] : memref<232x128xi32, #tpu.memory_space<vmem>> -> memref<1x128xi32, #tpu.memory_space<vmem>>
      %dma_wait3A_41 = tpu.memref_squeeze %dma_wait3A_40 : memref<1x128xi32, #tpu.memory_space<vmem>> -> memref<128xi32, #tpu.memory_space<vmem>>
      %dma_wait3A_42 = arith.constant 0 : i32
      %dma_wait3A_43 = arith.constant 0 : i32
      %dma_wait3A_44 = tpu.memref_slice %arg2[%dma_wait3A_42, %dma_wait3A_43] : memref<10240x128xf32, #tpu.memory_space<hbm>> -> memref<10240x128xf32, #tpu.memory_space<hbm>>
      tpu.wait_indirect_dma semaphore(%arg7 : memref<!tpu.dma_semaphore, #tpu.memory_space<semaphore_mem>>) src(%dma_wait3A_44 : memref<10240x128xf32, #tpu.memory_space<hbm>>) dst(%arg6 : memref<128x128xf32, #tpu.memory_space<vmem>>)
      %add3A_45 = arith.constant 116 : i32
      %add3A_46 = arith.addi %add3A_45, %while3A_33 : i32
      "tpu.region"() ({
        %run_scoped3A = tpu.sem_alloc : memref<!tpu.dma_semaphore, #tpu.memory_space<semaphore_mem>>
        %dma_start3A_48 = arith.constant 0 : i32
        %dma_start3A_49 = tpu.memref_slice %arg5[%add3A_46, %dma_start3A_48] : memref<232x128xi32, #tpu.memory_space<vmem>> -> memref<1x128xi32, #tpu.memory_space<vmem>>
        %dma_start3A_50 = tpu.memref_squeeze %dma_start3A_49 : memref<1x128xi32, #tpu.memory_space<vmem>> -> memref<128xi32, #tpu.memory_space<vmem>>
        %dma_start3A_51 = arith.constant 0 : i32
        %dma_start3A_52 = arith.constant 0 : i32
        %dma_start3A_53 = tpu.memref_slice %arg8[%dma_start3A_51, %dma_start3A_52] : memref<10240x128xf32, #tpu.memory_space<vmem_shared>> -> memref<10240x128xf32, #tpu.memory_space<vmem_shared>>
        tpu.enqueue_indirect_dma source(%arg6 : memref<128x128xf32, #tpu.memory_space<vmem>>) target(%dma_start3A_53 : memref<10240x128xf32, #tpu.memory_space<vmem_shared>>) offsets(%dma_start3A_50 : memref<128xi32, #tpu.memory_space<vmem>>) semaphore(%run_scoped3A : memref<!tpu.dma_semaphore, #tpu.memory_space<semaphore_mem>>) {add = true}
        %dma_wait3A_54 = arith.constant 0 : i32
        %dma_wait3A_55 = tpu.memref_slice %arg5[%add3A_46, %dma_wait3A_54] : memref<232x128xi32, #tpu.memory_space<vmem>> -> memref<1x128xi32, #tpu.memory_space<vmem>>
        %dma_wait3A_56 = tpu.memref_squeeze %dma_wait3A_55 : memref<1x128xi32, #tpu.memory_space<vmem>> -> memref<128xi32, #tpu.memory_space<vmem>>
        %dma_wait3A_57 = arith.constant 0 : i32
        %dma_wait3A_58 = arith.constant 0 : i32
        %dma_wait3A_59 = tpu.memref_slice %arg8[%dma_wait3A_57, %dma_wait3A_58] : memref<10240x128xf32, #tpu.memory_space<vmem_shared>> -> memref<10240x128xf32, #tpu.memory_space<vmem_shared>>
        tpu.wait_indirect_dma semaphore(%run_scoped3A : memref<!tpu.dma_semaphore, #tpu.memory_space<semaphore_mem>>) src(%arg6 : memref<128x128xf32, #tpu.memory_space<vmem>>) dst(%dma_wait3A_59 : memref<10240x128xf32, #tpu.memory_space<vmem_shared>>)
        tpu.yield
      }) : () -> ()
      %while3A_47 = arith.constant 0 : i32
      scf.yield %while3A_47 : i32
    }
    %while3A_26 = arith.constant 1 : i32
    %while3A_27 = scf.for %while3A_33 = %while3A_23 to %while3A_19 step %while3A_26 iter_args(%while3A_34 = %while3A_25) -> (i32)  : i32 {
      %dma_start3A = arith.constant 0 : i32
      %dma_start3A_35 = tpu.memref_slice %arg5[%while3A_33, %dma_start3A] : memref<232x128xi32, #tpu.memory_space<vmem>> -> memref<1x128xi32, #tpu.memory_space<vmem>>
      %dma_start3A_36 = tpu.memref_squeeze %dma_start3A_35 : memref<1x128xi32, #tpu.memory_space<vmem>> -> memref<128xi32, #tpu.memory_space<vmem>>
      %dma_start3A_37 = arith.constant 0 : i32
      %dma_start3A_38 = arith.constant 0 : i32
      %dma_start3A_39 = tpu.memref_slice %arg2[%dma_start3A_37, %dma_start3A_38] : memref<10240x128xf32, #tpu.memory_space<hbm>> -> memref<10240x128xf32, #tpu.memory_space<hbm>>
      tpu.enqueue_indirect_dma source(%dma_start3A_39 : memref<10240x128xf32, #tpu.memory_space<hbm>>) target(%arg6 : memref<128x128xf32, #tpu.memory_space<vmem>>) offsets(%dma_start3A_36 : memref<128xi32, #tpu.memory_space<vmem>>) semaphore(%arg7 : memref<!tpu.dma_semaphore, #tpu.memory_space<semaphore_mem>>)
      %dma_wait3A = arith.constant 0 : i32
      %dma_wait3A_40 = tpu.memref_slice %arg5[%while3A_33, %dma_wait3A] : memref<232x128xi32, #tpu.memory_space<vmem>> -> memref<1x128xi32, #tpu.memory_space<vmem>>
      %dma_wait3A_41 = tpu.memref_squeeze %dma_wait3A_40 : memref<1x128xi32, #tpu.memory_space<vmem>> -> memref<128xi32, #tpu.memory_space<vmem>>
      %dma_wait3A_42 = arith.constant 0 : i32
      %dma_wait3A_43 = arith.constant 0 : i32
      %dma_wait3A_44 = tpu.memref_slice %arg2[%dma_wait3A_42, %dma_wait3A_43] : memref<10240x128xf32, #tpu.memory_space<hbm>> -> memref<10240x128xf32, #tpu.memory_space<hbm>>
      tpu.wait_indirect_dma semaphore(%arg7 : memref<!tpu.dma_semaphore, #tpu.memory_space<semaphore_mem>>) src(%dma_wait3A_44 : memref<10240x128xf32, #tpu.memory_space<hbm>>) dst(%arg6 : memref<128x128xf32, #tpu.memory_space<vmem>>)
      %add3A_45 = arith.constant 116 : i32
      %add3A_46 = arith.addi %add3A_45, %while3A_33 : i32
      "tpu.region"() ({
        %run_scoped3A = tpu.sem_alloc : memref<!tpu.dma_semaphore, #tpu.memory_space<semaphore_mem>>
        %dma_start3A_48 = arith.constant 0 : i32
        %dma_start3A_49 = tpu.memref_slice %arg5[%add3A_46, %dma_start3A_48] : memref<232x128xi32, #tpu.memory_space<vmem>> -> memref<1x128xi32, #tpu.memory_space<vmem>>
        %dma_start3A_50 = tpu.memref_squeeze %dma_start3A_49 : memref<1x128xi32, #tpu.memory_space<vmem>> -> memref<128xi32, #tpu.memory_space<vmem>>
        %dma_start3A_51 = arith.constant 0 : i32
        %dma_start3A_52 = arith.constant 0 : i32
        %dma_start3A_53 = tpu.memref_slice %arg8[%dma_start3A_51, %dma_start3A_52] : memref<10240x128xf32, #tpu.memory_space<vmem_shared>> -> memref<10240x128xf32, #tpu.memory_space<vmem_shared>>
        tpu.enqueue_indirect_dma source(%arg6 : memref<128x128xf32, #tpu.memory_space<vmem>>) target(%dma_start3A_53 : memref<10240x128xf32, #tpu.memory_space<vmem_shared>>) offsets(%dma_start3A_50 : memref<128xi32, #tpu.memory_space<vmem>>) semaphore(%run_scoped3A : memref<!tpu.dma_semaphore, #tpu.memory_space<semaphore_mem>>) {add = true}
        %dma_wait3A_54 = arith.constant 0 : i32
        %dma_wait3A_55 = tpu.memref_slice %arg5[%add3A_46, %dma_wait3A_54] : memref<232x128xi32, #tpu.memory_space<vmem>> -> memref<1x128xi32, #tpu.memory_space<vmem>>
        %dma_wait3A_56 = tpu.memref_squeeze %dma_wait3A_55 : memref<1x128xi32, #tpu.memory_space<vmem>> -> memref<128xi32, #tpu.memory_space<vmem>>
        %dma_wait3A_57 = arith.constant 0 : i32
        %dma_wait3A_58 = arith.constant 0 : i32
        %dma_wait3A_59 = tpu.memref_slice %arg8[%dma_wait3A_57, %dma_wait3A_58] : memref<10240x128xf32, #tpu.memory_space<vmem_shared>> -> memref<10240x128xf32, #tpu.memory_space<vmem_shared>>
        tpu.wait_indirect_dma semaphore(%run_scoped3A : memref<!tpu.dma_semaphore, #tpu.memory_space<semaphore_mem>>) src(%arg6 : memref<128x128xf32, #tpu.memory_space<vmem>>) dst(%dma_wait3A_59 : memref<10240x128xf32, #tpu.memory_space<vmem_shared>>)
        tpu.yield
      }) : () -> ()
      %while3A_47 = arith.constant 0 : i32
      scf.yield %while3A_47 : i32
    }
    %barrier3A_28 = arith.constant 0 : index
    tpu.barrier barrier_id(%barrier3A_28)
    %mul3A_29 = arith.constant 640 : i32
    %mul3A_30 = arith.muli %arg1, %mul3A_29 : i32
    %mul3A_31 = arith.constant 640 : i32
    %mul3A_32 = arith.muli %arg1, %mul3A_31 : i32
    "tpu.region"() ({
      %run_scoped3A = tpu.sem_alloc : memref<!tpu.dma_semaphore, #tpu.memory_space<semaphore_mem>>
      %dma_start3A = arith.constant 0 : i32
      %dma_start3A_33 = tpu.memref_slice %arg4[%arg0, %mul3A_32, %dma_start3A] : memref<2x10240x128xf32, #tpu.memory_space<hbm>> -> memref<1x640x128xf32, #tpu.memory_space<hbm>>
      %dma_start3A_34 = tpu.memref_squeeze %dma_start3A_33 : memref<1x640x128xf32, #tpu.memory_space<hbm>> -> memref<640x128xf32, #tpu.memory_space<hbm>>
      %dma_start3A_35 = arith.constant 0 : i32
      %dma_start3A_36 = tpu.memref_slice %arg8[%mul3A_30, %dma_start3A_35] : memref<10240x128xf32, #tpu.memory_space<vmem_shared>> -> memref<640x128xf32, #tpu.memory_space<vmem_shared>>
      tpu.enqueue_dma source(%dma_start3A_36 : memref<640x128xf32, #tpu.memory_space<vmem_shared>>) target(%dma_start3A_34 : memref<640x128xf32, #tpu.memory_space<hbm>>) target_semaphore(%run_scoped3A : memref<!tpu.dma_semaphore, #tpu.memory_space<semaphore_mem>>)
      %dma_wait3A = arith.constant 0 : i32
      %dma_wait3A_37 = tpu.memref_slice %arg4[%arg0, %mul3A_32, %dma_wait3A] : memref<2x10240x128xf32, #tpu.memory_space<hbm>> -> memref<1x640x128xf32, #tpu.memory_space<hbm>>
      %dma_wait3A_38 = tpu.memref_squeeze %dma_wait3A_37 : memref<1x640x128xf32, #tpu.memory_space<hbm>> -> memref<640x128xf32, #tpu.memory_space<hbm>>
      %dma_wait3A_39 = arith.constant 0 : i32
      %dma_wait3A_40 = tpu.memref_slice %arg8[%mul3A_30, %dma_wait3A_39] : memref<10240x128xf32, #tpu.memory_space<vmem_shared>> -> memref<640x128xf32, #tpu.memory_space<vmem_shared>>
      tpu.wait_dma2 semaphore(%run_scoped3A : memref<!tpu.dma_semaphore, #tpu.memory_space<semaphore_mem>>) src(%dma_wait3A_40 : memref<640x128xf32, #tpu.memory_space<vmem_shared>>) dst(%dma_wait3A_38 : memref<640x128xf32, #tpu.memory_space<hbm>>)
      tpu.yield
    }) : () -> ()
    return
  }
}

#map = affine_map<(d0, d1) -> (0, 0)>
#map1 = affine_map<(d0, d1) -> (0, 0, 0)>
module attributes {stable_mosaic.version = 14 : i64} {
  func.func @_edge_sc(%arg0: i32, %arg1: i32, %arg2: memref<10240x128xf32, #tpu.memory_space<hbm>>, %arg3: memref<32x232x128xi32, #tpu.memory_space<hbm>>, %arg4: memref<2x10240x128xf32, #tpu.memory_space<hbm>>, %arg5: memref<232x128xi32, #tpu.memory_space<vmem>>, %arg6: memref<128x128xf32, #tpu.memory_space<vmem>>, %arg7: memref<!tpu.dma_semaphore, #tpu.memory_space<semaphore_mem>>, %arg8: memref<10240x128xf32, #tpu.memory_space<vmem_shared>>) attributes {dimension_semantics = [#tpu.dimension_semantics<core_parallel>, #tpu.dimension_semantics<subcore_parallel>], iteration_bounds = array<i64: 2, 16>, scalar_prefetch = 0 : i64, scratch_operands = 4 : i64, tpu.core_type = #tpu.core_type<sc_vector_subcore>, window_params = [{transform_indices = #map}, {transform_indices = #map1}, {transform_indices = #map1}]} {
    %broadcast_in_dim3A = arith.constant 0.000000e+00 : f32
    %broadcast_in_dim3A_0 = vector.broadcast %broadcast_in_dim3A : f32 to vector<16xf32>
    %scan3A = arith.constant 0 : i32
    %scan3A_1 = arith.constant 0 : i32
    %scan3A_2 = arith.constant 128 : i32
    %scan3A_3 = arith.addi %scan3A_1, %scan3A_2 : i32
    %scan3A_4 = arith.constant 1 : i32
    %scan3A_5 = scf.for %scan3A_33 = %scan3A_1 to %scan3A_3 step %scan3A_4 iter_args(%scan3A_34 = %scan3A) -> (i32)  : i32 {
      %swap3A = arith.index_cast %scan3A_33 : i32 to index
      %swap3A_35 = arith.constant 0 : index
      %swap3A_36 = tpu.vector_load %arg6[%swap3A, %swap3A_35] {strides = array<i32>} : memref<128x128xf32, #tpu.memory_space<vmem>>, vector<1x16xf32>,
      %swap3A_37 = vector.shape_cast %swap3A_36 : vector<1x16xf32> to vector<16xf32>
      %swap3A_38 = vector.shape_cast %broadcast_in_dim3A_0 : vector<16xf32> to vector<1x16xf32>
      tpu.vector_store %arg6[%swap3A, %swap3A_35], %swap3A_38 {strides = array<i32>} : memref<128x128xf32, #tpu.memory_space<vmem>>, vector<1x16xf32>,
      %swap3A_39 = arith.index_cast %scan3A_33 : i32 to index
      %swap3A_40 = arith.constant 16 : index
      %swap3A_41 = tpu.vector_load %arg6[%swap3A_39, %swap3A_40] {strides = array<i32>} : memref<128x128xf32, #tpu.memory_space<vmem>>, vector<1x16xf32>,
      %swap3A_42 = vector.shape_cast %swap3A_41 : vector<1x16xf32> to vector<16xf32>
      %swap3A_43 = vector.shape_cast %broadcast_in_dim3A_0 : vector<16xf32> to vector<1x16xf32>
      tpu.vector_store %arg6[%swap3A_39, %swap3A_40], %swap3A_43 {strides = array<i32>} : memref<128x128xf32, #tpu.memory_space<vmem>>, vector<1x16xf32>,
      %swap3A_44 = arith.index_cast %scan3A_33 : i32 to index
      %swap3A_45 = arith.constant 32 : index
      %swap3A_46 = tpu.vector_load %arg6[%swap3A_44, %swap3A_45] {strides = array<i32>} : memref<128x128xf32, #tpu.memory_space<vmem>>, vector<1x16xf32>,
      %swap3A_47 = vector.shape_cast %swap3A_46 : vector<1x16xf32> to vector<16xf32>
      %swap3A_48 = vector.shape_cast %broadcast_in_dim3A_0 : vector<16xf32> to vector<1x16xf32>
      tpu.vector_store %arg6[%swap3A_44, %swap3A_45], %swap3A_48 {strides = array<i32>} : memref<128x128xf32, #tpu.memory_space<vmem>>, vector<1x16xf32>,
      %swap3A_49 = arith.index_cast %scan3A_33 : i32 to index
      %swap3A_50 = arith.constant 48 : index
      %swap3A_51 = tpu.vector_load %arg6[%swap3A_49, %swap3A_50] {strides = array<i32>} : memref<128x128xf32, #tpu.memory_space<vmem>>, vector<1x16xf32>,
      %swap3A_52 = vector.shape_cast %swap3A_51 : vector<1x16xf32> to vector<16xf32>
      %swap3A_53 = vector.shape_cast %broadcast_in_dim3A_0 : vector<16xf32> to vector<1x16xf32>
      tpu.vector_store %arg6[%swap3A_49, %swap3A_50], %swap3A_53 {strides = array<i32>} : memref<128x128xf32, #tpu.memory_space<vmem>>, vector<1x16xf32>,
      %swap3A_54 = arith.index_cast %scan3A_33 : i32 to index
      %swap3A_55 = arith.constant 64 : index
      %swap3A_56 = tpu.vector_load %arg6[%swap3A_54, %swap3A_55] {strides = array<i32>} : memref<128x128xf32, #tpu.memory_space<vmem>>, vector<1x16xf32>,
      %swap3A_57 = vector.shape_cast %swap3A_56 : vector<1x16xf32> to vector<16xf32>
      %swap3A_58 = vector.shape_cast %broadcast_in_dim3A_0 : vector<16xf32> to vector<1x16xf32>
      tpu.vector_store %arg6[%swap3A_54, %swap3A_55], %swap3A_58 {strides = array<i32>} : memref<128x128xf32, #tpu.memory_space<vmem>>, vector<1x16xf32>,
      %swap3A_59 = arith.index_cast %scan3A_33 : i32 to index
      %swap3A_60 = arith.constant 80 : index
      %swap3A_61 = tpu.vector_load %arg6[%swap3A_59, %swap3A_60] {strides = array<i32>} : memref<128x128xf32, #tpu.memory_space<vmem>>, vector<1x16xf32>,
      %swap3A_62 = vector.shape_cast %swap3A_61 : vector<1x16xf32> to vector<16xf32>
      %swap3A_63 = vector.shape_cast %broadcast_in_dim3A_0 : vector<16xf32> to vector<1x16xf32>
      tpu.vector_store %arg6[%swap3A_59, %swap3A_60], %swap3A_63 {strides = array<i32>} : memref<128x128xf32, #tpu.memory_space<vmem>>, vector<1x16xf32>,
      %swap3A_64 = arith.index_cast %scan3A_33 : i32 to index
      %swap3A_65 = arith.constant 96 : index
      %swap3A_66 = tpu.vector_load %arg6[%swap3A_64, %swap3A_65] {strides = array<i32>} : memref<128x128xf32, #tpu.memory_space<vmem>>, vector<1x16xf32>,
      %swap3A_67 = vector.shape_cast %swap3A_66 : vector<1x16xf32> to vector<16xf32>
      %swap3A_68 = vector.shape_cast %broadcast_in_dim3A_0 : vector<16xf32> to vector<1x16xf32>
      tpu.vector_store %arg6[%swap3A_64, %swap3A_65], %swap3A_68 {strides = array<i32>} : memref<128x128xf32, #tpu.memory_space<vmem>>, vector<1x16xf32>,
      %swap3A_69 = arith.index_cast %scan3A_33 : i32 to index
      %swap3A_70 = arith.constant 112 : index
      %swap3A_71 = tpu.vector_load %arg6[%swap3A_69, %swap3A_70] {strides = array<i32>} : memref<128x128xf32, #tpu.memory_space<vmem>>, vector<1x16xf32>,
      %swap3A_72 = vector.shape_cast %swap3A_71 : vector<1x16xf32> to vector<16xf32>
      %swap3A_73 = vector.shape_cast %broadcast_in_dim3A_0 : vector<16xf32> to vector<1x16xf32>
      tpu.vector_store %arg6[%swap3A_69, %swap3A_70], %swap3A_73 {strides = array<i32>} : memref<128x128xf32, #tpu.memory_space<vmem>>, vector<1x16xf32>,
      %scan3A_74 = arith.constant 0 : i32
      scf.yield %scan3A_74 : i32
    }
    %scan3A_6 = arith.constant 128 : i32
    %scan3A_7 = arith.constant 0 : i32
    %scan3A_8 = arith.constant 0 : i32
    %scan3A_9 = arith.constant 5 : i32
    %scan3A_10 = arith.addi %scan3A_8, %scan3A_9 : i32
    %scan3A_11 = arith.constant 1 : i32
    %scan3A_12 = scf.for %scan3A_33 = %scan3A_8 to %scan3A_10 step %scan3A_11 iter_args(%scan3A_34 = %scan3A_7) -> (i32)  : i32 {
      %mul3A_35 = arith.constant 640 : i32
      %mul3A_36 = arith.muli %arg1, %mul3A_35 : i32
      %mul3A_37 = arith.constant 128 : i32
      %mul3A_38 = arith.muli %scan3A_33, %mul3A_37 : i32
      %add3A_39 = arith.addi %mul3A_36, %mul3A_38 : i32
      "tpu.region"() ({
        %run_scoped3A = tpu.sem_alloc : memref<!tpu.dma_semaphore, #tpu.memory_space<semaphore_mem>>
        %dma_start3A = arith.constant 0 : i32
        %dma_start3A_41 = tpu.memref_slice %arg8[%add3A_39, %dma_start3A] : memref<10240x128xf32, #tpu.memory_space<vmem_shared>> -> memref<128x128xf32, #tpu.memory_space<vmem_shared>>
        %dma_start3A_42 = arith.constant 0 : i32
        %dma_start3A_43 = tpu.memref_slice %arg8[%add3A_39, %dma_start3A_42] : memref<10240x128xf32, #tpu.memory_space<vmem_shared>> -> memref<128x128xf32, #tpu.memory_space<vmem_shared>>
        tpu.enqueue_dma source(%arg6 : memref<128x128xf32, #tpu.memory_space<vmem>>) target(%dma_start3A_43 : memref<128x128xf32, #tpu.memory_space<vmem_shared>>) target_semaphore(%run_scoped3A : memref<!tpu.dma_semaphore, #tpu.memory_space<semaphore_mem>>)
        %dma_wait3A = arith.constant 0 : i32
        %dma_wait3A_44 = tpu.memref_slice %arg8[%add3A_39, %dma_wait3A] : memref<10240x128xf32, #tpu.memory_space<vmem_shared>> -> memref<128x128xf32, #tpu.memory_space<vmem_shared>>
        %dma_wait3A_45 = arith.constant 0 : i32
        %dma_wait3A_46 = tpu.memref_slice %arg8[%add3A_39, %dma_wait3A_45] : memref<10240x128xf32, #tpu.memory_space<vmem_shared>> -> memref<128x128xf32, #tpu.memory_space<vmem_shared>>
        tpu.wait_dma2 semaphore(%run_scoped3A : memref<!tpu.dma_semaphore, #tpu.memory_space<semaphore_mem>>) src(%arg6 : memref<128x128xf32, #tpu.memory_space<vmem>>) dst(%dma_wait3A_46 : memref<128x128xf32, #tpu.memory_space<vmem_shared>>)
        tpu.yield
      }) : () -> ()
      %scan3A_40 = arith.constant 0 : i32
      scf.yield %scan3A_40 : i32
    }
    %scan3A_13 = arith.constant 5 : i32
    %barrier3A = arith.constant 0 : index
    tpu.barrier barrier_id(%barrier3A)
    %mul3A = arith.constant 2 : i32
    %mul3A_14 = arith.muli %arg1, %mul3A : i32
    %add3A = arith.addi %mul3A_14, %arg0 : i32
    %eq3A = arith.constant 0 : i32
    %eq3A_15 = arith.cmpi eq, %arg0, %eq3A : i32
    %jit3A = arith.constant 116 : i32
    %jit3A_16 = arith.constant 44 : i32
    %select_n3A = arith.select %eq3A_15, %jit3A, %jit3A_16 : i32
    "tpu.region"() ({
      %run_scoped3A = tpu.sem_alloc : memref<!tpu.dma_semaphore, #tpu.memory_space<semaphore_mem>>
      %dma_start3A = arith.constant 0 : i32
      %dma_start3A_33 = arith.constant 0 : i32
      %dma_start3A_34 = tpu.memref_slice %arg3[%add3A, %dma_start3A, %dma_start3A_33] : memref<32x232x128xi32, #tpu.memory_space<hbm>> -> memref<1x232x128xi32, #tpu.memory_space<hbm>>
      %dma_start3A_35 = tpu.memref_squeeze %dma_start3A_34 : memref<1x232x128xi32, #tpu.memory_space<hbm>> -> memref<232x128xi32, #tpu.memory_space<hbm>>
      %dma_start3A_36 = arith.constant 0 : i32
      %dma_start3A_37 = arith.constant 0 : i32
      %dma_start3A_38 = tpu.memref_slice %arg3[%add3A, %dma_start3A_36, %dma_start3A_37] : memref<32x232x128xi32, #tpu.memory_space<hbm>> -> memref<1x232x128xi32, #tpu.memory_space<hbm>>
      %dma_start3A_39 = tpu.memref_squeeze %dma_start3A_38 : memref<1x232x128xi32, #tpu.memory_space<hbm>> -> memref<232x128xi32, #tpu.memory_space<hbm>>
      tpu.enqueue_dma source(%dma_start3A_39 : memref<232x128xi32, #tpu.memory_space<hbm>>) target(%arg5 : memref<232x128xi32, #tpu.memory_space<vmem>>) target_semaphore(%run_scoped3A : memref<!tpu.dma_semaphore, #tpu.memory_space<semaphore_mem>>)
      %dma_wait3A = arith.constant 0 : i32
      %dma_wait3A_40 = arith.constant 0 : i32
      %dma_wait3A_41 = tpu.memref_slice %arg3[%add3A, %dma_wait3A, %dma_wait3A_40] : memref<32x232x128xi32, #tpu.memory_space<hbm>> -> memref<1x232x128xi32, #tpu.memory_space<hbm>>
      %dma_wait3A_42 = tpu.memref_squeeze %dma_wait3A_41 : memref<1x232x128xi32, #tpu.memory_space<hbm>> -> memref<232x128xi32, #tpu.memory_space<hbm>>
      %dma_wait3A_43 = arith.constant 0 : i32
      %dma_wait3A_44 = arith.constant 0 : i32
      %dma_wait3A_45 = tpu.memref_slice %arg3[%add3A, %dma_wait3A_43, %dma_wait3A_44] : memref<32x232x128xi32, #tpu.memory_space<hbm>> -> memref<1x232x128xi32, #tpu.memory_space<hbm>>
      %dma_wait3A_46 = tpu.memref_squeeze %dma_wait3A_45 : memref<1x232x128xi32, #tpu.memory_space<hbm>> -> memref<232x128xi32, #tpu.memory_space<hbm>>
      tpu.wait_dma2 semaphore(%run_scoped3A : memref<!tpu.dma_semaphore, #tpu.memory_space<semaphore_mem>>) src(%dma_wait3A_46 : memref<232x128xi32, #tpu.memory_space<hbm>>) dst(%arg5 : memref<232x128xi32, #tpu.memory_space<vmem>>)
      tpu.yield
    }) : () -> ()
    %while3A = arith.constant 0 : i32
    %while3A_17 = arith.constant 0 : i32
    %while3A_18 = arith.subi %select_n3A, %while3A : i32
    %while3A_19 = arith.addi %while3A, %while3A_18 : i32
    %while3A_20 = arith.constant 1 : i32
    %while3A_21 = arith.divsi %while3A_18, %while3A_20 : i32
    %while3A_22 = arith.muli %while3A_21, %while3A_20 : i32
    %while3A_23 = arith.addi %while3A, %while3A_22 : i32
    %while3A_24 = arith.constant 1 : i32
    %while3A_25 = scf.for %while3A_33 = %while3A to %while3A_23 step %while3A_24 iter_args(%while3A_34 = %while3A_17) -> (i32)  : i32 {
      %dma_start3A = arith.constant 0 : i32
      %dma_start3A_35 = tpu.memref_slice %arg5[%while3A_33, %dma_start3A] : memref<232x128xi32, #tpu.memory_space<vmem>> -> memref<1x128xi32, #tpu.memory_space<vmem>>
      %dma_start3A_36 = tpu.memref_squeeze %dma_start3A_35 : memref<1x128xi32, #tpu.memory_space<vmem>> -> memref<128xi32, #tpu.memory_space<vmem>>
      %dma_start3A_37 = arith.constant 0 : i32
      %dma_start3A_38 = arith.constant 0 : i32
      %dma_start3A_39 = tpu.memref_slice %arg2[%dma_start3A_37, %dma_start3A_38] : memref<10240x128xf32, #tpu.memory_space<hbm>> -> memref<10240x128xf32, #tpu.memory_space<hbm>>
      tpu.enqueue_indirect_dma source(%dma_start3A_39 : memref<10240x128xf32, #tpu.memory_space<hbm>>) target(%arg6 : memref<128x128xf32, #tpu.memory_space<vmem>>) offsets(%dma_start3A_36 : memref<128xi32, #tpu.memory_space<vmem>>) semaphore(%arg7 : memref<!tpu.dma_semaphore, #tpu.memory_space<semaphore_mem>>)
      %dma_wait3A = arith.constant 0 : i32
      %dma_wait3A_40 = tpu.memref_slice %arg5[%while3A_33, %dma_wait3A] : memref<232x128xi32, #tpu.memory_space<vmem>> -> memref<1x128xi32, #tpu.memory_space<vmem>>
      %dma_wait3A_41 = tpu.memref_squeeze %dma_wait3A_40 : memref<1x128xi32, #tpu.memory_space<vmem>> -> memref<128xi32, #tpu.memory_space<vmem>>
      %dma_wait3A_42 = arith.constant 0 : i32
      %dma_wait3A_43 = arith.constant 0 : i32
      %dma_wait3A_44 = tpu.memref_slice %arg2[%dma_wait3A_42, %dma_wait3A_43] : memref<10240x128xf32, #tpu.memory_space<hbm>> -> memref<10240x128xf32, #tpu.memory_space<hbm>>
      tpu.wait_indirect_dma semaphore(%arg7 : memref<!tpu.dma_semaphore, #tpu.memory_space<semaphore_mem>>) src(%dma_wait3A_44 : memref<10240x128xf32, #tpu.memory_space<hbm>>) dst(%arg6 : memref<128x128xf32, #tpu.memory_space<vmem>>)
      %add3A_45 = arith.constant 116 : i32
      %add3A_46 = arith.addi %add3A_45, %while3A_33 : i32
      "tpu.region"() ({
        %run_scoped3A = tpu.sem_alloc : memref<!tpu.dma_semaphore, #tpu.memory_space<semaphore_mem>>
        %dma_start3A_48 = arith.constant 0 : i32
        %dma_start3A_49 = tpu.memref_slice %arg5[%add3A_46, %dma_start3A_48] : memref<232x128xi32, #tpu.memory_space<vmem>> -> memref<1x128xi32, #tpu.memory_space<vmem>>
        %dma_start3A_50 = tpu.memref_squeeze %dma_start3A_49 : memref<1x128xi32, #tpu.memory_space<vmem>> -> memref<128xi32, #tpu.memory_space<vmem>>
        %dma_start3A_51 = arith.constant 0 : i32
        %dma_start3A_52 = arith.constant 0 : i32
        %dma_start3A_53 = tpu.memref_slice %arg8[%dma_start3A_51, %dma_start3A_52] : memref<10240x128xf32, #tpu.memory_space<vmem_shared>> -> memref<10240x128xf32, #tpu.memory_space<vmem_shared>>
        tpu.enqueue_indirect_dma source(%arg6 : memref<128x128xf32, #tpu.memory_space<vmem>>) target(%dma_start3A_53 : memref<10240x128xf32, #tpu.memory_space<vmem_shared>>) offsets(%dma_start3A_50 : memref<128xi32, #tpu.memory_space<vmem>>) semaphore(%run_scoped3A : memref<!tpu.dma_semaphore, #tpu.memory_space<semaphore_mem>>) {add = true}
        %dma_wait3A_54 = arith.constant 0 : i32
        %dma_wait3A_55 = tpu.memref_slice %arg5[%add3A_46, %dma_wait3A_54] : memref<232x128xi32, #tpu.memory_space<vmem>> -> memref<1x128xi32, #tpu.memory_space<vmem>>
        %dma_wait3A_56 = tpu.memref_squeeze %dma_wait3A_55 : memref<1x128xi32, #tpu.memory_space<vmem>> -> memref<128xi32, #tpu.memory_space<vmem>>
        %dma_wait3A_57 = arith.constant 0 : i32
        %dma_wait3A_58 = arith.constant 0 : i32
        %dma_wait3A_59 = tpu.memref_slice %arg8[%dma_wait3A_57, %dma_wait3A_58] : memref<10240x128xf32, #tpu.memory_space<vmem_shared>> -> memref<10240x128xf32, #tpu.memory_space<vmem_shared>>
        tpu.wait_indirect_dma semaphore(%run_scoped3A : memref<!tpu.dma_semaphore, #tpu.memory_space<semaphore_mem>>) src(%arg6 : memref<128x128xf32, #tpu.memory_space<vmem>>) dst(%dma_wait3A_59 : memref<10240x128xf32, #tpu.memory_space<vmem_shared>>)
        tpu.yield
      }) : () -> ()
      %while3A_47 = arith.constant 0 : i32
      scf.yield %while3A_47 : i32
    }
    %while3A_26 = arith.constant 1 : i32
    %while3A_27 = scf.for %while3A_33 = %while3A_23 to %while3A_19 step %while3A_26 iter_args(%while3A_34 = %while3A_25) -> (i32)  : i32 {
      %dma_start3A = arith.constant 0 : i32
      %dma_start3A_35 = tpu.memref_slice %arg5[%while3A_33, %dma_start3A] : memref<232x128xi32, #tpu.memory_space<vmem>> -> memref<1x128xi32, #tpu.memory_space<vmem>>
      %dma_start3A_36 = tpu.memref_squeeze %dma_start3A_35 : memref<1x128xi32, #tpu.memory_space<vmem>> -> memref<128xi32, #tpu.memory_space<vmem>>
      %dma_start3A_37 = arith.constant 0 : i32
      %dma_start3A_38 = arith.constant 0 : i32
      %dma_start3A_39 = tpu.memref_slice %arg2[%dma_start3A_37, %dma_start3A_38] : memref<10240x128xf32, #tpu.memory_space<hbm>> -> memref<10240x128xf32, #tpu.memory_space<hbm>>
      tpu.enqueue_indirect_dma source(%dma_start3A_39 : memref<10240x128xf32, #tpu.memory_space<hbm>>) target(%arg6 : memref<128x128xf32, #tpu.memory_space<vmem>>) offsets(%dma_start3A_36 : memref<128xi32, #tpu.memory_space<vmem>>) semaphore(%arg7 : memref<!tpu.dma_semaphore, #tpu.memory_space<semaphore_mem>>)
      %dma_wait3A = arith.constant 0 : i32
      %dma_wait3A_40 = tpu.memref_slice %arg5[%while3A_33, %dma_wait3A] : memref<232x128xi32, #tpu.memory_space<vmem>> -> memref<1x128xi32, #tpu.memory_space<vmem>>
      %dma_wait3A_41 = tpu.memref_squeeze %dma_wait3A_40 : memref<1x128xi32, #tpu.memory_space<vmem>> -> memref<128xi32, #tpu.memory_space<vmem>>
      %dma_wait3A_42 = arith.constant 0 : i32
      %dma_wait3A_43 = arith.constant 0 : i32
      %dma_wait3A_44 = tpu.memref_slice %arg2[%dma_wait3A_42, %dma_wait3A_43] : memref<10240x128xf32, #tpu.memory_space<hbm>> -> memref<10240x128xf32, #tpu.memory_space<hbm>>
      tpu.wait_indirect_dma semaphore(%arg7 : memref<!tpu.dma_semaphore, #tpu.memory_space<semaphore_mem>>) src(%dma_wait3A_44 : memref<10240x128xf32, #tpu.memory_space<hbm>>) dst(%arg6 : memref<128x128xf32, #tpu.memory_space<vmem>>)
      %add3A_45 = arith.constant 116 : i32
      %add3A_46 = arith.addi %add3A_45, %while3A_33 : i32
      "tpu.region"() ({
        %run_scoped3A = tpu.sem_alloc : memref<!tpu.dma_semaphore, #tpu.memory_space<semaphore_mem>>
        %dma_start3A_48 = arith.constant 0 : i32
        %dma_start3A_49 = tpu.memref_slice %arg5[%add3A_46, %dma_start3A_48] : memref<232x128xi32, #tpu.memory_space<vmem>> -> memref<1x128xi32, #tpu.memory_space<vmem>>
        %dma_start3A_50 = tpu.memref_squeeze %dma_start3A_49 : memref<1x128xi32, #tpu.memory_space<vmem>> -> memref<128xi32, #tpu.memory_space<vmem>>
        %dma_start3A_51 = arith.constant 0 : i32
        %dma_start3A_52 = arith.constant 0 : i32
        %dma_start3A_53 = tpu.memref_slice %arg8[%dma_start3A_51, %dma_start3A_52] : memref<10240x128xf32, #tpu.memory_space<vmem_shared>> -> memref<10240x128xf32, #tpu.memory_space<vmem_shared>>
        tpu.enqueue_indirect_dma source(%arg6 : memref<128x128xf32, #tpu.memory_space<vmem>>) target(%dma_start3A_53 : memref<10240x128xf32, #tpu.memory_space<vmem_shared>>) offsets(%dma_start3A_50 : memref<128xi32, #tpu.memory_space<vmem>>) semaphore(%run_scoped3A : memref<!tpu.dma_semaphore, #tpu.memory_space<semaphore_mem>>) {add = true}
        %dma_wait3A_54 = arith.constant 0 : i32
        %dma_wait3A_55 = tpu.memref_slice %arg5[%add3A_46, %dma_wait3A_54] : memref<232x128xi32, #tpu.memory_space<vmem>> -> memref<1x128xi32, #tpu.memory_space<vmem>>
        %dma_wait3A_56 = tpu.memref_squeeze %dma_wait3A_55 : memref<1x128xi32, #tpu.memory_space<vmem>> -> memref<128xi32, #tpu.memory_space<vmem>>
        %dma_wait3A_57 = arith.constant 0 : i32
        %dma_wait3A_58 = arith.constant 0 : i32
        %dma_wait3A_59 = tpu.memref_slice %arg8[%dma_wait3A_57, %dma_wait3A_58] : memref<10240x128xf32, #tpu.memory_space<vmem_shared>> -> memref<10240x128xf32, #tpu.memory_space<vmem_shared>>
        tpu.wait_indirect_dma semaphore(%run_scoped3A : memref<!tpu.dma_semaphore, #tpu.memory_space<semaphore_mem>>) src(%arg6 : memref<128x128xf32, #tpu.memory_space<vmem>>) dst(%dma_wait3A_59 : memref<10240x128xf32, #tpu.memory_space<vmem_shared>>)
        tpu.yield
      }) : () -> ()
      %while3A_47 = arith.constant 0 : i32
      scf.yield %while3A_47 : i32
    }
    %barrier3A_28 = arith.constant 0 : index
    tpu.barrier barrier_id(%barrier3A_28)
    %mul3A_29 = arith.constant 640 : i32
    %mul3A_30 = arith.muli %arg1, %mul3A_29 : i32
    %mul3A_31 = arith.constant 640 : i32
    %mul3A_32 = arith.muli %arg1, %mul3A_31 : i32
    "tpu.region"() ({
      %run_scoped3A = tpu.sem_alloc : memref<!tpu.dma_semaphore, #tpu.memory_space<semaphore_mem>>
      %dma_start3A = arith.constant 0 : i32
      %dma_start3A_33 = tpu.memref_slice %arg4[%arg0, %mul3A_32, %dma_start3A] : memref<2x10240x128xf32, #tpu.memory_space<hbm>> -> memref<1x640x128xf32, #tpu.memory_space<hbm>>
      %dma_start3A_34 = tpu.memref_squeeze %dma_start3A_33 : memref<1x640x128xf32, #tpu.memory_space<hbm>> -> memref<640x128xf32, #tpu.memory_space<hbm>>
      %dma_start3A_35 = arith.constant 0 : i32
      %dma_start3A_36 = tpu.memref_slice %arg8[%mul3A_30, %dma_start3A_35] : memref<10240x128xf32, #tpu.memory_space<vmem_shared>> -> memref<640x128xf32, #tpu.memory_space<vmem_shared>>
      tpu.enqueue_dma source(%dma_start3A_36 : memref<640x128xf32, #tpu.memory_space<vmem_shared>>) target(%dma_start3A_34 : memref<640x128xf32, #tpu.memory_space<hbm>>) target_semaphore(%run_scoped3A : memref<!tpu.dma_semaphore, #tpu.memory_space<semaphore_mem>>)
      %dma_wait3A = arith.constant 0 : i32
      %dma_wait3A_37 = tpu.memref_slice %arg4[%arg0, %mul3A_32, %dma_wait3A] : memref<2x10240x128xf32, #tpu.memory_space<hbm>> -> memref<1x640x128xf32, #tpu.memory_space<hbm>>
      %dma_wait3A_38 = tpu.memref_squeeze %dma_wait3A_37 : memref<1x640x128xf32, #tpu.memory_space<hbm>> -> memref<640x128xf32, #tpu.memory_space<hbm>>
      %dma_wait3A_39 = arith.constant 0 : i32
      %dma_wait3A_40 = tpu.memref_slice %arg8[%mul3A_30, %dma_wait3A_39] : memref<10240x128xf32, #tpu.memory_space<vmem_shared>> -> memref<640x128xf32, #tpu.memory_space<vmem_shared>>
      tpu.wait_dma2 semaphore(%run_scoped3A : memref<!tpu.dma_semaphore, #tpu.memory_space<semaphore_mem>>) src(%dma_wait3A_40 : memref<640x128xf32, #tpu.memory_space<vmem_shared>>) dst(%dma_wait3A_38 : memref<640x128xf32, #tpu.memory_space<hbm>>)
      tpu.yield
    }) : () -> ()
    return
  }
}

module attributes {stable_mosaic.version = 14 : i64} {
  func.func @_p1a_body(%arg0: i32, %arg1: memref<2048x128xf32, #tpu.memory_space<vmem>>, %arg2: memref<128x128xf32, #tpu.memory_space<vmem>>, %arg3: memref<2048x128xf32, #tpu.memory_space<vmem>>) attributes {dimension_semantics = [#tpu.dimension_semantics<arbitrary>], iteration_bounds = array<i64: 5>, scalar_prefetch = 0 : i64, scratch_operands = 0 : i64, tpu.core_type = #tpu.core_type<tc>, window_params = [{transform_indices = @transform_0, window_bounds = array<i64: 2048, 128>}, {pipeline_mode = #tpu.pipeline_mode<synchronous>, transform_indices = @transform_1, window_bounds = array<i64: 128, 128>}, {transform_indices = @transform_2, window_bounds = array<i64: 2048, 128>}]} {
    %get3A = arith.constant 0 : index
    %get3A_0 = arith.constant 0 : index
    %get3A_1 = vector.load %arg1[%get3A, %get3A_0] : memref<2048x128xf32, #tpu.memory_space<vmem>>, vector<2048x128xf32>
    %get3A_2 = arith.constant 0 : index
    %get3A_3 = arith.constant 0 : index
    %get3A_4 = vector.load %arg2[%get3A_2, %get3A_3] : memref<128x128xf32, #tpu.memory_space<vmem>>, vector<128x128xf32>
    %dot_general3A = arith.constant dense<0.000000e+00> : vector<2048x128xf32>
    %dot_general3A_5 = tpu.matmul %get3A_1, %get3A_4, %dot_general3A {dimension_numbers = #tpu.dot_dimension_numbers<[1], [0], [0], [1], [0, 0, 1, 1], [], []>, precision = #tpu.contract_precision<fp32>, transpose_lhs_hint = false} : vector<2048x128xf32>, vector<128x128xf32>, vector<2048x128xf32> -> vector<2048x128xf32>
    %swap3A = arith.constant 0 : index
    %swap3A_6 = arith.constant 0 : index
    %swap3A_7 = vector.load %arg3[%swap3A, %swap3A_6] : memref<2048x128xf32, #tpu.memory_space<vmem>>, vector<2048x128xf32>
    tpu.vector_store %arg3[%swap3A, %swap3A_6], %dot_general3A_5 {strides = array<i32>} : memref<2048x128xf32, #tpu.memory_space<vmem>>, vector<2048x128xf32>,
    return
  }
  func.func @transform_0(%arg0: i32) -> (i32, i32) {
    %c0_i32 = arith.constant 0 : i32
    %c0_i32_0 = arith.constant 0 : i32
    return %arg0, %c0_i32 : i32, i32
  }
  func.func @transform_1(%arg0: i32) -> (i32, i32) {
    %c0_i32 = arith.constant 0 : i32
    %c0_i32_0 = arith.constant 0 : i32
    %c0_i32_1 = arith.constant 0 : i32
    return %c0_i32, %c0_i32_0 : i32, i32
  }
  func.func @transform_2(%arg0: i32) -> (i32, i32) {
    %c0_i32 = arith.constant 0 : i32
    %c0_i32_0 = arith.constant 0 : i32
    return %arg0, %c0_i32 : i32, i32
  }
}

module attributes {stable_mosaic.version = 14 : i64} {
  func.func @_p1b_body(%arg0: i32, %arg1: memref<2048x128xf32, #tpu.memory_space<vmem>>, %arg2: memref<2048x1xf32, #tpu.memory_space<vmem>>, %arg3: memref<2048x1xf32, #tpu.memory_space<vmem>>, %arg4: memref<2048x128xf32, #tpu.memory_space<vmem>>) attributes {dimension_semantics = [#tpu.dimension_semantics<arbitrary>], iteration_bounds = array<i64: 5>, scalar_prefetch = 0 : i64, scratch_operands = 0 : i64, tpu.core_type = #tpu.core_type<tc>, window_params = [{transform_indices = @transform_0, window_bounds = array<i64: 2048, 128>}, {transform_indices = @transform_1, window_bounds = array<i64: 2048, 1>}, {transform_indices = @transform_2, window_bounds = array<i64: 2048, 1>}, {transform_indices = @transform_3, window_bounds = array<i64: 2048, 128>}]} {
    %get3A = arith.constant 0 : index
    %get3A_0 = arith.constant 0 : index
    %get3A_1 = vector.load %arg1[%get3A, %get3A_0] : memref<2048x128xf32, #tpu.memory_space<vmem>>, vector<2048x128xf32>
    %get3A_2 = arith.constant 0 : index
    %get3A_3 = arith.constant 0 : index
    %get3A_4 = vector.load %arg2[%get3A_2, %get3A_3] : memref<2048x1xf32, #tpu.memory_space<vmem>>, vector<2048x1xf32>
    %get3A_5 = arith.constant 0 : index
    %get3A_6 = arith.constant 0 : index
    %get3A_7 = vector.load %arg3[%get3A_5, %get3A_6] : memref<2048x1xf32, #tpu.memory_space<vmem>>, vector<2048x1xf32>
    %add3A = arith.addf %get3A_4, %get3A_7 : vector<2048x1xf32>
    %add3A_8 = arith.constant 1.000000e+00 : f32
    %add3A_9 = vector.broadcast %add3A_8 : f32 to vector<2048x1xf32>
    %add3A_10 = arith.addf %add3A, %add3A_9 : vector<2048x1xf32>
    %rsqrt3A = math.rsqrt %add3A_10 : vector<2048x1xf32>
    %mul3A = vector.broadcast %rsqrt3A : vector<2048x1xf32> to vector<2048x128xf32>
    %mul3A_11 = arith.mulf %get3A_1, %mul3A : vector<2048x128xf32>
    %swap3A = arith.constant 0 : index
    %swap3A_12 = arith.constant 0 : index
    %swap3A_13 = vector.load %arg4[%swap3A, %swap3A_12] : memref<2048x128xf32, #tpu.memory_space<vmem>>, vector<2048x128xf32>
    tpu.vector_store %arg4[%swap3A, %swap3A_12], %mul3A_11 {strides = array<i32>} : memref<2048x128xf32, #tpu.memory_space<vmem>>, vector<2048x128xf32>,
    return
  }
  func.func @transform_0(%arg0: i32) -> (i32, i32) {
    %c0_i32 = arith.constant 0 : i32
    %c0_i32_0 = arith.constant 0 : i32
    return %arg0, %c0_i32 : i32, i32
  }
  func.func @transform_1(%arg0: i32) -> (i32, i32) {
    %c0_i32 = arith.constant 0 : i32
    %c0_i32_0 = arith.constant 0 : i32
    return %arg0, %c0_i32 : i32, i32
  }
  func.func @transform_2(%arg0: i32) -> (i32, i32) {
    %c0_i32 = arith.constant 0 : i32
    %c0_i32_0 = arith.constant 0 : i32
    return %arg0, %c0_i32 : i32, i32
  }
  func.func @transform_3(%arg0: i32) -> (i32, i32) {
    %c0_i32 = arith.constant 0 : i32
    %c0_i32_0 = arith.constant 0 : i32
    return %arg0, %c0_i32 : i32, i32
  }
}

module attributes {stable_mosaic.version = 14 : i64} {
  func.func @_p3_body(%arg0: i32, %arg1: memref<2048x128xf32, #tpu.memory_space<vmem>>, %arg2: memref<2048x128xf32, #tpu.memory_space<vmem>>, %arg3: memref<2048x128xf32, #tpu.memory_space<vmem>>, %arg4: memref<2048x1xf32, #tpu.memory_space<vmem>>, %arg5: memref<2048x1xf32, #tpu.memory_space<vmem>>, %arg6: memref<1x128xf32, #tpu.memory_space<vmem>>, %arg7: memref<128x128xf32, #tpu.memory_space<vmem>>, %arg8: memref<2048x128xf32, #tpu.memory_space<vmem>>) attributes {dimension_semantics = [#tpu.dimension_semantics<arbitrary>], iteration_bounds = array<i64: 5>, scalar_prefetch = 0 : i64, scratch_operands = 0 : i64, tpu.core_type = #tpu.core_type<tc>, window_params = [{transform_indices = @transform_0, window_bounds = array<i64: 2048, 128>}, {transform_indices = @transform_1, window_bounds = array<i64: 2048, 128>}, {transform_indices = @transform_2, window_bounds = array<i64: 2048, 128>}, {transform_indices = @transform_3, window_bounds = array<i64: 2048, 1>}, {transform_indices = @transform_4, window_bounds = array<i64: 2048, 1>}, {pipeline_mode = #tpu.pipeline_mode<synchronous>, transform_indices = @transform_5, window_bounds = array<i64: 1, 128>}, {pipeline_mode = #tpu.pipeline_mode<synchronous>, transform_indices = @transform_6, window_bounds = array<i64: 128, 128>}, {transform_indices = @transform_7, window_bounds = array<i64: 2048, 128>}]} {
    %get3A = arith.constant 0 : index
    %get3A_0 = arith.constant 0 : index
    %get3A_1 = vector.load %arg4[%get3A, %get3A_0] : memref<2048x1xf32, #tpu.memory_space<vmem>>, vector<2048x1xf32>
    %get3A_2 = arith.constant 0 : index
    %get3A_3 = arith.constant 0 : index
    %get3A_4 = vector.load %arg5[%get3A_2, %get3A_3] : memref<2048x1xf32, #tpu.memory_space<vmem>>, vector<2048x1xf32>
    %add3A = arith.addf %get3A_1, %get3A_4 : vector<2048x1xf32>
    %add3A_5 = arith.constant 1.000000e+00 : f32
    %add3A_6 = vector.broadcast %add3A_5 : f32 to vector<2048x1xf32>
    %add3A_7 = arith.addf %add3A, %add3A_6 : vector<2048x1xf32>
    %rsqrt3A = math.rsqrt %add3A_7 : vector<2048x1xf32>
    %get3A_8 = arith.constant 0 : index
    %get3A_9 = arith.constant 0 : index
    %get3A_10 = vector.load %arg1[%get3A_8, %get3A_9] : memref<2048x128xf32, #tpu.memory_space<vmem>>, vector<2048x128xf32>
    %get3A_11 = arith.constant 0 : index
    %get3A_12 = arith.constant 0 : index
    %get3A_13 = vector.load %arg2[%get3A_11, %get3A_12] : memref<2048x128xf32, #tpu.memory_space<vmem>>, vector<2048x128xf32>
    %add3A_14 = arith.addf %get3A_10, %get3A_13 : vector<2048x128xf32>
    %get3A_15 = arith.constant 0 : index
    %get3A_16 = arith.constant 0 : index
    %get3A_17 = vector.load %arg3[%get3A_15, %get3A_16] : memref<2048x128xf32, #tpu.memory_space<vmem>>, vector<2048x128xf32>
    %add3A_18 = arith.addf %add3A_14, %get3A_17 : vector<2048x128xf32>
    %mul3A = vector.broadcast %rsqrt3A : vector<2048x1xf32> to vector<2048x128xf32>
    %mul3A_19 = arith.mulf %mul3A, %add3A_18 : vector<2048x128xf32>
    %get3A_20 = arith.constant 0 : index
    %get3A_21 = arith.constant 0 : index
    %get3A_22 = vector.load %arg6[%get3A_20, %get3A_21] : memref<1x128xf32, #tpu.memory_space<vmem>>, vector<1x128xf32>
    %add3A_23 = vector.broadcast %get3A_22 : vector<1x128xf32> to vector<2048x128xf32>
    %add3A_24 = arith.addf %mul3A_19, %add3A_23 : vector<2048x128xf32>
    %max3A = arith.constant 0.000000e+00 : f32
    %max3A_25 = vector.broadcast %max3A : f32 to vector<2048x128xf32>
    %max3A_26 = arith.maximumf %add3A_24, %max3A_25 : vector<2048x128xf32>
    %get3A_27 = arith.constant 0 : index
    %get3A_28 = arith.constant 0 : index
    %get3A_29 = vector.load %arg7[%get3A_27, %get3A_28] : memref<128x128xf32, #tpu.memory_space<vmem>>, vector<128x128xf32>
    %dot_general3A = arith.constant dense<0.000000e+00> : vector<2048x128xf32>
    %dot_general3A_30 = tpu.matmul %max3A_26, %get3A_29, %dot_general3A {dimension_numbers = #tpu.dot_dimension_numbers<[1], [0], [0], [1], [0, 0, 1, 1], [], []>, precision = #tpu.contract_precision<fp32>, transpose_lhs_hint = false} : vector<2048x128xf32>, vector<128x128xf32>, vector<2048x128xf32> -> vector<2048x128xf32>
    %mul3A_31 = vector.broadcast %rsqrt3A : vector<2048x1xf32> to vector<2048x128xf32>
    %mul3A_32 = arith.mulf %dot_general3A_30, %mul3A_31 : vector<2048x128xf32>
    %swap3A = arith.constant 0 : index
    %swap3A_33 = arith.constant 0 : index
    %swap3A_34 = vector.load %arg8[%swap3A, %swap3A_33] : memref<2048x128xf32, #tpu.memory_space<vmem>>, vector<2048x128xf32>
    tpu.vector_store %arg8[%swap3A, %swap3A_33], %mul3A_32 {strides = array<i32>} : memref<2048x128xf32, #tpu.memory_space<vmem>>, vector<2048x128xf32>,
    return
  }
  func.func @transform_0(%arg0: i32) -> (i32, i32) {
    %c0_i32 = arith.constant 0 : i32
    %c0_i32_0 = arith.constant 0 : i32
    return %arg0, %c0_i32 : i32, i32
  }
  func.func @transform_1(%arg0: i32) -> (i32, i32) {
    %c0_i32 = arith.constant 0 : i32
    %c0_i32_0 = arith.constant 0 : i32
    return %arg0, %c0_i32 : i32, i32
  }
  func.func @transform_2(%arg0: i32) -> (i32, i32) {
    %c0_i32 = arith.constant 0 : i32
    %c0_i32_0 = arith.constant 0 : i32
    return %arg0, %c0_i32 : i32, i32
  }
  func.func @transform_3(%arg0: i32) -> (i32, i32) {
    %c0_i32 = arith.constant 0 : i32
    %c0_i32_0 = arith.constant 0 : i32
    return %arg0, %c0_i32 : i32, i32
  }
  func.func @transform_4(%arg0: i32) -> (i32, i32) {
    %c0_i32 = arith.constant 0 : i32
    %c0_i32_0 = arith.constant 0 : i32
    return %arg0, %c0_i32 : i32, i32
  }
  func.func @transform_5(%arg0: i32) -> (i32, i32) {
    %c0_i32 = arith.constant 0 : i32
    %c0_i32_0 = arith.constant 0 : i32
    %c0_i32_1 = arith.constant 0 : i32
    return %c0_i32, %c0_i32_0 : i32, i32
  }
  func.func @transform_6(%arg0: i32) -> (i32, i32) {
    %c0_i32 = arith.constant 0 : i32
    %c0_i32_0 = arith.constant 0 : i32
    %c0_i32_1 = arith.constant 0 : i32
    return %c0_i32, %c0_i32_0 : i32, i32
  }
  func.func @transform_7(%arg0: i32) -> (i32, i32) {
    %c0_i32 = arith.constant 0 : i32
    %c0_i32_0 = arith.constant 0 : i32
    return %arg0, %c0_i32 : i32, i32
  }
}

module attributes {stable_mosaic.version = 14 : i64} {
  func.func @_p7_body(%arg0: i32, %arg1: memref<2048x128xf32, #tpu.memory_space<vmem>>, %arg2: memref<2048x128xf32, #tpu.memory_space<vmem>>, %arg3: memref<2048x128xf32, #tpu.memory_space<vmem>>, %arg4: memref<2048x1xf32, #tpu.memory_space<vmem>>, %arg5: memref<2048x1xf32, #tpu.memory_space<vmem>>, %arg6: memref<1x128xf32, #tpu.memory_space<vmem>>, %arg7: memref<1x128xf32, #tpu.memory_space<vmem>>, %arg8: memref<1x128xf32, #tpu.memory_space<vmem>>, %arg9: memref<2048x128xf32, #tpu.memory_space<vmem>>, %arg10: memref<8x128xf32, #tpu.memory_space<vmem>>, %arg11: memref<8x128xf32, #tpu.memory_space<vmem>>) attributes {dimension_semantics = [#tpu.dimension_semantics<arbitrary>], iteration_bounds = array<i64: 5>, scalar_prefetch = 0 : i64, scratch_operands = 1 : i64, tpu.core_type = #tpu.core_type<tc>, window_params = [{transform_indices = @transform_0, window_bounds = array<i64: 2048, 128>}, {transform_indices = @transform_1, window_bounds = array<i64: 2048, 128>}, {transform_indices = @transform_2, window_bounds = array<i64: 2048, 128>}, {transform_indices = @transform_3, window_bounds = array<i64: 2048, 1>}, {transform_indices = @transform_4, window_bounds = array<i64: 2048, 1>}, {pipeline_mode = #tpu.pipeline_mode<synchronous>, transform_indices = @transform_5, window_bounds = array<i64: 1, 128>}, {pipeline_mode = #tpu.pipeline_mode<synchronous>, transform_indices = @transform_6, window_bounds = array<i64: 1, 128>}, {pipeline_mode = #tpu.pipeline_mode<synchronous>, transform_indices = @transform_7, window_bounds = array<i64: 1, 128>}, {transform_indices = @transform_8, window_bounds = array<i64: 2048, 128>}, {pipeline_mode = #tpu.pipeline_mode<synchronous>, transform_indices = @transform_9, window_bounds = array<i64: 8, 128>}]} {
    %get3A = arith.constant 0 : index
    %get3A_0 = arith.constant 0 : index
    %get3A_1 = vector.load %arg4[%get3A, %get3A_0] : memref<2048x1xf32, #tpu.memory_space<vmem>>, vector<2048x1xf32>
    %get3A_2 = arith.constant 0 : index
    %get3A_3 = arith.constant 0 : index
    %get3A_4 = vector.load %arg5[%get3A_2, %get3A_3] : memref<2048x1xf32, #tpu.memory_space<vmem>>, vector<2048x1xf32>
    %add3A = arith.addf %get3A_1, %get3A_4 : vector<2048x1xf32>
    %add3A_5 = arith.constant 1.000000e+00 : f32
    %add3A_6 = vector.broadcast %add3A_5 : f32 to vector<2048x1xf32>
    %add3A_7 = arith.addf %add3A, %add3A_6 : vector<2048x1xf32>
    %rsqrt3A = math.rsqrt %add3A_7 : vector<2048x1xf32>
    %get3A_8 = arith.constant 0 : index
    %get3A_9 = arith.constant 0 : index
    %get3A_10 = vector.load %arg1[%get3A_8, %get3A_9] : memref<2048x128xf32, #tpu.memory_space<vmem>>, vector<2048x128xf32>
    %get3A_11 = arith.constant 0 : index
    %get3A_12 = arith.constant 0 : index
    %get3A_13 = vector.load %arg2[%get3A_11, %get3A_12] : memref<2048x128xf32, #tpu.memory_space<vmem>>, vector<2048x128xf32>
    %add3A_14 = arith.addf %get3A_10, %get3A_13 : vector<2048x128xf32>
    %get3A_15 = arith.constant 0 : index
    %get3A_16 = arith.constant 0 : index
    %get3A_17 = vector.load %arg3[%get3A_15, %get3A_16] : memref<2048x128xf32, #tpu.memory_space<vmem>>, vector<2048x128xf32>
    %add3A_18 = arith.addf %add3A_14, %get3A_17 : vector<2048x128xf32>
    %mul3A = vector.broadcast %rsqrt3A : vector<2048x1xf32> to vector<2048x128xf32>
    %mul3A_19 = arith.mulf %mul3A, %add3A_18 : vector<2048x128xf32>
    %get3A_20 = arith.constant 0 : index
    %get3A_21 = arith.constant 0 : index
    %get3A_22 = vector.load %arg6[%get3A_20, %get3A_21] : memref<1x128xf32, #tpu.memory_space<vmem>>, vector<1x128xf32>
    %add3A_23 = vector.broadcast %get3A_22 : vector<1x128xf32> to vector<2048x128xf32>
    %add3A_24 = arith.addf %mul3A_19, %add3A_23 : vector<2048x128xf32>
    %max3A = arith.constant 0.000000e+00 : f32
    %max3A_25 = vector.broadcast %max3A : f32 to vector<2048x128xf32>
    %max3A_26 = arith.maximumf %add3A_24, %max3A_25 : vector<2048x128xf32>
    %swap3A = arith.constant 0 : index
    %swap3A_27 = arith.constant 0 : index
    %swap3A_28 = vector.load %arg9[%swap3A, %swap3A_27] : memref<2048x128xf32, #tpu.memory_space<vmem>>, vector<2048x128xf32>
    tpu.vector_store %arg9[%swap3A, %swap3A_27], %max3A_26 {strides = array<i32>} : memref<2048x128xf32, #tpu.memory_space<vmem>>, vector<2048x128xf32>,
    %mul3A_29 = arith.constant 2048 : i32
    %mul3A_30 = arith.muli %arg0, %mul3A_29 : i32
    %iota3A = tpu.iota {dimensions = array<i32: 0>} : vector<2048x1xi32>
    %add3A_31 = vector.broadcast %mul3A_30 : i32 to vector<2048x1xi32>
    %add3A_32 = arith.addi %add3A_31, %iota3A : vector<2048x1xi32>
    %lt3A = arith.constant 10000 : i32
    %lt3A_33 = vector.broadcast %lt3A : i32 to vector<2048x1xi32>
    %lt3A_34 = arith.cmpi slt, %add3A_32, %lt3A_33 : vector<2048x1xi32>
    %jit3A = arith.constant 0.000000e+00 : f32
    %broadcast_in_dim3A = vector.shape_cast %lt3A_34 : vector<2048x1xi1> to vector<2048x1xi1>
    %broadcast_in_dim3A_35 = vector.broadcast %broadcast_in_dim3A : vector<2048x1xi1> to vector<2048x128xi1>
    %broadcast_in_dim3A_36 = vector.broadcast %jit3A : f32 to vector<2048x128xf32>
    %select_n3A = arith.select %broadcast_in_dim3A_35, %max3A_26, %broadcast_in_dim3A_36 : vector<2048x128xi1>, vector<2048x128xf32>
    %eq3A = arith.constant 0 : i32
    %eq3A_37 = arith.cmpi eq, %arg0, %eq3A : i32
    %convert_element_type3A = arith.extui %eq3A_37 : i1 to i32
    %cond3A = arith.constant 0 : i32
    %cond3A_38 = arith.cmpi ne, %convert_element_type3A, %cond3A : i32
    scf.if %cond3A_38 {
      %broadcast_in_dim3A_64 = arith.constant 0.000000e+00 : f32
      %broadcast_in_dim3A_65 = vector.broadcast %broadcast_in_dim3A_64 : f32 to vector<8x128xf32>
      %swap3A_66 = arith.constant 0 : index
      %swap3A_67 = arith.constant 0 : index
      %swap3A_68 = vector.load %arg11[%swap3A_66, %swap3A_67] : memref<8x128xf32, #tpu.memory_space<vmem>>, vector<8x128xf32>
      tpu.vector_store %arg11[%swap3A_66, %swap3A_67], %broadcast_in_dim3A_65 {strides = array<i32>} : memref<8x128xf32, #tpu.memory_space<vmem>>, vector<8x128xf32>,
    } else {
    }
    %get3A_39 = arith.constant 0 : index
    %get3A_40 = arith.constant 0 : index
    %get3A_41 = vector.load %arg11[%get3A_39, %get3A_40] : memref<8x128xf32, #tpu.memory_space<vmem>>, vector<1x128xf32>
    %reduce_sum3A = arith.constant dense<0.000000e+00> : vector<128xf32>
    %reduce_sum3A_42 = vector.multi_reduction <add>, %select_n3A, %reduce_sum3A [0] : vector<2048x128xf32> to vector<128xf32>
    %broadcast_in_dim3A_43 = vector.shape_cast %reduce_sum3A_42 : vector<128xf32> to vector<1x128xf32>
    %add3A_44 = arith.addf %get3A_41, %broadcast_in_dim3A_43 : vector<1x128xf32>
    %swap3A_45 = arith.constant 0 : index
    %swap3A_46 = arith.constant 0 : index
    %swap3A_47 = vector.load %arg11[%swap3A_45, %swap3A_46] : memref<8x128xf32, #tpu.memory_space<vmem>>, vector<1x128xf32>
    tpu.vector_store %arg11[%swap3A_45, %swap3A_46], %add3A_44 {strides = array<i32>} : memref<8x128xf32, #tpu.memory_space<vmem>>, vector<1x128xf32>,
    %get3A_48 = arith.constant 1 : index
    %get3A_49 = arith.constant 0 : index
    %get3A_50 = vector.load %arg11[%get3A_48, %get3A_49] : memref<8x128xf32, #tpu.memory_space<vmem>>, vector<1x128xf32>
    %mul3A_51 = arith.mulf %select_n3A, %select_n3A : vector<2048x128xf32>
    %reduce_sum3A_52 = arith.constant dense<0.000000e+00> : vector<128xf32>
    %reduce_sum3A_53 = vector.multi_reduction <add>, %mul3A_51, %reduce_sum3A_52 [0] : vector<2048x128xf32> to vector<128xf32>
    %broadcast_in_dim3A_54 = vector.shape_cast %reduce_sum3A_53 : vector<128xf32> to vector<1x128xf32>
    %add3A_55 = arith.addf %get3A_50, %broadcast_in_dim3A_54 : vector<1x128xf32>
    %swap3A_56 = arith.constant 1 : index
    %swap3A_57 = arith.constant 0 : index
    %swap3A_58 = vector.load %arg11[%swap3A_56, %swap3A_57] : memref<8x128xf32, #tpu.memory_space<vmem>>, vector<1x128xf32>
    tpu.vector_store %arg11[%swap3A_56, %swap3A_57], %add3A_55 {strides = array<i32>} : memref<8x128xf32, #tpu.memory_space<vmem>>, vector<1x128xf32>,
    %eq3A_59 = arith.constant 4 : i32
    %eq3A_60 = arith.cmpi eq, %arg0, %eq3A_59 : i32
    %convert_element_type3A_61 = arith.extui %eq3A_60 : i1 to i32
    %cond3A_62 = arith.constant 0 : i32
    %cond3A_63 = arith.cmpi ne, %convert_element_type3A_61, %cond3A_62 : i32
    scf.if %cond3A_63 {
      %get3A_64 = arith.constant 0 : index
      %get3A_65 = arith.constant 0 : index
      %get3A_66 = vector.load %arg11[%get3A_64, %get3A_65] : memref<8x128xf32, #tpu.memory_space<vmem>>, vector<1x128xf32>
      %div3A = arith.constant 1.000000e+04 : f32
      %div3A_67 = vector.broadcast %div3A : f32 to vector<1x128xf32>
      %div3A_68 = arith.divf %get3A_66, %div3A_67 : vector<1x128xf32>
      %get3A_69 = arith.constant 1 : index
      %get3A_70 = arith.constant 0 : index
      %get3A_71 = vector.load %arg11[%get3A_69, %get3A_70] : memref<8x128xf32, #tpu.memory_space<vmem>>, vector<1x128xf32>
      %div3A_72 = arith.constant 1.000000e+04 : f32
      %div3A_73 = vector.broadcast %div3A_72 : f32 to vector<1x128xf32>
      %div3A_74 = arith.divf %get3A_71, %div3A_73 : vector<1x128xf32>
      %mul3A_75 = arith.mulf %div3A_68, %div3A_68 : vector<1x128xf32>
      %sub3A = arith.subf %div3A_74, %mul3A_75 : vector<1x128xf32>
      %get3A_76 = arith.constant 0 : index
      %get3A_77 = arith.constant 0 : index
      %get3A_78 = vector.load %arg7[%get3A_76, %get3A_77] : memref<1x128xf32, #tpu.memory_space<vmem>>, vector<1x128xf32>
      %add3A_79 = arith.constant 9.99999974E-6 : f32
      %add3A_80 = vector.broadcast %add3A_79 : f32 to vector<1x128xf32>
      %add3A_81 = arith.addf %sub3A, %add3A_80 : vector<1x128xf32>
      %sqrt3A = math.sqrt %add3A_81 : vector<1x128xf32>
      %div3A_82 = arith.divf %get3A_78, %sqrt3A : vector<1x128xf32>
      %get3A_83 = arith.constant 0 : index
      %get3A_84 = arith.constant 0 : index
      %get3A_85 = vector.load %arg8[%get3A_83, %get3A_84] : memref<1x128xf32, #tpu.memory_space<vmem>>, vector<1x128xf32>
      %mul3A_86 = arith.mulf %div3A_68, %div3A_82 : vector<1x128xf32>
      %sub3A_87 = arith.subf %get3A_85, %mul3A_86 : vector<1x128xf32>
      %broadcast_in_dim3A_88 = arith.constant 0.000000e+00 : f32
      %broadcast_in_dim3A_89 = vector.broadcast %broadcast_in_dim3A_88 : f32 to vector<6x128xf32>
      %concatenate3A = tpu.concatenate %div3A_82, %sub3A_87, %broadcast_in_dim3A_89 in 0 : vector<1x128xf32>, vector<1x128xf32>, vector<6x128xf32> -> vector<8x128xf32>
      %swap3A_90 = arith.constant 0 : index
      %swap3A_91 = arith.constant 0 : index
      %swap3A_92 = vector.load %arg10[%swap3A_90, %swap3A_91] : memref<8x128xf32, #tpu.memory_space<vmem>>, vector<8x128xf32>
      tpu.vector_store %arg10[%swap3A_90, %swap3A_91], %concatenate3A {strides = array<i32>} : memref<8x128xf32, #tpu.memory_space<vmem>>, vector<8x128xf32>,
    } else {
    }
    return
  }
  func.func @transform_0(%arg0: i32) -> (i32, i32) {
    %c0_i32 = arith.constant 0 : i32
    %c0_i32_0 = arith.constant 0 : i32
    return %arg0, %c0_i32 : i32, i32
  }
  func.func @transform_1(%arg0: i32) -> (i32, i32) {
    %c0_i32 = arith.constant 0 : i32
    %c0_i32_0 = arith.constant 0 : i32
    return %arg0, %c0_i32 : i32, i32
  }
  func.func @transform_2(%arg0: i32) -> (i32, i32) {
    %c0_i32 = arith.constant 0 : i32
    %c0_i32_0 = arith.constant 0 : i32
    return %arg0, %c0_i32 : i32, i32
  }
  func.func @transform_3(%arg0: i32) -> (i32, i32) {
    %c0_i32 = arith.constant 0 : i32
    %c0_i32_0 = arith.constant 0 : i32
    return %arg0, %c0_i32 : i32, i32
  }
  func.func @transform_4(%arg0: i32) -> (i32, i32) {
    %c0_i32 = arith.constant 0 : i32
    %c0_i32_0 = arith.constant 0 : i32
    return %arg0, %c0_i32 : i32, i32
  }
  func.func @transform_5(%arg0: i32) -> (i32, i32) {
    %c0_i32 = arith.constant 0 : i32
    %c0_i32_0 = arith.constant 0 : i32
    %c0_i32_1 = arith.constant 0 : i32
    return %c0_i32, %c0_i32_0 : i32, i32
  }
  func.func @transform_6(%arg0: i32) -> (i32, i32) {
    %c0_i32 = arith.constant 0 : i32
    %c0_i32_0 = arith.constant 0 : i32
    %c0_i32_1 = arith.constant 0 : i32
    return %c0_i32, %c0_i32_0 : i32, i32
  }
  func.func @transform_7(%arg0: i32) -> (i32, i32) {
    %c0_i32 = arith.constant 0 : i32
    %c0_i32_0 = arith.constant 0 : i32
    %c0_i32_1 = arith.constant 0 : i32
    return %c0_i32, %c0_i32_0 : i32, i32
  }
  func.func @transform_8(%arg0: i32) -> (i32, i32) {
    %c0_i32 = arith.constant 0 : i32
    %c0_i32_0 = arith.constant 0 : i32
    return %arg0, %c0_i32 : i32, i32
  }
  func.func @transform_9(%arg0: i32) -> (i32, i32) {
    %c0_i32 = arith.constant 0 : i32
    %c0_i32_0 = arith.constant 0 : i32
    %c0_i32_1 = arith.constant 0 : i32
    return %c0_i32, %c0_i32_0 : i32, i32
  }
}

module attributes {stable_mosaic.version = 14 : i64} {
  func.func @_p8_body(%arg0: i32, %arg1: memref<10240xi32, #tpu.memory_space<smem>>, %arg2: memref<2048x128xf32, #tpu.memory_space<vmem>>, %arg3: memref<2048x1xi32, #tpu.memory_space<vmem>>, %arg4: memref<8x128xf32, #tpu.memory_space<vmem>>, %arg5: memref<128x128xf32, #tpu.memory_space<vmem>>, %arg6: memref<1x128xf32, #tpu.memory_space<vmem>>, %arg7: memref<128x128xf32, #tpu.memory_space<vmem>>, %arg8: memref<1x128xf32, #tpu.memory_space<vmem>>, %arg9: memref<128x128xf32, #tpu.memory_space<vmem>>, %arg10: memref<1x128xf32, #tpu.memory_space<vmem>>, %arg11: memref<64x128xf32, #tpu.memory_space<vmem>>, %arg12: memref<64x128xf32, #tpu.memory_space<vmem>>) attributes {dimension_semantics = [#tpu.dimension_semantics<arbitrary>], iteration_bounds = array<i64: 5>, scalar_prefetch = 1 : i64, scratch_operands = 0 : i64, tpu.core_type = #tpu.core_type<tc>, window_params = [{transform_indices = @transform_0, window_bounds = array<i64: 2048, 128>}, {transform_indices = @transform_1, window_bounds = array<i64: 2048, 1>}, {pipeline_mode = #tpu.pipeline_mode<synchronous>, transform_indices = @transform_2, window_bounds = array<i64: 8, 128>}, {pipeline_mode = #tpu.pipeline_mode<synchronous>, transform_indices = @transform_3, window_bounds = array<i64: 128, 128>}, {pipeline_mode = #tpu.pipeline_mode<synchronous>, transform_indices = @transform_4, window_bounds = array<i64: 1, 128>}, {pipeline_mode = #tpu.pipeline_mode<synchronous>, transform_indices = @transform_5, window_bounds = array<i64: 128, 128>}, {pipeline_mode = #tpu.pipeline_mode<synchronous>, transform_indices = @transform_6, window_bounds = array<i64: 1, 128>}, {pipeline_mode = #tpu.pipeline_mode<synchronous>, transform_indices = @transform_7, window_bounds = array<i64: 128, 128>}, {pipeline_mode = #tpu.pipeline_mode<synchronous>, transform_indices = @transform_8, window_bounds = array<i64: 1, 128>}, {pipeline_mode = #tpu.pipeline_mode<synchronous>, transform_indices = @transform_9, window_bounds = array<i64: 64, 128>}, {pipeline_mode = #tpu.pipeline_mode<synchronous>, transform_indices = @transform_10, window_bounds = array<i64: 64, 128>}]} {
    %eq3A = arith.constant 0 : i32
    %eq3A_0 = arith.cmpi eq, %arg0, %eq3A : i32
    %convert_element_type3A = arith.extui %eq3A_0 : i1 to i32
    %cond3A = arith.constant 0 : i32
    %cond3A_1 = arith.cmpi ne, %convert_element_type3A, %cond3A : i32
    scf.if %cond3A_1 {
      %broadcast_in_dim3A = arith.constant 0xFF800000 : f32
      %broadcast_in_dim3A_44 = vector.broadcast %broadcast_in_dim3A : f32 to vector<64x128xf32>
      %swap3A = arith.constant 0 : index
      %swap3A_45 = arith.constant 0 : index
      %swap3A_46 = vector.load %arg12[%swap3A, %swap3A_45] : memref<64x128xf32, #tpu.memory_space<vmem>>, vector<64x128xf32>
      tpu.vector_store %arg12[%swap3A, %swap3A_45], %broadcast_in_dim3A_44 {strides = array<i32>} : memref<64x128xf32, #tpu.memory_space<vmem>>, vector<64x128xf32>,
    } else {
    }
    %get3A = arith.constant 0 : index
    %get3A_2 = arith.constant 0 : index
    %get3A_3 = vector.load %arg2[%get3A, %get3A_2] : memref<2048x128xf32, #tpu.memory_space<vmem>>, vector<2048x128xf32>
    %get3A_4 = arith.constant 0 : index
    %get3A_5 = arith.constant 0 : index
    %get3A_6 = vector.load %arg4[%get3A_4, %get3A_5] : memref<8x128xf32, #tpu.memory_space<vmem>>, vector<1x128xf32>
    %mul3A = vector.broadcast %get3A_6 : vector<1x128xf32> to vector<2048x128xf32>
    %mul3A_7 = arith.mulf %get3A_3, %mul3A : vector<2048x128xf32>
    %get3A_8 = arith.constant 1 : index
    %get3A_9 = arith.constant 0 : index
    %get3A_10 = vector.load %arg4[%get3A_8, %get3A_9] : memref<8x128xf32, #tpu.memory_space<vmem>>, vector<1x128xf32>
    %add3A = vector.broadcast %get3A_10 : vector<1x128xf32> to vector<2048x128xf32>
    %add3A_11 = arith.addf %mul3A_7, %add3A : vector<2048x128xf32>
    %get3A_12 = arith.constant 0 : index
    %get3A_13 = arith.constant 0 : index
    %get3A_14 = vector.load %arg3[%get3A_12, %get3A_13] : memref<2048x1xi32, #tpu.memory_space<vmem>>, vector<2048x1xi32>
    %mul3A_15 = arith.constant 2048 : i32
    %mul3A_16 = arith.muli %arg0, %mul3A_15 : i32
    %get3A_17 = arith.index_cast %mul3A_16 : i32 to index
    %get3A_18 = memref.load %arg1[%get3A_17] : memref<10240xi32, #tpu.memory_space<smem>>
    %mul3A_19 = arith.constant 2048 : i32
    %mul3A_20 = arith.muli %arg0, %mul3A_19 : i32
    %add3A_21 = arith.constant 2048 : i32
    %add3A_22 = arith.addi %mul3A_20, %add3A_21 : i32
    %sub3A = arith.constant 1 : i32
    %sub3A_23 = arith.subi %add3A_22, %sub3A : i32
    %get3A_24 = arith.index_cast %sub3A_23 : i32 to index
    %get3A_25 = memref.load %arg1[%get3A_24] : memref<10240xi32, #tpu.memory_space<smem>>
    %min3A = arith.constant 63 : i32
    %min3A_26 = arith.minsi %get3A_25, %min3A : i32
    %add3A_27 = arith.constant 1 : i32
    %add3A_28 = arith.addi %min3A_26, %add3A_27 : i32
    %while3A = arith.constant 0 : i32
    %while3A_29 = arith.subi %add3A_28, %get3A_18 : i32
    %while3A_30 = arith.addi %get3A_18, %while3A_29 : i32
    %while3A_31 = arith.constant 1 : i32
    %while3A_32 = arith.divsi %while3A_29, %while3A_31 : i32
    %while3A_33 = arith.muli %while3A_32, %while3A_31 : i32
    %while3A_34 = arith.addi %get3A_18, %while3A_33 : i32
    %while3A_35 = arith.constant 1 : i32
    %while3A_36 = scf.for %while3A_44 = %get3A_18 to %while3A_34 step %while3A_35 iter_args(%while3A_45 = %while3A) -> (i32)  : i32 {
      %eq3A_46 = vector.broadcast %while3A_44 : i32 to vector<2048x1xi32>
      %eq3A_47 = arith.cmpi eq, %get3A_14, %eq3A_46 : vector<2048x1xi32>
      %jit3A = arith.constant 0xFF800000 : f32
      %broadcast_in_dim3A = vector.shape_cast %eq3A_47 : vector<2048x1xi1> to vector<2048x1xi1>
      %broadcast_in_dim3A_48 = vector.broadcast %broadcast_in_dim3A : vector<2048x1xi1> to vector<2048x128xi1>
      %broadcast_in_dim3A_49 = vector.broadcast %jit3A : f32 to vector<2048x128xf32>
      %select_n3A = arith.select %broadcast_in_dim3A_48, %add3A_11, %broadcast_in_dim3A_49 : vector<2048x128xi1>, vector<2048x128xf32>
      %reduce_max3A = arith.constant dense<0xFF800000> : vector<128xf32>
      %reduce_max3A_50 = vector.multi_reduction <maximumf>, %select_n3A, %reduce_max3A [0] : vector<2048x128xf32> to vector<128xf32>
      %broadcast_in_dim3A_51 = vector.shape_cast %reduce_max3A_50 : vector<128xf32> to vector<1x128xf32>
      %get3A_52 = arith.index_cast %while3A_44 : i32 to index
      %get3A_53 = arith.constant 0 : index
      %get3A_54 = vector.load %arg12[%get3A_52, %get3A_53] : memref<64x128xf32, #tpu.memory_space<vmem>>, vector<1x128xf32>
      %max3A = arith.maximumf %get3A_54, %broadcast_in_dim3A_51 : vector<1x128xf32>
      %swap3A = arith.index_cast %while3A_44 : i32 to index
      %swap3A_55 = arith.constant 0 : index
      %swap3A_56 = vector.load %arg12[%swap3A, %swap3A_55] : memref<64x128xf32, #tpu.memory_space<vmem>>, vector<1x128xf32>
      tpu.vector_store %arg12[%swap3A, %swap3A_55], %max3A {strides = array<i32>} : memref<64x128xf32, #tpu.memory_space<vmem>>, vector<1x128xf32>,
      %while3A_57 = arith.constant 0 : i32
      scf.yield %while3A_57 : i32
    }
    %while3A_37 = arith.constant 1 : i32
    %while3A_38 = scf.for %while3A_44 = %while3A_34 to %while3A_30 step %while3A_37 iter_args(%while3A_45 = %while3A_36) -> (i32)  : i32 {
      %eq3A_46 = vector.broadcast %while3A_44 : i32 to vector<2048x1xi32>
      %eq3A_47 = arith.cmpi eq, %get3A_14, %eq3A_46 : vector<2048x1xi32>
      %jit3A = arith.constant 0xFF800000 : f32
      %broadcast_in_dim3A = vector.shape_cast %eq3A_47 : vector<2048x1xi1> to vector<2048x1xi1>
      %broadcast_in_dim3A_48 = vector.broadcast %broadcast_in_dim3A : vector<2048x1xi1> to vector<2048x128xi1>
      %broadcast_in_dim3A_49 = vector.broadcast %jit3A : f32 to vector<2048x128xf32>
      %select_n3A = arith.select %broadcast_in_dim3A_48, %add3A_11, %broadcast_in_dim3A_49 : vector<2048x128xi1>, vector<2048x128xf32>
      %reduce_max3A = arith.constant dense<0xFF800000> : vector<128xf32>
      %reduce_max3A_50 = vector.multi_reduction <maximumf>, %select_n3A, %reduce_max3A [0] : vector<2048x128xf32> to vector<128xf32>
      %broadcast_in_dim3A_51 = vector.shape_cast %reduce_max3A_50 : vector<128xf32> to vector<1x128xf32>
      %get3A_52 = arith.index_cast %while3A_44 : i32 to index
      %get3A_53 = arith.constant 0 : index
      %get3A_54 = vector.load %arg12[%get3A_52, %get3A_53] : memref<64x128xf32, #tpu.memory_space<vmem>>, vector<1x128xf32>
      %max3A = arith.maximumf %get3A_54, %broadcast_in_dim3A_51 : vector<1x128xf32>
      %swap3A = arith.index_cast %while3A_44 : i32 to index
      %swap3A_55 = arith.constant 0 : index
      %swap3A_56 = vector.load %arg12[%swap3A, %swap3A_55] : memref<64x128xf32, #tpu.memory_space<vmem>>, vector<1x128xf32>
      tpu.vector_store %arg12[%swap3A, %swap3A_55], %max3A {strides = array<i32>} : memref<64x128xf32, #tpu.memory_space<vmem>>, vector<1x128xf32>,
      %while3A_57 = arith.constant 0 : i32
      scf.yield %while3A_57 : i32
    }
    %eq3A_39 = arith.constant 4 : i32
    %eq3A_40 = arith.cmpi eq, %arg0, %eq3A_39 : i32
    %convert_element_type3A_41 = arith.extui %eq3A_40 : i1 to i32
    %cond3A_42 = arith.constant 0 : i32
    %cond3A_43 = arith.cmpi ne, %convert_element_type3A_41, %cond3A_42 : i32
    scf.if %cond3A_43 {
      %get3A_44 = arith.constant 0 : index
      %get3A_45 = arith.constant 0 : index
      %get3A_46 = vector.load %arg12[%get3A_44, %get3A_45] : memref<64x128xf32, #tpu.memory_space<vmem>>, vector<64x128xf32>
      %eq3A_47 = arith.constant 0xFF800000 : f32
      %eq3A_48 = vector.broadcast %eq3A_47 : f32 to vector<64x128xf32>
      %eq3A_49 = arith.cmpf oeq, %get3A_46, %eq3A_48 : vector<64x128xf32>
      %jit3A = arith.constant 0.000000e+00 : f32
      %broadcast_in_dim3A = vector.broadcast %jit3A : f32 to vector<64x128xf32>
      %select_n3A = arith.select %eq3A_49, %broadcast_in_dim3A, %get3A_46 : vector<64x128xi1>, vector<64x128xf32>
      %get3A_50 = arith.constant 0 : index
      %get3A_51 = arith.constant 0 : index
      %get3A_52 = vector.load %arg5[%get3A_50, %get3A_51] : memref<128x128xf32, #tpu.memory_space<vmem>>, vector<128x128xf32>
      %dot_general3A = arith.constant dense<0.000000e+00> : vector<64x128xf32>
      %dot_general3A_53 = tpu.matmul %select_n3A, %get3A_52, %dot_general3A {dimension_numbers = #tpu.dot_dimension_numbers<[1], [0], [0], [1], [0, 0, 1, 1], [], []>, precision = #tpu.contract_precision<fp32>, transpose_lhs_hint = false} : vector<64x128xf32>, vector<128x128xf32>, vector<64x128xf32> -> vector<64x128xf32>
      %get3A_54 = arith.constant 0 : index
      %get3A_55 = arith.constant 0 : index
      %get3A_56 = vector.load %arg6[%get3A_54, %get3A_55] : memref<1x128xf32, #tpu.memory_space<vmem>>, vector<1x128xf32>
      %add3A_57 = vector.broadcast %get3A_56 : vector<1x128xf32> to vector<64x128xf32>
      %add3A_58 = arith.addf %dot_general3A_53, %add3A_57 : vector<64x128xf32>
      %max3A = arith.constant 0.000000e+00 : f32
      %max3A_59 = vector.broadcast %max3A : f32 to vector<64x128xf32>
      %max3A_60 = arith.maximumf %add3A_58, %max3A_59 : vector<64x128xf32>
      %get3A_61 = arith.constant 0 : index
      %get3A_62 = arith.constant 0 : index
      %get3A_63 = vector.load %arg7[%get3A_61, %get3A_62] : memref<128x128xf32, #tpu.memory_space<vmem>>, vector<128x128xf32>
      %dot_general3A_64 = arith.constant dense<0.000000e+00> : vector<64x128xf32>
      %dot_general3A_65 = tpu.matmul %max3A_60, %get3A_63, %dot_general3A_64 {dimension_numbers = #tpu.dot_dimension_numbers<[1], [0], [0], [1], [0, 0, 1, 1], [], []>, precision = #tpu.contract_precision<fp32>, transpose_lhs_hint = false} : vector<64x128xf32>, vector<128x128xf32>, vector<64x128xf32> -> vector<64x128xf32>
      %get3A_66 = arith.constant 0 : index
      %get3A_67 = arith.constant 0 : index
      %get3A_68 = vector.load %arg8[%get3A_66, %get3A_67] : memref<1x128xf32, #tpu.memory_space<vmem>>, vector<1x128xf32>
      %add3A_69 = vector.broadcast %get3A_68 : vector<1x128xf32> to vector<64x128xf32>
      %add3A_70 = arith.addf %dot_general3A_65, %add3A_69 : vector<64x128xf32>
      %max3A_71 = arith.constant 0.000000e+00 : f32
      %max3A_72 = vector.broadcast %max3A_71 : f32 to vector<64x128xf32>
      %max3A_73 = arith.maximumf %add3A_70, %max3A_72 : vector<64x128xf32>
      %get3A_74 = arith.constant 0 : index
      %get3A_75 = arith.constant 0 : index
      %get3A_76 = vector.load %arg9[%get3A_74, %get3A_75] : memref<128x128xf32, #tpu.memory_space<vmem>>, vector<128x128xf32>
      %dot_general3A_77 = arith.constant dense<0.000000e+00> : vector<64x128xf32>
      %dot_general3A_78 = tpu.matmul %max3A_73, %get3A_76, %dot_general3A_77 {dimension_numbers = #tpu.dot_dimension_numbers<[1], [0], [0], [1], [0, 0, 1, 1], [], []>, precision = #tpu.contract_precision<fp32>, transpose_lhs_hint = false} : vector<64x128xf32>, vector<128x128xf32>, vector<64x128xf32> -> vector<64x128xf32>
      %get3A_79 = arith.constant 0 : index
      %get3A_80 = arith.constant 0 : index
      %get3A_81 = vector.load %arg10[%get3A_79, %get3A_80] : memref<1x128xf32, #tpu.memory_space<vmem>>, vector<1x128xf32>
      %add3A_82 = vector.broadcast %get3A_81 : vector<1x128xf32> to vector<64x128xf32>
      %add3A_83 = arith.addf %dot_general3A_78, %add3A_82 : vector<64x128xf32>
      %swap3A = arith.constant 0 : index
      %swap3A_84 = arith.constant 0 : index
      %swap3A_85 = vector.load %arg11[%swap3A, %swap3A_84] : memref<64x128xf32, #tpu.memory_space<vmem>>, vector<64x128xf32>
      tpu.vector_store %arg11[%swap3A, %swap3A_84], %add3A_83 {strides = array<i32>} : memref<64x128xf32, #tpu.memory_space<vmem>>, vector<64x128xf32>,
    } else {
    }
    return
  }
  func.func @transform_0(%arg0: i32, %arg1: memref<10240xi32, #tpu.memory_space<smem>>) -> (i32, i32) {
    %c0_i32 = arith.constant 0 : i32
    %c0_i32_0 = arith.constant 0 : i32
    return %arg0, %c0_i32 : i32, i32
  }
  func.func @transform_1(%arg0: i32, %arg1: memref<10240xi32, #tpu.memory_space<smem>>) -> (i32, i32) {
    %c0_i32 = arith.constant 0 : i32
    %c0_i32_0 = arith.constant 0 : i32
    return %arg0, %c0_i32 : i32, i32
  }
  func.func @transform_2(%arg0: i32, %arg1: memref<10240xi32, #tpu.memory_space<smem>>) -> (i32, i32) {
    %c0_i32 = arith.constant 0 : i32
    %c0_i32_0 = arith.constant 0 : i32
    %c0_i32_1 = arith.constant 0 : i32
    return %c0_i32, %c0_i32_0 : i32, i32
  }
  func.func @transform_3(%arg0: i32, %arg1: memref<10240xi32, #tpu.memory_space<smem>>) -> (i32, i32) {
    %c0_i32 = arith.constant 0 : i32
    %c0_i32_0 = arith.constant 0 : i32
    %c0_i32_1 = arith.constant 0 : i32
    return %c0_i32, %c0_i32_0 : i32, i32
  }
  func.func @transform_4(%arg0: i32, %arg1: memref<10240xi32, #tpu.memory_space<smem>>) -> (i32, i32) {
    %c0_i32 = arith.constant 0 : i32
    %c0_i32_0 = arith.constant 0 : i32
    %c0_i32_1 = arith.constant 0 : i32
    return %c0_i32, %c0_i32_0 : i32, i32
  }
  func.func @transform_5(%arg0: i32, %arg1: memref<10240xi32, #tpu.memory_space<smem>>) -> (i32, i32) {
    %c0_i32 = arith.constant 0 : i32
    %c0_i32_0 = arith.constant 0 : i32
    %c0_i32_1 = arith.constant 0 : i32
    return %c0_i32, %c0_i32_0 : i32, i32
  }
  func.func @transform_6(%arg0: i32, %arg1: memref<10240xi32, #tpu.memory_space<smem>>) -> (i32, i32) {
    %c0_i32 = arith.constant 0 : i32
    %c0_i32_0 = arith.constant 0 : i32
    %c0_i32_1 = arith.constant 0 : i32
    return %c0_i32, %c0_i32_0 : i32, i32
  }
  func.func @transform_7(%arg0: i32, %arg1: memref<10240xi32, #tpu.memory_space<smem>>) -> (i32, i32) {
    %c0_i32 = arith.constant 0 : i32
    %c0_i32_0 = arith.constant 0 : i32
    %c0_i32_1 = arith.constant 0 : i32
    return %c0_i32, %c0_i32_0 : i32, i32
  }
  func.func @transform_8(%arg0: i32, %arg1: memref<10240xi32, #tpu.memory_space<smem>>) -> (i32, i32) {
    %c0_i32 = arith.constant 0 : i32
    %c0_i32_0 = arith.constant 0 : i32
    %c0_i32_1 = arith.constant 0 : i32
    return %c0_i32, %c0_i32_0 : i32, i32
  }
  func.func @transform_9(%arg0: i32, %arg1: memref<10240xi32, #tpu.memory_space<smem>>) -> (i32, i32) {
    %c0_i32 = arith.constant 0 : i32
    %c0_i32_0 = arith.constant 0 : i32
    %c0_i32_1 = arith.constant 0 : i32
    return %c0_i32, %c0_i32_0 : i32, i32
  }
  func.func @transform_10(%arg0: i32, %arg1: memref<10240xi32, #tpu.memory_space<smem>>) -> (i32, i32) {
    %c0_i32 = arith.constant 0 : i32
    %c0_i32_0 = arith.constant 0 : i32
    %c0_i32_1 = arith.constant 0 : i32
    return %c0_i32, %c0_i32_0 : i32, i32
  }
}

</mosaic_0001>

<sc_bundles>
// kernel: kernel.12.cloned.1.call-start
scs
__scs_entry_jumppad:
0x0: {  	(pc) =	sbr.rel $0x88, $3  }
0x1: {  	(tag) =	ssettag $0x0;
	lr =	simm.s32 $0x1  }
0x2: {  	[smem:$0x3F90] =	sst lr;
	_ =	strace $0xD0000000  }
0x3: {  	_ = 	snop  }
0x4: {  	_ = 	snop  }
0x5: {  	_ = 	snop  }
0x6: {  	_ = 	snop  }
0x7: {  	_ = 	snop  }
__scs_overlays_trampoline_lowered:
0x8: {  	[smem:$0x3F9F] =	sst s0  }
0x9: {  	[smem:$0x3FA0] =	sst s1  }
0xa: {  	[smem:$0x3FA1] =	sst s2  }
0xb: {  	[smem:$0x3FA2] =	sst s3  }
0xc: {  	[smem:$0x3FA3] =	sst s4  }
0xd: {  	[smem:$0x3FA4] =	sst s5  }
0xe: {  	[smem:$0x3FA5] =	sst s6  }
0xf: {  	[smem:$0x3FA6] =	sst s7  }
0x10: {  	[smem:$0x3FA7] =	sst s8  }
0x11: {  	[smem:$0x3FA8] =	sst s9;
	s0 =	simm.s32 @!p0 $0x0  }
0x12: {  	s1 =	sld [smem:$0x3F8E];
	s0 =	simm.s32 @p0 $0x1  }
0x13: {  	[smem:$0x3FA9] =	sst s0;
	s0 =	simm.s32 @!p1 $0x0  }
0x14: {  	s2 =	sld [smem:$0x3F8D];
	s0 =	simm.s32 @p1 $0x1  }
0x15: {  	[smem:$0x3FAA] =	sst s0;
	s0 =	simm.s32 @!p2 $0x0  }
0x16: {  	s3 =	sld [smem:$0x3FDB];
	s0 =	simm.s32 @p2 $0x1  }
0x17: {  	s4 =	simm.s32 $0x1BF5;
	[smem:$0x3FAC] =	sst s0  }
0x18: {  	s0 =	sld [smem:$0x3F8F];
	_ =	swait.ge [sflag:s4], $0x0  }
0x19: {  	s7 =	sld [smem:$0x3F90]  }
0x1a: {  	s8 =	sadd.s32 $0xFFFFE003, lr  }
0x1b: {  	s9 =	sadd.s32 $0xFFFFFEF7, lr;
	s5 =	simm.s32 $0xFFFFFFFF;
	p2 =	slt.u32 s8, $0xFFFFF086  }
0x1c: {  	p1 =	slt.u32 s9, $0xF7A;
	s5 =	simm.s32 @!p2 $0x0  }
0x1d: {  	s5 =	simm.s32 @p1 $0x1;
	p0 =	seq.s32 s7, s2  }
0x1e: {  	s7 =	smul.u32 @!p0 $0xF7A, s2;
	p2 =	seq.s32 @!p0 s5, $0x0  }
0x1f: {  	s9 =	smul.u32 $0xF7A, s1;
	s8 =	simm.s32 @!p0 $0x1BF5;
	p2 =	por !p2, p0  }
0x20: {  	[sflag:s8] =	ssyncset.s32 @!p0 $0xFFFFF086;
	s6 =	sadd.s32 @!p0 s3, s7;
	s7 =	simm.s32 @!p0 $0x108  }
0x21: {  	s3 =	sadd.s32 s3, s9;
	s6 =	sadd.s32 @!p0 $0x88, s6;
	s7 =	simm.s32 @p2 $0x1082  }
0x22: {  	[simem:s7], [sflag:s8] =	dma.local @!p0 [hbm:s6], $0xF7A  }
0x23: {  	s9 =	sor.u32 $0xD0000000, s2;
	s6 =	simm.s32 $0x108;
	_ =	swait.ge @!p0 [sflag:s8], $0x0  }
0x24: {  	s3 =	sadd.s32 $0x88, s3;
	s6 =	simm.s32 @!p1 $0x1082;
	[sflag:s4] =	ssyncset.s32 $0xFFFFF086  }
0x25: {  	[simem:s6], [sflag:s4] =	dma.local [hbm:s3], $0xF7A  }
0x26: {  	[smem:$0x3F90] =	sst s1;
	(tag) =	ssettag s2;
	_ =	strace s9  }
0x27: {  	s1 =	sld [smem:$0x3FA0]  }
0x28: {  	s2 =	sld [smem:$0x3FA1]  }
0x29: {  	s4 =	sld [smem:$0x3FA3]  }
0x2a: {  	p0 =	seq.s32 s5, $0x0;
	s5 =	sld [smem:$0x3FA4]  }
0x2b: {  	s6 =	sld [smem:$0x3FA5]  }
0x2c: {  	s7 =	sld [smem:$0x3FA6]  }
0x2d: {  	s3 =	simm.s32 $0x108;
	s8 =	sld [smem:$0x3FA7]  }
0x2e: {  	s3 =	simm.s32 @!p0 $0x1082;
	s9 =	sld [smem:$0x3FA8]  }
0x2f: {  	lr =	sadd.s32 s0, s3;
	s0 =	sld [smem:$0x3F9F]  }
0x30: {  	s3 =	sld [smem:$0x3FA2]  }
0x31: {  	[smem:$0x3FAB] =	sst s10  }
0x32: {  	s10 =	sld [smem:$0x3FA9];
	_ =	sdelay $0x3  }
0x33: {  	p0 =	seq.s32 s10, $0x1;
	s10 =	sld [smem:$0x3FAB];
	_ =	sdelay $0x3  }
0x34: {  	[smem:$0x3FAB] =	sst s10  }
0x35: {  	s10 =	sld [smem:$0x3FAA];
	_ =	sdelay $0x3  }
0x36: {  	p1 =	seq.s32 s10, $0x1;
	s10 =	sld [smem:$0x3FAB];
	_ =	sdelay $0x3  }
0x37: {  	[smem:$0x3FAB] =	sst s10  }
0x38: {  	s10 =	sld [smem:$0x3FAC]  }
0x39: {  	_ = 	snop;
	(pc) =	sbr.ind lr, $3  }
0x3a: {  	_ = 	snop  }
0x3b: {  	_ = 	snop  }
0x3c: {  	p2 =	seq.s32 s10, $0x1;
	s10 =	sld [smem:$0x3FAB]  }
0x3d: {  	_ =	shalt  }
0x3e: {  	_ =	shalt  }
0x3f: {  	_ =	shalt  }
0x40: {  	_ =	shalt  }
0x41: {  	_ =	shalt  }
0x42: {  	_ =	shalt  }
0x43: {  	_ =	shalt  }
0x44: {  	_ =	shalt  }
0x45: {  	_ =	shalt  }
0x46: {  	_ =	shalt  }
0x47: {  	_ =	shalt  }
0x48: {  	_ =	shalt  }
0x49: {  	_ =	shalt  }
0x4a: {  	_ =	shalt  }
0x4b: {  	_ =	shalt  }
0x4c: {  	_ =	shalt  }
0x4d: {  	_ =	shalt  }
0x4e: {  	_ =	shalt  }
0x4f: {  	_ =	shalt  }
0x50: {  	_ =	shalt  }
0x51: {  	_ =	shalt  }
0x52: {  	_ =	shalt  }
0x53: {  	_ =	shalt  }
0x54: {  	_ =	shalt  }
0x55: {  	_ =	shalt  }
0x56: {  	_ =	shalt  }
0x57: {  	_ =	shalt  }
0x58: {  	_ =	shalt  }
0x59: {  	_ =	shalt  }
0x5a: {  	_ =	shalt  }
0x5b: {  	_ =	shalt  }
0x5c: {  	_ =	shalt  }
0x5d: {  	_ =	shalt  }
0x5e: {  	_ =	shalt  }
0x5f: {  	_ =	shalt  }
0x60: {  	_ =	shalt  }
0x61: {  	_ =	shalt  }
0x62: {  	_ =	shalt  }
0x63: {  	_ =	shalt  }
0x64: {  	_ =	shalt  }
0x65: {  	_ =	shalt  }
0x66: {  	_ =	shalt  }
0x67: {  	_ =	shalt  }
0x68: {  	_ =	shalt  }
0x69: {  	_ =	shalt  }
0x6a: {  	_ =	shalt  }
0x6b: {  	_ =	shalt  }
0x6c: {  	_ =	shalt  }
0x6d: {  	_ =	shalt  }
0x6e: {  	_ =	shalt  }
0x6f: {  	_ =	shalt  }
0x70: {  	_ =	shalt  }
0x71: {  	_ =	shalt  }
0x72: {  	_ =	shalt  }
0x73: {  	_ =	shalt  }
0x74: {  	_ =	shalt  }
0x75: {  	_ =	shalt  }
0x76: {  	_ =	shalt  }
0x77: {  	_ =	shalt  }
0x78: {  	_ =	shalt  }
0x79: {  	_ =	shalt  }
0x7a: {  	_ =	shalt  }
0x7b: {  	_ =	shalt  }
0x7c: {  	_ =	shalt  }
0x7d: {  	_ =	shalt  }
0x7e: {  	_ =	shalt  }
0x7f: {  	_ =	shalt  }
0x80: {  	_ =	shalt  }
0x81: {  	_ =	shalt  }
0x82: {  	_ =	shalt  }
0x83: {  	_ =	shalt  }
0x84: {  	_ =	shalt  }
0x85: {  	_ =	shalt  }
0x86: {  	_ =	shalt  }
0x87: {  	_ =	shalt  }
.Lfunc_end0:
.L_simem_size_0:
called_computation_lowered:
.L_overlay_start_0:
0x88: {  	s2 =	sld [smem:$0x3FD9]  }
0x89: {  	s3 =	sld [smem:$0x3FFE];
	_ =	sdelay $0x1  }
0x8a: {  	s1 =	srdreg.scid  }
0x8b: {  	s0 =	sand.u32 $0x1, s1  }
0x8c: {  	s16 =	sshll.u32 s0, $0xA;
	s2 =	sadd.s32 s3, s2  }
0x8d: {  	s2 =	sadd.s32 s2, s16  }
0x8e: {  	[smem:$0x3FB7] =	sst s2  }
0x8f: {  	_ = 	snop  }
0x90: {  	(tm) =	ssettm $0x1  }
0x91: {  	s17 =	sld [smem:$0x3FFB];
	_ =	sdelay $0x3  }
0x92: {  	_ =	strace s17  }
0x93: {  	s2 =	sld [smem:$0x3FFC];
	_ =	sdelay $0x3  }
0x94: {  	_ =	strace s2  }
0x95: {  	s2 =	sld [smem:$0x3FFD];
	_ =	sdelay $0x3  }
0x96: {  	_ =	strace s2  }
0x97: {  	_ =	strace $0x8FFFFFFF  }
0x98: {  	s18 =	sld [smem:$0x3FDB];
	_ =	sdelay $0x1  }
0x99: {  	s19 =	simm.s32 $_scs_section_size  }
0x9a: {  	s4 =	simm.s32 $_size__tile_overlayer_lowered;
	s5 =	simm.s32 $_tile_overlayer_lowered  }
0x9b: {  	s22 =	simm.s32 $0x1BFF;
	s21 =	sshll.u32 s5, $0x1;
	s2 =	sadd.s32 s19, s18  }
0x9c: {  	s6 =	simm.s32 $0x0;
	s20 =	sshll.u32 s4, $0x1;
	s4 =	sadd.s32 s21, s2  }
0x9d: {  	[timem:s6], [sflag:s22] =	dma.local [hbm:s4], s20  }
0x9e: {  	_ =	swait.ge [sflag:s22], s20  }
0x9f: {  	s3 =	ssub.s32 $0x0, s20;
	[sflag:s22] =	ssyncset.done $0x0  }
0xa0: {  	[sflag:s22] =	ssyncadd.s32 s3;
	_ =	sdelay $0x1  }
0xa1: {  	s23 =	simm.s32 $0x1B8B  }
0xa2: {  	_ =	swait.ge [sflag:s23], $0x1  }
0xa3: {  	[sflag:s23] =	ssyncset.done $0x0  }
0xa4: {  	s25 =	simm.s32 $0x1B8E;
	s24 =	sld [smem:$0x3FFE];
	[sflag:s23] =	ssyncadd.s32 $0xFFFFFFFF  }
0xa5: {  	s26 =	simm.s32 $execute0_lowered;
	[smem:$0x3FD2] =	sst s25  }
0xa6: {  	s4 =	sshll.u32 s26, $0x1;
	_ =	strace $0x80000046;
	[dreg:$0x1] =	wrdreg $0xFFFFFFFF  }
0xa7: {  	s28 =	simm.s32 $_size_execute0_lowered;
	s2 =	sadd.s32 s2, s4;
	[dreg:$0x0] =	wrdreg $0x0  }
0xa8: {  	s4 =	sshll.u32 s28, $0x1;
	[dreg:$0x2] =	wrdreg s2  }
0xa9: {  	[dreg:$0x3] =	wrdreg s4  }
0xaa: {  	[dreg:$0x4] =	wrdreg $0xC0  }
0xab: {  	_ =	task [dreg:s6], $0x5FFFF  }
0xac: {  	[dreg:$0x1] =	wrdreg $0xFFFFFFFF  }
0xad: {  	[dreg:$0x0] =	wrdreg $0x60  }
0xae: {  	[dreg:$0x2] =	wrdreg s24  }
0xaf: {  	[dreg:$0x3] =	wrdreg $0x90000  }
0xb0: {  	[dreg:$0x4] =	wrdreg $0x9  }
0xb1: {  	_ =	task.clear_ibuf [dreg:s6], $0x5FFFF;
	_ =	strace $0x90000046  }
0xb2: {  	s29 =	simm.s32 $0x9;
	_ =	strace $0x80000048  }
0xb3: {  	_ =	swait.ge [sflag:s29], $0x1  }
0xb4: {  	[sflag:s29] =	ssyncadd.s32 $0xFFFFFFFF  }
0xb5: {  	_ =	strace $0x90000048  }
0xb6: {  	_ =	sfence  }
0xb7: {  	s30 =	sld [smem:$0x0];
	_ =	sdelay $0x2  }
0xb8: {  	s31 =	sshll.u32 s1, $0xD;
	s1 =	sshrl.u32 s1, $0x2  }
0xb9: {  	s3 =	sand.u32 $0x4000, s31;
	s1 =	sadd.s32 s1, s30  }
0xba: {  	s0 =	sor.u32 s3, s0;
	s1 =	sshll.u32 s1, $0x11  }
0xbb: {  	s0 =	sor.u32 s1, s0  }
0xbc: {  	s0 =	sadd.s32 $0x8F2B, s0  }
0xbd: {  	[sflag:s0] =	ssyncadd.remote.s32 $0x1  }
0xbe: {  	_ =	sfence.sel $0xFFFF  }
0xbf: {  	[dreg:$0x0] =	wrdreg $0xFFFFFFFF;
	(pc) =	sbr.abs _section_cstart, $3  }
0xc0: {  	[dreg:$0x1] =	wrdreg $0xFFFFFFFF  }
0xc1: {  	_ =	task.clear_ibuf [dreg:s6], $0x2FFFF;
	_ =	strace $0x9FFFFFFF  }
0xc2: {  	(tm) =	ssettm $0x7FFFFFFF  }
0xc3: {  	_ =	shalt  }
tec
execute0_lowered:
.L_overlay_start_1:
0x0: {  	(tag) =	ssettag $0x1  }
0x1: {  	s5 =	rddreg [dreg:$0x0]  }
0x2: {  	s0 =	srdreg.scid;
	s2 =	rddreg [dreg:$0x1]  }
0x3: {  	s1 =	rddreg [dreg:$0x2];
	s7 =	sand.u32 $0x1, s0  }
0x4: {  	s3 =	simm.s32 $0x0;
	s0 =	stileid.u32;
	s4 =	smul.u32 $0x140000, s7  }
0x5: {  	s13 =	simm.s32 $0x5000;
	s14 =	simm.s32 $0x1;
	s6 =	smul.u32 $0x14000, s0  }
0x6: {  	s15 =	simm.s32 $0x80;
	[smem:$0x7FF] =	sst s3;
	s30 =	smul.u32 $0x50000, s0  }
0x7: {  	s8 =	smul.u32 $0xA000, s0;
	_ =	strace $0x80000047;
	s31 =	ssub.s32 $0x2, s7  }
0x8: {  	s12 =	smul.u32 $0xA000, s7;
	s16 =	sshll.u32 s0, $0x6;
	s10 =	sshrl.u32 s31, $0x1  }
0x9: {  	s16 =	sor.u32 $0x1C01, s16;
	s4 =	sadd.s32 s6, s4;
	s6 =	sshrl.u32 s30, $0x2  }
0xa: {  	s8 =	sshrl.u32 s8, $0x3;
	s10 =	ssub.s32 s31, s10;
	s4 =	sshrl.u32 s4, $0x3  }
0xb: {  	s12 =	sshrl.u32 s12, $0x2;
	s9 =	sadd.s32 s4, s5;
	s5 =	sadd.s32 s5, s8  }
0xc: {  	s7 =	smax.u32 s10, $0x1;
	s4 =	sadd.s32 s6, s2;
	s5 =	sadd.s32 $0x6800, s5  }
0xd: {  	s6 =	sadd.s32 $0x19E00, s9;
	s8 =	sadd.s32 $0x4000, s4;
	s9 =	sadd.s32 $0x8000, s4  }
0xe: {  	v0 =	vimm.f32 $0.0e+00;
	v1 =	vimm.f32 $1.000000000e+00;
	s10 =	sadd.s32 $0xC000, s4;
	s11 =	sadd.s32 $0x10000, s4;
	s17 =	sshrl.u32 s4, $0x3  }
.LBB2_1:
0xf: {  	s18 =	simm.s32 $0x0;
	s19 =	simm.s32 $0x200  }
.LBB2_2:
0x10: {  	p0 =	sne.s32 s19, $0xFE00;
	[tilespmem:s18+$0x5070] =	vst v0  }
0x11: {  	[tilespmem:s18+$0x5000] =	vst v0  }
0x12: {  	[tilespmem:s18+$0x5010] =	vst v0  }
.Ltmp0:
0x13: {  	[tilespmem:s18+$0x5020] =	vst v0;
	(pc) =	sbr.rel @p0 .LBB2_2-.Ltmp0, $4  }
0x14: {  	[tilespmem:s18+$0x5030] =	vst v0  }
0x15: {  	[tilespmem:s18+$0x5040] =	vst v0  }
0x16: {  	[tilespmem:s18+$0x5050] =	vst v0  }
0x17: {  	[tilespmem:s18+$0x5060] =	vst v0;
	s18 =	sshra.s32 s19, $0x2;
	s19 =	sadd.s32 $0x200, s19  }
0x18: {  	[tilespmem:s18+$0x5070] =	vst v0  }
0x19: {  	[tilespmem:s18+$0x5000] =	vst v0  }
0x1a: {  	[tilespmem:s18+$0x5010] =	vst v0  }
0x1b: {  	[tilespmem:s18+$0x5020] =	vst v0  }
0x1c: {  	[tilespmem:s18+$0x5030] =	vst v0  }
0x1d: {  	[tilespmem:s18+$0x5040] =	vst v0  }
0x1e: {  	[tilespmem:s18+$0x5050] =	vst v0  }
0x1f: {  	[tilespmem:s18+$0x5060] =	vst v0  }
0x20: {  	[spmem:s4] =	stream.linear.scatter [tilespmem:s13], [sflag:$0x1], $0x4000, $0x38;
	[tilespmem:$0x1D000] =	vst v63  }
0x21: {  	_ =	swait.ge [sflag:s14], $0x4000  }
0x22: {  	[sflag:s14] =	ssyncset.done $0x0  }
0x23: {  	[sflag:s14] =	ssyncadd.s32 $0xFFFFC000  }
0x24: {  	[spmem:s8] =	stream.linear.scatter [tilespmem:s13], [sflag:$0x1], $0x4000, $0x38;
	[tilespmem:$0x1D000] =	vst v63  }
0x25: {  	_ =	swait.ge [sflag:s14], $0x4000  }
0x26: {  	[sflag:s14] =	ssyncset.done $0x0  }
0x27: {  	[sflag:s14] =	ssyncadd.s32 $0xFFFFC000  }
0x28: {  	[spmem:s9] =	stream.linear.scatter [tilespmem:s13], [sflag:$0x1], $0x4000, $0x38;
	[tilespmem:$0x1D000] =	vst v63  }
0x29: {  	_ =	swait.ge [sflag:s14], $0x4000  }
0x2a: {  	[sflag:s14] =	ssyncset.done $0x0  }
0x2b: {  	[sflag:s14] =	ssyncadd.s32 $0xFFFFC000  }
0x2c: {  	[spmem:s10] =	stream.linear.scatter [tilespmem:s13], [sflag:$0x1], $0x4000, $0x38;
	[tilespmem:$0x1D000] =	vst v63  }
0x2d: {  	_ =	swait.ge [sflag:s14], $0x4000  }
0x2e: {  	[sflag:s14] =	ssyncset.done $0x0  }
0x2f: {  	[sflag:s14] =	ssyncadd.s32 $0xFFFFC000  }
0x30: {  	[spmem:s11] =	stream.linear.scatter [tilespmem:s13], [sflag:$0x1], $0x4000, $0x38;
	[tilespmem:$0x1D000] =	vst v63  }
0x31: {  	_ =	swait.ge [sflag:s14], $0x4000  }
0x32: {  	[sflag:s14] =	ssyncset.done $0x0  }
0x33: {  	[sflag:s14] =	ssyncadd.s32 $0xFFFFC000  }
0x34: {  	s18 =	simm.s32 $0x0;
	s19 =	simm.s32 $0x200;
	[bflag:$0x0] =	sbarrier.arrive $0xFFFF  }
.LBB2_4:
0x35: {  	p0 =	sne.s32 s19, $0xFE00;
	[tilespmem:s18+$0x5070] =	vst v1  }
0x36: {  	[tilespmem:s18+$0x5000] =	vst v1  }
0x37: {  	[tilespmem:s18+$0x5010] =	vst v1  }
.Ltmp1:
0x38: {  	[tilespmem:s18+$0x5020] =	vst v1;
	(pc) =	sbr.rel @p0 .LBB2_4-.Ltmp1, $4  }
0x39: {  	[tilespmem:s18+$0x5030] =	vst v1  }
0x3a: {  	[tilespmem:s18+$0x5040] =	vst v1  }
0x3b: {  	[tilespmem:s18+$0x5050] =	vst v1  }
0x3c: {  	[tilespmem:s18+$0x5060] =	vst v1;
	s18 =	sshra.s32 s19, $0x2;
	s19 =	sadd.s32 $0x200, s19  }
0x3d: {  	[tilespmem:s18+$0x5070] =	vst v1  }
0x3e: {  	[tilespmem:s18+$0x5000] =	vst v1  }
0x3f: {  	[tilespmem:s18+$0x5010] =	vst v1  }
0x40: {  	[tilespmem:s18+$0x5020] =	vst v1  }
0x41: {  	[tilespmem:s18+$0x5030] =	vst v1  }
0x42: {  	[tilespmem:s18+$0x5040] =	vst v1  }
0x43: {  	[tilespmem:s18+$0x5050] =	vst v1  }
0x44: {  	[tilespmem:s18+$0x5060] =	vst v1;
	s30 =	simm.s32 $0x0  }
0x45: {  	[tilespmem:s30], [sflag:$0x1] =	stream.linear.gather [hbm4b:s5+s30], $0x5000, $0x38;
	[tilespmem:$0x1D000] =	vst v63  }
0x46: {  	_ =	swait.ge [sflag:s14], $0x5000  }
0x47: {  	[sflag:s14] =	ssyncset.done $0x0  }
0x48: {  	s31 =	sadd.s32 $0x0, s12;
	[sflag:s14] =	ssyncadd.s32 $0xFFFFB000  }
0x49: {  	[spmem:s2] =	stream.indirect.scatter.add.f32 [tilespmem:s13], [sflag:$0x1], $0x80, s31, s15, $0xb8;
	[tilespmem:$0x1D000] =	vst v63  }
0x4a: {  	s18 =	simm.s32 $0x200;
	_ =	swait.ge [sflag:s14], $0x4000  }
.LBB2_6:
0x4b: {  	s19 =	sshra.s32 s18, $0x2;
	[sflag:s14] =	ssyncset.done $0x0;
	p0 =	sne.s32 s18, $0x9E00  }
.Ltmp2:
0x4c: {  	s19 =	sadd.s32 s19, s12;
	[sflag:s14] =	ssyncadd.s32 $0xFFFFC000;
	(pc) =	sbr.rel @p0 .LBB2_6-.Ltmp2, $3  }
0x4d: {  	[spmem:s2] =	stream.indirect.scatter.add.f32 [tilespmem:s13], [sflag:$0x1], $0x80, s19, s15, $0xb8;
	[tilespmem:$0x1D000] =	vst v63  }
0x4e: {  	s18 =	sadd.s32 $0x200, s18;
	_ =	sdelay $0x1  }
0x4f: {  	_ =	swait.ge [sflag:s14], $0x4000  }
0x50: {  	[sflag:s14] =	ssyncset.done $0x0;
	s3 =	sadd.s32 $0x1, s3  }
0x51: {  	[sflag:s14] =	ssyncadd.s32 $0xFFFFC000;
	p0 =	sne.s32 s3, s7  }
.Ltmp3:
0x52: {  	[bflag:$0x0] =	sbarrier.arrive $0xFFFF;
	(pc) =	sbr.rel @p0 .LBB2_1-.Ltmp3, $4  }
0x53: {  	[hbm:s6], [sflag:s16] =	dma.local [spmem:s17], $0x2800  }
0x54: {  	_ =	swait.ge [sflag:s14], $0x2800  }
0x55: {  	[sflag:s14] =	ssyncset.done $0x0  }
0x56: {  	[sflag:s14] =	ssyncadd.s32 $0xFFFFD800  }
0x57: {  	_ =	sfence.sel $0x180000  }
0x58: {  	[bflag:$0x0] =	sbarrier.arrive $0xFFFF  }
0x59: {  	p0 =	sne.s32 s0, $0x0;
	_ =	strace $0x90000047  }
0x5a: {  	s0 =	sadd.s32 @!p0 $0x100000, s1;
	[bflag:$0x2] =	sbarrier.arrive $0xFFFF  }
0x5b: {  	[sflag:s0] =	ssyncadd.tile.s32 @!p0 $0x1;
	_ =	shalt  }
.Lfunc_end2:
_tile_overlayer_lowered:
.L_overlay_start_2:
0x5c: {  	(tag) =	ssettag $0x2  }
0x5d: {  	s0 =	rddreg [dreg:$0x0];
	s2 =	stileid.u32  }
0x5e: {  	s1 =	rddreg [dreg:$0x1];
	p0 =	sne.s32 s2, $0x0  }
0x5f: {  	s3 =	rddreg [dreg:$0x2];
	[bflag:$0x3] =	sbarrier.arrive $0xFFFF;
	s2 =	simm.s32 @!p0 $0x1C01  }
0x60: {  	[timem:s3], [sflag:s2] =	dma.local @!p0 [hbm:s0], s1  }
0x61: {  	s0 =	simm.s32 @!p0 $0x1  }
0x62: {  	_ =	swait.ge @!p0 [sflag:s0], s1  }
0x63: {  	s1 =	ssub.s32 @!p0 $0x0, s1;
	[sflag:s0] =	ssyncset.done @!p0 $0x0  }
0x64: {  	[sflag:s0] =	ssyncadd.s32 @!p0 s1  }
0x65: {  	[bflag:$0x3] =	sbarrier.arrive $0xFFFF  }
0x66: {  	_ =	shalt  }

// kernel: kernel.15.cloned.1.call-start
scs
__scs_entry_jumppad:
0x0: {  	(pc) =	sbr.rel $0x88, $3  }
0x1: {  	(tag) =	ssettag $0x0;
	lr =	simm.s32 $0x1  }
0x2: {  	[smem:$0x3F90] =	sst lr;
	_ =	strace $0xD0000000  }
0x3: {  	_ = 	snop  }
0x4: {  	_ = 	snop  }
0x5: {  	_ = 	snop  }
0x6: {  	_ = 	snop  }
0x7: {  	_ = 	snop  }
__scs_overlays_trampoline_lowered:
0x8: {  	[smem:$0x3F9F] =	sst s0  }
0x9: {  	[smem:$0x3FA0] =	sst s1  }
0xa: {  	[smem:$0x3FA1] =	sst s2  }
0xb: {  	[smem:$0x3FA2] =	sst s3  }
0xc: {  	[smem:$0x3FA3] =	sst s4  }
0xd: {  	[smem:$0x3FA4] =	sst s5  }
0xe: {  	[smem:$0x3FA5] =	sst s6  }
0xf: {  	[smem:$0x3FA6] =	sst s7  }
0x10: {  	[smem:$0x3FA7] =	sst s8  }
0x11: {  	[smem:$0x3FA8] =	sst s9;
	s0 =	simm.s32 @!p0 $0x0  }
0x12: {  	s1 =	sld [smem:$0x3F8E];
	s0 =	simm.s32 @p0 $0x1  }
0x13: {  	[smem:$0x3FA9] =	sst s0;
	s0 =	simm.s32 @!p1 $0x0  }
0x14: {  	s2 =	sld [smem:$0x3F8D];
	s0 =	simm.s32 @p1 $0x1  }
0x15: {  	[smem:$0x3FAA] =	sst s0;
	s0 =	simm.s32 @!p2 $0x0  }
0x16: {  	s3 =	sld [smem:$0x3FDB];
	s0 =	simm.s32 @p2 $0x1  }
0x17: {  	s4 =	simm.s32 $0x1BF5;
	[smem:$0x3FAC] =	sst s0  }
0x18: {  	s0 =	sld [smem:$0x3F8F];
	_ =	swait.ge [sflag:s4], $0x0  }
0x19: {  	s7 =	sld [smem:$0x3F90]  }
0x1a: {  	s8 =	sadd.s32 $0xFFFFE003, lr  }
0x1b: {  	s9 =	sadd.s32 $0xFFFFFEF7, lr;
	s5 =	simm.s32 $0xFFFFFFFF;
	p2 =	slt.u32 s8, $0xFFFFF086  }
0x1c: {  	p1 =	slt.u32 s9, $0xF7A;
	s5 =	simm.s32 @!p2 $0x0  }
0x1d: {  	s5 =	simm.s32 @p1 $0x1;
	p0 =	seq.s32 s7, s2  }
0x1e: {  	s7 =	smul.u32 @!p0 $0xF7A, s2;
	p2 =	seq.s32 @!p0 s5, $0x0  }
0x1f: {  	s9 =	smul.u32 $0xF7A, s1;
	s8 =	simm.s32 @!p0 $0x1BF5;
	p2 =	por !p2, p0  }
0x20: {  	[sflag:s8] =	ssyncset.s32 @!p0 $0xFFFFF086;
	s6 =	sadd.s32 @!p0 s3, s7;
	s7 =	simm.s32 @!p0 $0x108  }
0x21: {  	s3 =	sadd.s32 s3, s9;
	s6 =	sadd.s32 @!p0 $0x88, s6;
	s7 =	simm.s32 @p2 $0x1082  }
0x22: {  	[simem:s7], [sflag:s8] =	dma.local @!p0 [hbm:s6], $0xF7A  }
0x23: {  	s9 =	sor.u32 $0xD0000000, s2;
	s6 =	simm.s32 $0x108;
	_ =	swait.ge @!p0 [sflag:s8], $0x0  }
0x24: {  	s3 =	sadd.s32 $0x88, s3;
	s6 =	simm.s32 @!p1 $0x1082;
	[sflag:s4] =	ssyncset.s32 $0xFFFFF086  }
0x25: {  	[simem:s6], [sflag:s4] =	dma.local [hbm:s3], $0xF7A  }
0x26: {  	[smem:$0x3F90] =	sst s1;
	(tag) =	ssettag s2;
	_ =	strace s9  }
0x27: {  	s1 =	sld [smem:$0x3FA0]  }
0x28: {  	s2 =	sld [smem:$0x3FA1]  }
0x29: {  	s4 =	sld [smem:$0x3FA3]  }
0x2a: {  	p0 =	seq.s32 s5, $0x0;
	s5 =	sld [smem:$0x3FA4]  }
0x2b: {  	s6 =	sld [smem:$0x3FA5]  }
0x2c: {  	s7 =	sld [smem:$0x3FA6]  }
0x2d: {  	s3 =	simm.s32 $0x108;
	s8 =	sld [smem:$0x3FA7]  }
0x2e: {  	s3 =	simm.s32 @!p0 $0x1082;
	s9 =	sld [smem:$0x3FA8]  }
0x2f: {  	lr =	sadd.s32 s0, s3;
	s0 =	sld [smem:$0x3F9F]  }
0x30: {  	s3 =	sld [smem:$0x3FA2]  }
0x31: {  	[smem:$0x3FAB] =	sst s10  }
0x32: {  	s10 =	sld [smem:$0x3FA9];
	_ =	sdelay $0x3  }
0x33: {  	p0 =	seq.s32 s10, $0x1;
	s10 =	sld [smem:$0x3FAB];
	_ =	sdelay $0x3  }
0x34: {  	[smem:$0x3FAB] =	sst s10  }
0x35: {  	s10 =	sld [smem:$0x3FAA];
	_ =	sdelay $0x3  }
0x36: {  	p1 =	seq.s32 s10, $0x1;
	s10 =	sld [smem:$0x3FAB];
	_ =	sdelay $0x3  }
0x37: {  	[smem:$0x3FAB] =	sst s10  }
0x38: {  	s10 =	sld [smem:$0x3FAC]  }
0x39: {  	_ = 	snop;
	(pc) =	sbr.ind lr, $3  }
0x3a: {  	_ = 	snop  }
0x3b: {  	_ = 	snop  }
0x3c: {  	p2 =	seq.s32 s10, $0x1;
	s10 =	sld [smem:$0x3FAB]  }
0x3d: {  	_ =	shalt  }
0x3e: {  	_ =	shalt  }
0x3f: {  	_ =	shalt  }
0x40: {  	_ =	shalt  }
0x41: {  	_ =	shalt  }
0x42: {  	_ =	shalt  }
0x43: {  	_ =	shalt  }
0x44: {  	_ =	shalt  }
0x45: {  	_ =	shalt  }
0x46: {  	_ =	shalt  }
0x47: {  	_ =	shalt  }
0x48: {  	_ =	shalt  }
0x49: {  	_ =	shalt  }
0x4a: {  	_ =	shalt  }
0x4b: {  	_ =	shalt  }
0x4c: {  	_ =	shalt  }
0x4d: {  	_ =	shalt  }
0x4e: {  	_ =	shalt  }
0x4f: {  	_ =	shalt  }
0x50: {  	_ =	shalt  }
0x51: {  	_ =	shalt  }
0x52: {  	_ =	shalt  }
0x53: {  	_ =	shalt  }
0x54: {  	_ =	shalt  }
0x55: {  	_ =	shalt  }
0x56: {  	_ =	shalt  }
0x57: {  	_ =	shalt  }
0x58: {  	_ =	shalt  }
0x59: {  	_ =	shalt  }
0x5a: {  	_ =	shalt  }
0x5b: {  	_ =	shalt  }
0x5c: {  	_ =	shalt  }
0x5d: {  	_ =	shalt  }
0x5e: {  	_ =	shalt  }
0x5f: {  	_ =	shalt  }
0x60: {  	_ =	shalt  }
0x61: {  	_ =	shalt  }
0x62: {  	_ =	shalt  }
0x63: {  	_ =	shalt  }
0x64: {  	_ =	shalt  }
0x65: {  	_ =	shalt  }
0x66: {  	_ =	shalt  }
0x67: {  	_ =	shalt  }
0x68: {  	_ =	shalt  }
0x69: {  	_ =	shalt  }
0x6a: {  	_ =	shalt  }
0x6b: {  	_ =	shalt  }
0x6c: {  	_ =	shalt  }
0x6d: {  	_ =	shalt  }
0x6e: {  	_ =	shalt  }
0x6f: {  	_ =	shalt  }
0x70: {  	_ =	shalt  }
0x71: {  	_ =	shalt  }
0x72: {  	_ =	shalt  }
0x73: {  	_ =	shalt  }
0x74: {  	_ =	shalt  }
0x75: {  	_ =	shalt  }
0x76: {  	_ =	shalt  }
0x77: {  	_ =	shalt  }
0x78: {  	_ =	shalt  }
0x79: {  	_ =	shalt  }
0x7a: {  	_ =	shalt  }
0x7b: {  	_ =	shalt  }
0x7c: {  	_ =	shalt  }
0x7d: {  	_ =	shalt  }
0x7e: {  	_ =	shalt  }
0x7f: {  	_ =	shalt  }
0x80: {  	_ =	shalt  }
0x81: {  	_ =	shalt  }
0x82: {  	_ =	shalt  }
0x83: {  	_ =	shalt  }
0x84: {  	_ =	shalt  }
0x85: {  	_ =	shalt  }
0x86: {  	_ =	shalt  }
0x87: {  	_ =	shalt  }
.Lfunc_end0:
.L_simem_size_0:
called_computation.1_lowered:
.L_overlay_start_0:
0x88: {  	s2 =	sld [smem:$0x3FD9]  }
0x89: {  	s3 =	sld [smem:$0x3FFE];
	_ =	sdelay $0x1  }
0x8a: {  	s1 =	srdreg.scid  }
0x8b: {  	s0 =	sand.u32 $0x1, s1  }
0x8c: {  	s16 =	sshll.u32 s0, $0xA;
	s2 =	sadd.s32 s3, s2  }
0x8d: {  	s2 =	sadd.s32 s2, s16  }
0x8e: {  	[smem:$0x3FB7] =	sst s2  }
0x8f: {  	_ = 	snop  }
0x90: {  	(tm) =	ssettm $0x1  }
0x91: {  	s17 =	sld [smem:$0x3FFB];
	_ =	sdelay $0x3  }
0x92: {  	_ =	strace s17  }
0x93: {  	s2 =	sld [smem:$0x3FFC];
	_ =	sdelay $0x3  }
0x94: {  	_ =	strace s2  }
0x95: {  	s2 =	sld [smem:$0x3FFD];
	_ =	sdelay $0x3  }
0x96: {  	_ =	strace s2  }
0x97: {  	_ =	strace $0x8FFFFFFF  }
0x98: {  	s18 =	sld [smem:$0x3FDB];
	_ =	sdelay $0x1  }
0x99: {  	s19 =	simm.s32 $_scs_section_size  }
0x9a: {  	s4 =	simm.s32 $_size__tile_overlayer_lowered;
	s5 =	simm.s32 $_tile_overlayer_lowered  }
0x9b: {  	s22 =	simm.s32 $0x1BFF;
	s21 =	sshll.u32 s5, $0x1;
	s2 =	sadd.s32 s19, s18  }
0x9c: {  	s6 =	simm.s32 $0x0;
	s20 =	sshll.u32 s4, $0x1;
	s4 =	sadd.s32 s21, s2  }
0x9d: {  	[timem:s6], [sflag:s22] =	dma.local [hbm:s4], s20  }
0x9e: {  	_ =	swait.ge [sflag:s22], s20  }
0x9f: {  	s3 =	ssub.s32 $0x0, s20;
	[sflag:s22] =	ssyncset.done $0x0  }
0xa0: {  	[sflag:s22] =	ssyncadd.s32 s3;
	_ =	sdelay $0x1  }
0xa1: {  	s23 =	simm.s32 $0x1B8B  }
0xa2: {  	_ =	swait.ge [sflag:s23], $0x1  }
0xa3: {  	[sflag:s23] =	ssyncset.done $0x0  }
0xa4: {  	s25 =	simm.s32 $0x1B8E;
	s24 =	sld [smem:$0x3FFE];
	[sflag:s23] =	ssyncadd.s32 $0xFFFFFFFF  }
0xa5: {  	s26 =	simm.s32 $execute0_lowered;
	[smem:$0x3FD2] =	sst s25  }
0xa6: {  	s4 =	sshll.u32 s26, $0x1;
	_ =	strace $0x80000049;
	[dreg:$0x1] =	wrdreg $0xFFFFFFFF  }
0xa7: {  	s28 =	simm.s32 $_size_execute0_lowered;
	s2 =	sadd.s32 s2, s4;
	[dreg:$0x0] =	wrdreg $0x0  }
0xa8: {  	s4 =	sshll.u32 s28, $0x1;
	[dreg:$0x2] =	wrdreg s2  }
0xa9: {  	[dreg:$0x3] =	wrdreg s4  }
0xaa: {  	[dreg:$0x4] =	wrdreg $0xC0  }
0xab: {  	_ =	task [dreg:s6], $0x5FFFF  }
0xac: {  	[dreg:$0x1] =	wrdreg $0xFFFFFFFF  }
0xad: {  	[dreg:$0x0] =	wrdreg $0x60  }
0xae: {  	[dreg:$0x2] =	wrdreg s24  }
0xaf: {  	[dreg:$0x3] =	wrdreg $0xB4000  }
0xb0: {  	[dreg:$0x4] =	wrdreg $0x9  }
0xb1: {  	_ =	task.clear_ibuf [dreg:s6], $0x5FFFF;
	_ =	strace $0x90000049  }
0xb2: {  	s29 =	simm.s32 $0x9;
	_ =	strace $0x8000004B  }
0xb3: {  	_ =	swait.ge [sflag:s29], $0x1  }
0xb4: {  	[sflag:s29] =	ssyncadd.s32 $0xFFFFFFFF  }
0xb5: {  	_ =	strace $0x9000004B  }
0xb6: {  	_ =	sfence  }
0xb7: {  	s30 =	sld [smem:$0x0];
	_ =	sdelay $0x2  }
0xb8: {  	s31 =	sshll.u32 s1, $0xD;
	s1 =	sshrl.u32 s1, $0x2  }
0xb9: {  	s3 =	sand.u32 $0x4000, s31;
	s1 =	sadd.s32 s1, s30  }
0xba: {  	s0 =	sor.u32 s3, s0;
	s1 =	sshll.u32 s1, $0x11  }
0xbb: {  	s0 =	sor.u32 s1, s0  }
0xbc: {  	s0 =	sadd.s32 $0x8F2B, s0  }
0xbd: {  	[sflag:s0] =	ssyncadd.remote.s32 $0x1  }
0xbe: {  	_ =	sfence.sel $0xFFFF  }
0xbf: {  	[dreg:$0x0] =	wrdreg $0xFFFFFFFF;
	(pc) =	sbr.abs _section_cstart, $3  }
0xc0: {  	[dreg:$0x1] =	wrdreg $0xFFFFFFFF  }
0xc1: {  	_ =	task.clear_ibuf [dreg:s6], $0x2FFFF;
	_ =	strace $0x9FFFFFFF  }
0xc2: {  	(tm) =	ssettm $0x7FFFFFFF  }
0xc3: {  	_ =	shalt  }
tec
execute0_lowered:
.L_overlay_start_1:
0x0: {  	(tag) =	ssettag $0x1  }
0x1: {  	s5 =	rddreg [dreg:$0x0]  }
0x2: {  	s1 =	rddreg [dreg:$0x1]  }
0x3: {  	s2 =	srdreg.scid;
	s0 =	rddreg [dreg:$0x2]  }
0x4: {  	s3 =	simm.s32 $0x0;
	s14 =	simm.s32 $0x7400;
	s15 =	simm.s32 $0x2  }
0x5: {  	s16 =	simm.s32 $0x80;
	s17 =	simm.s32 $0x1;
	s6 =	sand.u32 $0x1, s2  }
0x6: {  	s20 =	simm.s32 $0x0;
	s2 =	stileid.u32;
	s7 =	smul.u32 $0x140000, s6  }
0x7: {  	[smem:$0x7FF] =	sst s3;
	s4 =	sshll.u32 s2, $0x1;
	s8 =	smul.u32 $0x14000, s2  }
0x8: {  	_ =	strace $0x8000004A;
	s30 =	ssub.s32 $0x2, s6;
	s10 =	smul.u32 $0x50000, s2  }
0x9: {  	p0 =	seq.s32 s6, $0x0;
	s18 =	sshll.u32 s2, $0x6;
	s9 =	sor.u32 s6, s4  }
0xa: {  	s4 =	sadd.s32 $0x86E00, s5;
	s31 =	sshrl.u32 s30, $0x1;
	s18 =	sor.u32 $0x1C02, s18  }
0xb: {  	s9 =	smul.u32 $0xE80, s9;
	s7 =	sadd.s32 s8, s7;
	s10 =	sshrl.u32 s10, $0x2  }
0xc: {  	s12 =	ssub.s32 s30, s31;
	s7 =	sshrl.u32 s7, $0x3;
	s6 =	sadd.s32 s10, s1  }
0xd: {  	s9 =	sadd.s32 s9, s5;
	s11 =	sadd.s32 s7, s5;
	s5 =	simm.s32 $0x74  }
0xe: {  	s10 =	sadd.s32 $0x4000, s6;
	s13 =	sadd.s32 $0x10000, s6;
	s19 =	sshrl.u32 s6, $0x3  }
0xf: {  	s5 =	simm.s32 @!p0 $0x2C;
	s7 =	sadd.s32 $0x69E00, s9;
	s8 =	sadd.s32 $0xAEE00, s11  }
0x10: {  	v0 =	vimm.f32 $0.0e+00;
	s9 =	smax.u32 s12, $0x1;
	s11 =	sadd.s32 $0x8000, s6;
	s12 =	sadd.s32 $0xC000, s6  }
.LBB2_1:
0x11: {  	s21 =	simm.s32 $0x0;
	s22 =	simm.s32 $0x200  }
.LBB2_2:
0x12: {  	p0 =	sne.s32 s22, $0xFE00;
	[tilespmem:s21+$0x7470] =	vst v0  }
0x13: {  	[tilespmem:s21+$0x7400] =	vst v0  }
0x14: {  	[tilespmem:s21+$0x7410] =	vst v0  }
.Ltmp0:
0x15: {  	[tilespmem:s21+$0x7420] =	vst v0;
	(pc) =	sbr.rel @p0 .LBB2_2-.Ltmp0, $4  }
0x16: {  	[tilespmem:s21+$0x7430] =	vst v0  }
0x17: {  	[tilespmem:s21+$0x7440] =	vst v0  }
0x18: {  	[tilespmem:s21+$0x7450] =	vst v0  }
0x19: {  	[tilespmem:s21+$0x7460] =	vst v0;
	s21 =	sshra.s32 s22, $0x2;
	s22 =	sadd.s32 $0x200, s22  }
0x1a: {  	[tilespmem:s21+$0x7470] =	vst v0  }
0x1b: {  	[tilespmem:s21+$0x7400] =	vst v0  }
0x1c: {  	[tilespmem:s21+$0x7410] =	vst v0  }
0x1d: {  	[tilespmem:s21+$0x7420] =	vst v0  }
0x1e: {  	[tilespmem:s21+$0x7430] =	vst v0  }
0x1f: {  	[tilespmem:s21+$0x7440] =	vst v0  }
0x20: {  	[tilespmem:s21+$0x7450] =	vst v0  }
0x21: {  	[tilespmem:s21+$0x7460] =	vst v0  }
0x22: {  	[spmem:s6] =	stream.linear.scatter [tilespmem:s14], [sflag:$0x2], $0x4000, $0x38;
	[tilespmem:$0x1F400] =	vst v63  }
0x23: {  	_ =	swait.ge [sflag:s15], $0x4000  }
0x24: {  	[sflag:s15] =	ssyncset.done $0x0  }
0x25: {  	[sflag:s15] =	ssyncadd.s32 $0xFFFFC000  }
0x26: {  	[spmem:s10] =	stream.linear.scatter [tilespmem:s14], [sflag:$0x2], $0x4000, $0x38;
	[tilespmem:$0x1F400] =	vst v63  }
0x27: {  	_ =	swait.ge [sflag:s15], $0x4000  }
0x28: {  	[sflag:s15] =	ssyncset.done $0x0  }
0x29: {  	[sflag:s15] =	ssyncadd.s32 $0xFFFFC000  }
0x2a: {  	[spmem:s11] =	stream.linear.scatter [tilespmem:s14], [sflag:$0x2], $0x4000, $0x38;
	[tilespmem:$0x1F400] =	vst v63  }
0x2b: {  	_ =	swait.ge [sflag:s15], $0x4000  }
0x2c: {  	[sflag:s15] =	ssyncset.done $0x0  }
0x2d: {  	[sflag:s15] =	ssyncadd.s32 $0xFFFFC000  }
0x2e: {  	[spmem:s12] =	stream.linear.scatter [tilespmem:s14], [sflag:$0x2], $0x4000, $0x38;
	[tilespmem:$0x1F400] =	vst v63  }
0x2f: {  	_ =	swait.ge [sflag:s15], $0x4000  }
0x30: {  	[sflag:s15] =	ssyncset.done $0x0  }
0x31: {  	[sflag:s15] =	ssyncadd.s32 $0xFFFFC000  }
0x32: {  	[spmem:s13] =	stream.linear.scatter [tilespmem:s14], [sflag:$0x2], $0x4000, $0x38;
	[tilespmem:$0x1F400] =	vst v63  }
0x33: {  	_ =	swait.ge [sflag:s15], $0x4000  }
0x34: {  	[sflag:s15] =	ssyncset.done $0x0  }
0x35: {  	p1 =	sne.s32 s5, $0x1;
	[sflag:s15] =	ssyncadd.s32 $0xFFFFC000  }
.Ltmp1:
0x36: {  	[bflag:$0x0] =	sbarrier.arrive $0xFFFF;
	(pc) =	sbr.rel @!p1 .LBB2_6-.Ltmp1, $4  }
0x37: {  	[tilespmem:s3], [sflag:$0x2] =	stream.linear.gather [hbm4b:s7+s3], $0x7400, $0x38;
	[tilespmem:$0x1F400] =	vst v63  }
0x38: {  	_ =	swait.ge [sflag:s15], $0x7400  }
0x39: {  	s21 =	simm.s32 $0x3A00;
	[sflag:s15] =	ssyncset.done $0x0  }
0x3a: {  	s22 =	sadd.s32 $0xFFFFFFFF, s5;
	p0 =	por $0x0, $0x0;
	[sflag:s15] =	ssyncadd.s32 $0xFFFF8C00  }
0x3b: {  	s23 =	simm.s32 $0x0  }
0x3c: {  	[tilespmem:s14], [sflag:$0x1] =	stream.indirect.gather [hbm4b:s4+s16], $0x80, s23, s16, $0xb8;
	[tilespmem:$0x1F400] =	vst v63  }
0x3d: {  	p1 =	sne.s32 s22, $0x1;
	_ =	swait.ge [sflag:s17], $0x4000  }
.Ltmp2:
0x3e: {  	[sflag:s17] =	ssyncset.done $0x0;
	(pc) =	sbr.rel @!p1 .LBB2_6-.Ltmp2, $4  }
0x3f: {  	[sflag:s17] =	ssyncadd.s32 $0xFFFFC000  }
0x40: {  	[spmem:s1] =	stream.indirect.scatter.add.f32 [tilespmem:s14], [sflag:$0x2], $0x80, s21, s16, $0xb8;
	[tilespmem:$0x1F400] =	vst v63  }
0x41: {  	s22 =	sadd.s32 $0xFFFFFFFF, s22;
	_ =	swait.ge [sflag:s15], $0x4000  }
0x42: {  	p0 =	por $0x1, $0x1;
	s21 =	simm.s32 $0x3A80;
	[sflag:s15] =	ssyncset.done $0x0  }
.LBB2_5:
0x43: {  	p1 =	sne.s32 s22, $0x1;
	s23 =	sadd.s32 $0xFFFFC600, s21;
	[sflag:s15] =	ssyncadd.s32 $0xFFFFC000  }
0x44: {  	[tilespmem:s14], [sflag:$0x1] =	stream.indirect.gather [hbm4b:s4+s16], $0x80, s23, s16, $0xb8;
	[tilespmem:$0x1F400] =	vst v63  }
0x45: {  	s22 =	sadd.s32 $0xFFFFFFFF, s22;
	_ =	swait.ge [sflag:s17], $0x4000  }
.Ltmp3:
0x46: {  	[sflag:s17] =	ssyncset.done $0x0;
	(pc) =	sbr.rel @p1 .LBB2_5-.Ltmp3, $4  }
0x47: {  	[sflag:s17] =	ssyncadd.s32 $0xFFFFC000  }
0x48: {  	[spmem:s1] =	stream.indirect.scatter.add.f32 [tilespmem:s14], [sflag:$0x2], $0x80, s21, s16, $0xb8;
	[tilespmem:$0x1F400] =	vst v63  }
0x49: {  	_ =	swait.ge [sflag:s15], $0x4000  }
0x4a: {  	s21 =	sadd.s32 $0x80, s21;
	[sflag:s15] =	ssyncset.done $0x0  }
.LBB2_6:
0x4b: {  	s22 =	sadd.s32 $0xFFFFC600, s21;
	[sflag:s15] =	ssyncadd.s32 @p0 $0xFFFFC000  }
0x4c: {  	[tilespmem:s14], [sflag:$0x1] =	stream.indirect.gather [hbm4b:s4+s16], $0x80, s22, s16, $0xb8;
	[tilespmem:$0x1F400] =	vst v63  }
0x4d: {  	_ =	swait.ge [sflag:s17], $0x4000  }
0x4e: {  	[sflag:s17] =	ssyncset.done $0x0  }
0x4f: {  	[sflag:s17] =	ssyncadd.s32 $0xFFFFC000  }
0x50: {  	[spmem:s1] =	stream.indirect.scatter.add.f32 [tilespmem:s14], [sflag:$0x2], $0x80, s21, s16, $0xb8;
	[tilespmem:$0x1F400] =	vst v63  }
0x51: {  	_ =	swait.ge [sflag:s15], $0x4000  }
0x52: {  	s20 =	sadd.s32 $0x1, s20;
	[sflag:s15] =	ssyncset.done $0x0  }
0x53: {  	p0 =	sne.s32 s20, s9;
	[sflag:s15] =	ssyncadd.s32 $0xFFFFC000  }
.Ltmp4:
0x54: {  	[bflag:$0x0] =	sbarrier.arrive $0xFFFF;
	(pc) =	sbr.rel @p0 .LBB2_1-.Ltmp4, $4  }
0x55: {  	[hbm:s8], [sflag:s18] =	dma.local [spmem:s19], $0x2800  }
0x56: {  	_ =	swait.ge [sflag:s15], $0x2800  }
0x57: {  	[sflag:s15] =	ssyncset.done $0x0  }
0x58: {  	[sflag:s15] =	ssyncadd.s32 $0xFFFFD800  }
0x59: {  	_ =	sfence.sel $0x180000  }
0x5a: {  	[bflag:$0x0] =	sbarrier.arrive $0xFFFF  }
0x5b: {  	p0 =	sne.s32 s2, $0x0;
	_ =	strace $0x9000004A  }
0x5c: {  	s0 =	sadd.s32 @!p0 $0x100000, s0;
	[bflag:$0x2] =	sbarrier.arrive $0xFFFF  }
0x5d: {  	[sflag:s0] =	ssyncadd.tile.s32 @!p0 $0x1;
	_ =	shalt  }
.Lfunc_end2:
_tile_overlayer_lowered:
.L_overlay_start_2:
0x5e: {  	(tag) =	ssettag $0x2  }
0x5f: {  	s0 =	rddreg [dreg:$0x0];
	s2 =	stileid.u32  }
0x60: {  	s1 =	rddreg [dreg:$0x1];
	p0 =	sne.s32 s2, $0x0  }
0x61: {  	s3 =	rddreg [dreg:$0x2];
	[bflag:$0x3] =	sbarrier.arrive $0xFFFF;
	s2 =	simm.s32 @!p0 $0x1C02  }
0x62: {  	[timem:s3], [sflag:s2] =	dma.local @!p0 [hbm:s0], s1  }
0x63: {  	s0 =	simm.s32 @!p0 $0x2  }
0x64: {  	_ =	swait.ge @!p0 [sflag:s0], s1  }
0x65: {  	s1 =	ssub.s32 @!p0 $0x0, s1;
	[sflag:s0] =	ssyncset.done @!p0 $0x0  }
0x66: {  	[sflag:s0] =	ssyncadd.s32 @!p0 s1  }
0x67: {  	[bflag:$0x3] =	sbarrier.arrive $0xFFFF  }
0x68: {  	_ =	shalt  }

// kernel: kernel.18.cloned.1.call-start
scs
__scs_entry_jumppad:
0x0: {  	(pc) =	sbr.rel $0x88, $3  }
0x1: {  	(tag) =	ssettag $0x0;
	lr =	simm.s32 $0x1  }
0x2: {  	[smem:$0x3F90] =	sst lr;
	_ =	strace $0xD0000000  }
0x3: {  	_ = 	snop  }
0x4: {  	_ = 	snop  }
0x5: {  	_ = 	snop  }
0x6: {  	_ = 	snop  }
0x7: {  	_ = 	snop  }
__scs_overlays_trampoline_lowered:
0x8: {  	[smem:$0x3F9F] =	sst s0  }
0x9: {  	[smem:$0x3FA0] =	sst s1  }
0xa: {  	[smem:$0x3FA1] =	sst s2  }
0xb: {  	[smem:$0x3FA2] =	sst s3  }
0xc: {  	[smem:$0x3FA3] =	sst s4  }
0xd: {  	[smem:$0x3FA4] =	sst s5  }
0xe: {  	[smem:$0x3FA5] =	sst s6  }
0xf: {  	[smem:$0x3FA6] =	sst s7  }
0x10: {  	[smem:$0x3FA7] =	sst s8  }
0x11: {  	[smem:$0x3FA8] =	sst s9;
	s0 =	simm.s32 @!p0 $0x0  }
0x12: {  	s1 =	sld [smem:$0x3F8E];
	s0 =	simm.s32 @p0 $0x1  }
0x13: {  	[smem:$0x3FA9] =	sst s0;
	s0 =	simm.s32 @!p1 $0x0  }
0x14: {  	s2 =	sld [smem:$0x3F8D];
	s0 =	simm.s32 @p1 $0x1  }
0x15: {  	[smem:$0x3FAA] =	sst s0;
	s0 =	simm.s32 @!p2 $0x0  }
0x16: {  	s3 =	sld [smem:$0x3FDB];
	s0 =	simm.s32 @p2 $0x1  }
0x17: {  	s4 =	simm.s32 $0x1BF5;
	[smem:$0x3FAC] =	sst s0  }
0x18: {  	s0 =	sld [smem:$0x3F8F];
	_ =	swait.ge [sflag:s4], $0x0  }
0x19: {  	s7 =	sld [smem:$0x3F90]  }
0x1a: {  	s8 =	sadd.s32 $0xFFFFE003, lr  }
0x1b: {  	s9 =	sadd.s32 $0xFFFFFEF7, lr;
	s5 =	simm.s32 $0xFFFFFFFF;
	p2 =	slt.u32 s8, $0xFFFFF086  }
0x1c: {  	p1 =	slt.u32 s9, $0xF7A;
	s5 =	simm.s32 @!p2 $0x0  }
0x1d: {  	s5 =	simm.s32 @p1 $0x1;
	p0 =	seq.s32 s7, s2  }
0x1e: {  	s7 =	smul.u32 @!p0 $0xF7A, s2;
	p2 =	seq.s32 @!p0 s5, $0x0  }
0x1f: {  	s9 =	smul.u32 $0xF7A, s1;
	s8 =	simm.s32 @!p0 $0x1BF5;
	p2 =	por !p2, p0  }
0x20: {  	[sflag:s8] =	ssyncset.s32 @!p0 $0xFFFFF086;
	s6 =	sadd.s32 @!p0 s3, s7;
	s7 =	simm.s32 @!p0 $0x108  }
0x21: {  	s3 =	sadd.s32 s3, s9;
	s6 =	sadd.s32 @!p0 $0x88, s6;
	s7 =	simm.s32 @p2 $0x1082  }
0x22: {  	[simem:s7], [sflag:s8] =	dma.local @!p0 [hbm:s6], $0xF7A  }
0x23: {  	s9 =	sor.u32 $0xD0000000, s2;
	s6 =	simm.s32 $0x108;
	_ =	swait.ge @!p0 [sflag:s8], $0x0  }
0x24: {  	s3 =	sadd.s32 $0x88, s3;
	s6 =	simm.s32 @!p1 $0x1082;
	[sflag:s4] =	ssyncset.s32 $0xFFFFF086  }
0x25: {  	[simem:s6], [sflag:s4] =	dma.local [hbm:s3], $0xF7A  }
0x26: {  	[smem:$0x3F90] =	sst s1;
	(tag) =	ssettag s2;
	_ =	strace s9  }
0x27: {  	s1 =	sld [smem:$0x3FA0]  }
0x28: {  	s2 =	sld [smem:$0x3FA1]  }
0x29: {  	s4 =	sld [smem:$0x3FA3]  }
0x2a: {  	p0 =	seq.s32 s5, $0x0;
	s5 =	sld [smem:$0x3FA4]  }
0x2b: {  	s6 =	sld [smem:$0x3FA5]  }
0x2c: {  	s7 =	sld [smem:$0x3FA6]  }
0x2d: {  	s3 =	simm.s32 $0x108;
	s8 =	sld [smem:$0x3FA7]  }
0x2e: {  	s3 =	simm.s32 @!p0 $0x1082;
	s9 =	sld [smem:$0x3FA8]  }
0x2f: {  	lr =	sadd.s32 s0, s3;
	s0 =	sld [smem:$0x3F9F]  }
0x30: {  	s3 =	sld [smem:$0x3FA2]  }
0x31: {  	[smem:$0x3FAB] =	sst s10  }
0x32: {  	s10 =	sld [smem:$0x3FA9];
	_ =	sdelay $0x3  }
0x33: {  	p0 =	seq.s32 s10, $0x1;
	s10 =	sld [smem:$0x3FAB];
	_ =	sdelay $0x3  }
0x34: {  	[smem:$0x3FAB] =	sst s10  }
0x35: {  	s10 =	sld [smem:$0x3FAA];
	_ =	sdelay $0x3  }
0x36: {  	p1 =	seq.s32 s10, $0x1;
	s10 =	sld [smem:$0x3FAB];
	_ =	sdelay $0x3  }
0x37: {  	[smem:$0x3FAB] =	sst s10  }
0x38: {  	s10 =	sld [smem:$0x3FAC]  }
0x39: {  	_ = 	snop;
	(pc) =	sbr.ind lr, $3  }
0x3a: {  	_ = 	snop  }
0x3b: {  	_ = 	snop  }
0x3c: {  	p2 =	seq.s32 s10, $0x1;
	s10 =	sld [smem:$0x3FAB]  }
0x3d: {  	_ =	shalt  }
0x3e: {  	_ =	shalt  }
0x3f: {  	_ =	shalt  }
0x40: {  	_ =	shalt  }
0x41: {  	_ =	shalt  }
0x42: {  	_ =	shalt  }
0x43: {  	_ =	shalt  }
0x44: {  	_ =	shalt  }
0x45: {  	_ =	shalt  }
0x46: {  	_ =	shalt  }
0x47: {  	_ =	shalt  }
0x48: {  	_ =	shalt  }
0x49: {  	_ =	shalt  }
0x4a: {  	_ =	shalt  }
0x4b: {  	_ =	shalt  }
0x4c: {  	_ =	shalt  }
0x4d: {  	_ =	shalt  }
0x4e: {  	_ =	shalt  }
0x4f: {  	_ =	shalt  }
0x50: {  	_ =	shalt  }
0x51: {  	_ =	shalt  }
0x52: {  	_ =	shalt  }
0x53: {  	_ =	shalt  }
0x54: {  	_ =	shalt  }
0x55: {  	_ =	shalt  }
0x56: {  	_ =	shalt  }
0x57: {  	_ =	shalt  }
0x58: {  	_ =	shalt  }
0x59: {  	_ =	shalt  }
0x5a: {  	_ =	shalt  }
0x5b: {  	_ =	shalt  }
0x5c: {  	_ =	shalt  }
0x5d: {  	_ =	shalt  }
0x5e: {  	_ =	shalt  }
0x5f: {  	_ =	shalt  }
0x60: {  	_ =	shalt  }
0x61: {  	_ =	shalt  }
0x62: {  	_ =	shalt  }
0x63: {  	_ =	shalt  }
0x64: {  	_ =	shalt  }
0x65: {  	_ =	shalt  }
0x66: {  	_ =	shalt  }
0x67: {  	_ =	shalt  }
0x68: {  	_ =	shalt  }
0x69: {  	_ =	shalt  }
0x6a: {  	_ =	shalt  }
0x6b: {  	_ =	shalt  }
0x6c: {  	_ =	shalt  }
0x6d: {  	_ =	shalt  }
0x6e: {  	_ =	shalt  }
0x6f: {  	_ =	shalt  }
0x70: {  	_ =	shalt  }
0x71: {  	_ =	shalt  }
0x72: {  	_ =	shalt  }
0x73: {  	_ =	shalt  }
0x74: {  	_ =	shalt  }
0x75: {  	_ =	shalt  }
0x76: {  	_ =	shalt  }
0x77: {  	_ =	shalt  }
0x78: {  	_ =	shalt  }
0x79: {  	_ =	shalt  }
0x7a: {  	_ =	shalt  }
0x7b: {  	_ =	shalt  }
0x7c: {  	_ =	shalt  }
0x7d: {  	_ =	shalt  }
0x7e: {  	_ =	shalt  }
0x7f: {  	_ =	shalt  }
0x80: {  	_ =	shalt  }
0x81: {  	_ =	shalt  }
0x82: {  	_ =	shalt  }
0x83: {  	_ =	shalt  }
0x84: {  	_ =	shalt  }
0x85: {  	_ =	shalt  }
0x86: {  	_ =	shalt  }
0x87: {  	_ =	shalt  }
.Lfunc_end0:
.L_simem_size_0:
called_computation.2_lowered:
.L_overlay_start_0:
0x88: {  	s2 =	sld [smem:$0x3FD9]  }
0x89: {  	s3 =	sld [smem:$0x3FFE];
	_ =	sdelay $0x1  }
0x8a: {  	s1 =	srdreg.scid  }
0x8b: {  	s0 =	sand.u32 $0x1, s1  }
0x8c: {  	s16 =	sshll.u32 s0, $0xA;
	s2 =	sadd.s32 s3, s2  }
0x8d: {  	s2 =	sadd.s32 s2, s16  }
0x8e: {  	[smem:$0x3FB7] =	sst s2  }
0x8f: {  	_ = 	snop  }
0x90: {  	(tm) =	ssettm $0x1  }
0x91: {  	s17 =	sld [smem:$0x3FFB];
	_ =	sdelay $0x3  }
0x92: {  	_ =	strace s17  }
0x93: {  	s2 =	sld [smem:$0x3FFC];
	_ =	sdelay $0x3  }
0x94: {  	_ =	strace s2  }
0x95: {  	s2 =	sld [smem:$0x3FFD];
	_ =	sdelay $0x3  }
0x96: {  	_ =	strace s2  }
0x97: {  	_ =	strace $0x8FFFFFFF  }
0x98: {  	s18 =	sld [smem:$0x3FDB];
	_ =	sdelay $0x1  }
0x99: {  	s19 =	simm.s32 $_scs_section_size  }
0x9a: {  	s4 =	simm.s32 $_size__tile_overlayer_lowered;
	s5 =	simm.s32 $_tile_overlayer_lowered  }
0x9b: {  	s22 =	simm.s32 $0x1BFF;
	s21 =	sshll.u32 s5, $0x1;
	s2 =	sadd.s32 s19, s18  }
0x9c: {  	s6 =	simm.s32 $0x0;
	s20 =	sshll.u32 s4, $0x1;
	s4 =	sadd.s32 s21, s2  }
0x9d: {  	[timem:s6], [sflag:s22] =	dma.local [hbm:s4], s20  }
0x9e: {  	_ =	swait.ge [sflag:s22], s20  }
0x9f: {  	s3 =	ssub.s32 $0x0, s20;
	[sflag:s22] =	ssyncset.done $0x0  }
0xa0: {  	[sflag:s22] =	ssyncadd.s32 s3;
	_ =	sdelay $0x1  }
0xa1: {  	s23 =	simm.s32 $0x1B8B  }
0xa2: {  	_ =	swait.ge [sflag:s23], $0x1  }
0xa3: {  	[sflag:s23] =	ssyncset.done $0x0  }
0xa4: {  	s25 =	simm.s32 $0x1B8E;
	s24 =	sld [smem:$0x3FFE];
	[sflag:s23] =	ssyncadd.s32 $0xFFFFFFFF  }
0xa5: {  	s26 =	simm.s32 $execute0_lowered;
	[smem:$0x3FD2] =	sst s25  }
0xa6: {  	s4 =	sshll.u32 s26, $0x1;
	_ =	strace $0x8000004C;
	[dreg:$0x1] =	wrdreg $0xFFFFFFFF  }
0xa7: {  	s28 =	simm.s32 $_size_execute0_lowered;
	s2 =	sadd.s32 s2, s4;
	[dreg:$0x0] =	wrdreg $0x0  }
0xa8: {  	s4 =	sshll.u32 s28, $0x1;
	[dreg:$0x2] =	wrdreg s2  }
0xa9: {  	[dreg:$0x3] =	wrdreg s4  }
0xaa: {  	[dreg:$0x4] =	wrdreg $0xC0  }
0xab: {  	_ =	task [dreg:s6], $0x5FFFF  }
0xac: {  	[dreg:$0x1] =	wrdreg $0xFFFFFFFF  }
0xad: {  	[dreg:$0x0] =	wrdreg $0x60  }
0xae: {  	[dreg:$0x2] =	wrdreg s24  }
0xaf: {  	[dreg:$0x3] =	wrdreg $0xB4000  }
0xb0: {  	[dreg:$0x4] =	wrdreg $0x9  }
0xb1: {  	_ =	task.clear_ibuf [dreg:s6], $0x5FFFF;
	_ =	strace $0x9000004C  }
0xb2: {  	s29 =	simm.s32 $0x9;
	_ =	strace $0x8000004E  }
0xb3: {  	_ =	swait.ge [sflag:s29], $0x1  }
0xb4: {  	[sflag:s29] =	ssyncadd.s32 $0xFFFFFFFF  }
0xb5: {  	_ =	strace $0x9000004E  }
0xb6: {  	_ =	sfence  }
0xb7: {  	s30 =	sld [smem:$0x0];
	_ =	sdelay $0x2  }
0xb8: {  	s31 =	sshll.u32 s1, $0xD;
	s1 =	sshrl.u32 s1, $0x2  }
0xb9: {  	s3 =	sand.u32 $0x4000, s31;
	s1 =	sadd.s32 s1, s30  }
0xba: {  	s0 =	sor.u32 s3, s0;
	s1 =	sshll.u32 s1, $0x11  }
0xbb: {  	s0 =	sor.u32 s1, s0  }
0xbc: {  	s0 =	sadd.s32 $0x8F2B, s0  }
0xbd: {  	[sflag:s0] =	ssyncadd.remote.s32 $0x1  }
0xbe: {  	_ =	sfence.sel $0xFFFF  }
0xbf: {  	[dreg:$0x0] =	wrdreg $0xFFFFFFFF;
	(pc) =	sbr.abs _section_cstart, $3  }
0xc0: {  	[dreg:$0x1] =	wrdreg $0xFFFFFFFF  }
0xc1: {  	_ =	task.clear_ibuf [dreg:s6], $0x2FFFF;
	_ =	strace $0x9FFFFFFF  }
0xc2: {  	(tm) =	ssettm $0x7FFFFFFF  }
0xc3: {  	_ =	shalt  }
tec
execute0_lowered:
.L_overlay_start_1:
0x0: {  	(tag) =	ssettag $0x1  }
0x1: {  	s5 =	rddreg [dreg:$0x0]  }
0x2: {  	s1 =	rddreg [dreg:$0x1]  }
0x3: {  	s2 =	srdreg.scid;
	s0 =	rddreg [dreg:$0x2]  }
0x4: {  	s3 =	simm.s32 $0x0;
	s14 =	simm.s32 $0x7400;
	s15 =	simm.s32 $0x2  }
0x5: {  	s16 =	simm.s32 $0x80;
	s17 =	simm.s32 $0x1;
	s6 =	sand.u32 $0x1, s2  }
0x6: {  	s20 =	simm.s32 $0x0;
	s2 =	stileid.u32;
	s7 =	smul.u32 $0x140000, s6  }
0x7: {  	[smem:$0x7FF] =	sst s3;
	s4 =	sshll.u32 s2, $0x1;
	s8 =	smul.u32 $0x14000, s2  }
0x8: {  	_ =	strace $0x8000004D;
	s30 =	ssub.s32 $0x2, s6;
	s10 =	smul.u32 $0x50000, s2  }
0x9: {  	p0 =	seq.s32 s6, $0x0;
	s18 =	sshll.u32 s2, $0x6;
	s9 =	sor.u32 s6, s4  }
0xa: {  	s4 =	sadd.s32 $0x86E00, s5;
	s31 =	sshrl.u32 s30, $0x1;
	s18 =	sor.u32 $0x1C02, s18  }
0xb: {  	s9 =	smul.u32 $0xE80, s9;
	s7 =	sadd.s32 s8, s7;
	s10 =	sshrl.u32 s10, $0x2  }
0xc: {  	s12 =	ssub.s32 s30, s31;
	s7 =	sshrl.u32 s7, $0x3;
	s6 =	sadd.s32 s10, s1  }
0xd: {  	s9 =	sadd.s32 s9, s5;
	s11 =	sadd.s32 s7, s5;
	s5 =	simm.s32 $0x74  }
0xe: {  	s10 =	sadd.s32 $0x4000, s6;
	s13 =	sadd.s32 $0x10000, s6;
	s19 =	sshrl.u32 s6, $0x3  }
0xf: {  	s5 =	simm.s32 @!p0 $0x2C;
	s7 =	sadd.s32 $0x69E00, s9;
	s8 =	sadd.s32 $0xAEE00, s11  }
0x10: {  	v0 =	vimm.f32 $0.0e+00;
	s9 =	smax.u32 s12, $0x1;
	s11 =	sadd.s32 $0x8000, s6;
	s12 =	sadd.s32 $0xC000, s6  }
.LBB2_1:
0x11: {  	s21 =	simm.s32 $0x0;
	s22 =	simm.s32 $0x200  }
.LBB2_2:
0x12: {  	p0 =	sne.s32 s22, $0xFE00;
	[tilespmem:s21+$0x7470] =	vst v0  }
0x13: {  	[tilespmem:s21+$0x7400] =	vst v0  }
0x14: {  	[tilespmem:s21+$0x7410] =	vst v0  }
.Ltmp0:
0x15: {  	[tilespmem:s21+$0x7420] =	vst v0;
	(pc) =	sbr.rel @p0 .LBB2_2-.Ltmp0, $4  }
0x16: {  	[tilespmem:s21+$0x7430] =	vst v0  }
0x17: {  	[tilespmem:s21+$0x7440] =	vst v0  }
0x18: {  	[tilespmem:s21+$0x7450] =	vst v0  }
0x19: {  	[tilespmem:s21+$0x7460] =	vst v0;
	s21 =	sshra.s32 s22, $0x2;
	s22 =	sadd.s32 $0x200, s22  }
0x1a: {  	[tilespmem:s21+$0x7470] =	vst v0  }
0x1b: {  	[tilespmem:s21+$0x7400] =	vst v0  }
0x1c: {  	[tilespmem:s21+$0x7410] =	vst v0  }
0x1d: {  	[tilespmem:s21+$0x7420] =	vst v0  }
0x1e: {  	[tilespmem:s21+$0x7430] =	vst v0  }
0x1f: {  	[tilespmem:s21+$0x7440] =	vst v0  }
0x20: {  	[tilespmem:s21+$0x7450] =	vst v0  }
0x21: {  	[tilespmem:s21+$0x7460] =	vst v0  }
0x22: {  	[spmem:s6] =	stream.linear.scatter [tilespmem:s14], [sflag:$0x2], $0x4000, $0x38;
	[tilespmem:$0x1F400] =	vst v63  }
0x23: {  	_ =	swait.ge [sflag:s15], $0x4000  }
0x24: {  	[sflag:s15] =	ssyncset.done $0x0  }
0x25: {  	[sflag:s15] =	ssyncadd.s32 $0xFFFFC000  }
0x26: {  	[spmem:s10] =	stream.linear.scatter [tilespmem:s14], [sflag:$0x2], $0x4000, $0x38;
	[tilespmem:$0x1F400] =	vst v63  }
0x27: {  	_ =	swait.ge [sflag:s15], $0x4000  }
0x28: {  	[sflag:s15] =	ssyncset.done $0x0  }
0x29: {  	[sflag:s15] =	ssyncadd.s32 $0xFFFFC000  }
0x2a: {  	[spmem:s11] =	stream.linear.scatter [tilespmem:s14], [sflag:$0x2], $0x4000, $0x38;
	[tilespmem:$0x1F400] =	vst v63  }
0x2b: {  	_ =	swait.ge [sflag:s15], $0x4000  }
0x2c: {  	[sflag:s15] =	ssyncset.done $0x0  }
0x2d: {  	[sflag:s15] =	ssyncadd.s32 $0xFFFFC000  }
0x2e: {  	[spmem:s12] =	stream.linear.scatter [tilespmem:s14], [sflag:$0x2], $0x4000, $0x38;
	[tilespmem:$0x1F400] =	vst v63  }
0x2f: {  	_ =	swait.ge [sflag:s15], $0x4000  }
0x30: {  	[sflag:s15] =	ssyncset.done $0x0  }
0x31: {  	[sflag:s15] =	ssyncadd.s32 $0xFFFFC000  }
0x32: {  	[spmem:s13] =	stream.linear.scatter [tilespmem:s14], [sflag:$0x2], $0x4000, $0x38;
	[tilespmem:$0x1F400] =	vst v63  }
0x33: {  	_ =	swait.ge [sflag:s15], $0x4000  }
0x34: {  	[sflag:s15] =	ssyncset.done $0x0  }
0x35: {  	p1 =	sne.s32 s5, $0x1;
	[sflag:s15] =	ssyncadd.s32 $0xFFFFC000  }
.Ltmp1:
0x36: {  	[bflag:$0x0] =	sbarrier.arrive $0xFFFF;
	(pc) =	sbr.rel @!p1 .LBB2_6-.Ltmp1, $4  }
0x37: {  	[tilespmem:s3], [sflag:$0x2] =	stream.linear.gather [hbm4b:s7+s3], $0x7400, $0x38;
	[tilespmem:$0x1F400] =	vst v63  }
0x38: {  	_ =	swait.ge [sflag:s15], $0x7400  }
0x39: {  	s21 =	simm.s32 $0x3A00;
	[sflag:s15] =	ssyncset.done $0x0  }
0x3a: {  	s22 =	sadd.s32 $0xFFFFFFFF, s5;
	p0 =	por $0x0, $0x0;
	[sflag:s15] =	ssyncadd.s32 $0xFFFF8C00  }
0x3b: {  	s23 =	simm.s32 $0x0  }
0x3c: {  	[tilespmem:s14], [sflag:$0x1] =	stream.indirect.gather [hbm4b:s4+s16], $0x80, s23, s16, $0xb8;
	[tilespmem:$0x1F400] =	vst v63  }
0x3d: {  	p1 =	sne.s32 s22, $0x1;
	_ =	swait.ge [sflag:s17], $0x4000  }
.Ltmp2:
0x3e: {  	[sflag:s17] =	ssyncset.done $0x0;
	(pc) =	sbr.rel @!p1 .LBB2_6-.Ltmp2, $4  }
0x3f: {  	[sflag:s17] =	ssyncadd.s32 $0xFFFFC000  }
0x40: {  	[spmem:s1] =	stream.indirect.scatter.add.f32 [tilespmem:s14], [sflag:$0x2], $0x80, s21, s16, $0xb8;
	[tilespmem:$0x1F400] =	vst v63  }
0x41: {  	s22 =	sadd.s32 $0xFFFFFFFF, s22;
	_ =	swait.ge [sflag:s15], $0x4000  }
0x42: {  	p0 =	por $0x1, $0x1;
	s21 =	simm.s32 $0x3A80;
	[sflag:s15] =	ssyncset.done $0x0  }
.LBB2_5:
0x43: {  	p1 =	sne.s32 s22, $0x1;
	s23 =	sadd.s32 $0xFFFFC600, s21;
	[sflag:s15] =	ssyncadd.s32 $0xFFFFC000  }
0x44: {  	[tilespmem:s14], [sflag:$0x1] =	stream.indirect.gather [hbm4b:s4+s16], $0x80, s23, s16, $0xb8;
	[tilespmem:$0x1F400] =	vst v63  }
0x45: {  	s22 =	sadd.s32 $0xFFFFFFFF, s22;
	_ =	swait.ge [sflag:s17], $0x4000  }
.Ltmp3:
0x46: {  	[sflag:s17] =	ssyncset.done $0x0;
	(pc) =	sbr.rel @p1 .LBB2_5-.Ltmp3, $4  }
0x47: {  	[sflag:s17] =	ssyncadd.s32 $0xFFFFC000  }
0x48: {  	[spmem:s1] =	stream.indirect.scatter.add.f32 [tilespmem:s14], [sflag:$0x2], $0x80, s21, s16, $0xb8;
	[tilespmem:$0x1F400] =	vst v63  }
0x49: {  	_ =	swait.ge [sflag:s15], $0x4000  }
0x4a: {  	s21 =	sadd.s32 $0x80, s21;
	[sflag:s15] =	ssyncset.done $0x0  }
.LBB2_6:
0x4b: {  	s22 =	sadd.s32 $0xFFFFC600, s21;
	[sflag:s15] =	ssyncadd.s32 @p0 $0xFFFFC000  }
0x4c: {  	[tilespmem:s14], [sflag:$0x1] =	stream.indirect.gather [hbm4b:s4+s16], $0x80, s22, s16, $0xb8;
	[tilespmem:$0x1F400] =	vst v63  }
0x4d: {  	_ =	swait.ge [sflag:s17], $0x4000  }
0x4e: {  	[sflag:s17] =	ssyncset.done $0x0  }
0x4f: {  	[sflag:s17] =	ssyncadd.s32 $0xFFFFC000  }
0x50: {  	[spmem:s1] =	stream.indirect.scatter.add.f32 [tilespmem:s14], [sflag:$0x2], $0x80, s21, s16, $0xb8;
	[tilespmem:$0x1F400] =	vst v63  }
0x51: {  	_ =	swait.ge [sflag:s15], $0x4000  }
0x52: {  	s20 =	sadd.s32 $0x1, s20;
	[sflag:s15] =	ssyncset.done $0x0  }
0x53: {  	p0 =	sne.s32 s20, s9;
	[sflag:s15] =	ssyncadd.s32 $0xFFFFC000  }
.Ltmp4:
0x54: {  	[bflag:$0x0] =	sbarrier.arrive $0xFFFF;
	(pc) =	sbr.rel @p0 .LBB2_1-.Ltmp4, $4  }
0x55: {  	[hbm:s8], [sflag:s18] =	dma.local [spmem:s19], $0x2800  }
0x56: {  	_ =	swait.ge [sflag:s15], $0x2800  }
0x57: {  	[sflag:s15] =	ssyncset.done $0x0  }
0x58: {  	[sflag:s15] =	ssyncadd.s32 $0xFFFFD800  }
0x59: {  	_ =	sfence.sel $0x180000  }
0x5a: {  	[bflag:$0x0] =	sbarrier.arrive $0xFFFF  }
0x5b: {  	p0 =	sne.s32 s2, $0x0;
	_ =	strace $0x9000004D  }
0x5c: {  	s0 =	sadd.s32 @!p0 $0x100000, s0;
	[bflag:$0x2] =	sbarrier.arrive $0xFFFF  }
0x5d: {  	[sflag:s0] =	ssyncadd.tile.s32 @!p0 $0x1;
	_ =	shalt  }
.Lfunc_end2:
_tile_overlayer_lowered:
.L_overlay_start_2:
0x5e: {  	(tag) =	ssettag $0x2  }
0x5f: {  	s0 =	rddreg [dreg:$0x0];
	s2 =	stileid.u32  }
0x60: {  	s1 =	rddreg [dreg:$0x1];
	p0 =	sne.s32 s2, $0x0  }
0x61: {  	s3 =	rddreg [dreg:$0x2];
	[bflag:$0x3] =	sbarrier.arrive $0xFFFF;
	s2 =	simm.s32 @!p0 $0x1C02  }
0x62: {  	[timem:s3], [sflag:s2] =	dma.local @!p0 [hbm:s0], s1  }
0x63: {  	s0 =	simm.s32 @!p0 $0x2  }
0x64: {  	_ =	swait.ge @!p0 [sflag:s0], s1  }
0x65: {  	s1 =	ssub.s32 @!p0 $0x0, s1;
	[sflag:s0] =	ssyncset.done @!p0 $0x0  }
0x66: {  	[sflag:s0] =	ssyncadd.s32 @!p0 s1  }
0x67: {  	[bflag:$0x3] =	sbarrier.arrive $0xFFFF  }
0x68: {  	_ =	shalt  }

// kernel: kernel.21.cloned.1.call-start
scs
__scs_entry_jumppad:
0x0: {  	(pc) =	sbr.rel $0x88, $3  }
0x1: {  	(tag) =	ssettag $0x0;
	lr =	simm.s32 $0x1  }
0x2: {  	[smem:$0x3F90] =	sst lr;
	_ =	strace $0xD0000000  }
0x3: {  	_ = 	snop  }
0x4: {  	_ = 	snop  }
0x5: {  	_ = 	snop  }
0x6: {  	_ = 	snop  }
0x7: {  	_ = 	snop  }
__scs_overlays_trampoline_lowered:
0x8: {  	[smem:$0x3F9F] =	sst s0  }
0x9: {  	[smem:$0x3FA0] =	sst s1  }
0xa: {  	[smem:$0x3FA1] =	sst s2  }
0xb: {  	[smem:$0x3FA2] =	sst s3  }
0xc: {  	[smem:$0x3FA3] =	sst s4  }
0xd: {  	[smem:$0x3FA4] =	sst s5  }
0xe: {  	[smem:$0x3FA5] =	sst s6  }
0xf: {  	[smem:$0x3FA6] =	sst s7  }
0x10: {  	[smem:$0x3FA7] =	sst s8  }
0x11: {  	[smem:$0x3FA8] =	sst s9;
	s0 =	simm.s32 @!p0 $0x0  }
0x12: {  	s1 =	sld [smem:$0x3F8E];
	s0 =	simm.s32 @p0 $0x1  }
0x13: {  	[smem:$0x3FA9] =	sst s0;
	s0 =	simm.s32 @!p1 $0x0  }
0x14: {  	s2 =	sld [smem:$0x3F8D];
	s0 =	simm.s32 @p1 $0x1  }
0x15: {  	[smem:$0x3FAA] =	sst s0;
	s0 =	simm.s32 @!p2 $0x0  }
0x16: {  	s3 =	sld [smem:$0x3FDB];
	s0 =	simm.s32 @p2 $0x1  }
0x17: {  	s4 =	simm.s32 $0x1BF5;
	[smem:$0x3FAC] =	sst s0  }
0x18: {  	s0 =	sld [smem:$0x3F8F];
	_ =	swait.ge [sflag:s4], $0x0  }
0x19: {  	s7 =	sld [smem:$0x3F90]  }
0x1a: {  	s8 =	sadd.s32 $0xFFFFE003, lr  }
0x1b: {  	s9 =	sadd.s32 $0xFFFFFEF7, lr;
	s5 =	simm.s32 $0xFFFFFFFF;
	p2 =	slt.u32 s8, $0xFFFFF086  }
0x1c: {  	p1 =	slt.u32 s9, $0xF7A;
	s5 =	simm.s32 @!p2 $0x0  }
0x1d: {  	s5 =	simm.s32 @p1 $0x1;
	p0 =	seq.s32 s7, s2  }
0x1e: {  	s7 =	smul.u32 @!p0 $0xF7A, s2;
	p2 =	seq.s32 @!p0 s5, $0x0  }
0x1f: {  	s9 =	smul.u32 $0xF7A, s1;
	s8 =	simm.s32 @!p0 $0x1BF5;
	p2 =	por !p2, p0  }
0x20: {  	[sflag:s8] =	ssyncset.s32 @!p0 $0xFFFFF086;
	s6 =	sadd.s32 @!p0 s3, s7;
	s7 =	simm.s32 @!p0 $0x108  }
0x21: {  	s3 =	sadd.s32 s3, s9;
	s6 =	sadd.s32 @!p0 $0x88, s6;
	s7 =	simm.s32 @p2 $0x1082  }
0x22: {  	[simem:s7], [sflag:s8] =	dma.local @!p0 [hbm:s6], $0xF7A  }
0x23: {  	s9 =	sor.u32 $0xD0000000, s2;
	s6 =	simm.s32 $0x108;
	_ =	swait.ge @!p0 [sflag:s8], $0x0  }
0x24: {  	s3 =	sadd.s32 $0x88, s3;
	s6 =	simm.s32 @!p1 $0x1082;
	[sflag:s4] =	ssyncset.s32 $0xFFFFF086  }
0x25: {  	[simem:s6], [sflag:s4] =	dma.local [hbm:s3], $0xF7A  }
0x26: {  	[smem:$0x3F90] =	sst s1;
	(tag) =	ssettag s2;
	_ =	strace s9  }
0x27: {  	s1 =	sld [smem:$0x3FA0]  }
0x28: {  	s2 =	sld [smem:$0x3FA1]  }
0x29: {  	s4 =	sld [smem:$0x3FA3]  }
0x2a: {  	p0 =	seq.s32 s5, $0x0;
	s5 =	sld [smem:$0x3FA4]  }
0x2b: {  	s6 =	sld [smem:$0x3FA5]  }
0x2c: {  	s7 =	sld [smem:$0x3FA6]  }
0x2d: {  	s3 =	simm.s32 $0x108;
	s8 =	sld [smem:$0x3FA7]  }
0x2e: {  	s3 =	simm.s32 @!p0 $0x1082;
	s9 =	sld [smem:$0x3FA8]  }
0x2f: {  	lr =	sadd.s32 s0, s3;
	s0 =	sld [smem:$0x3F9F]  }
0x30: {  	s3 =	sld [smem:$0x3FA2]  }
0x31: {  	[smem:$0x3FAB] =	sst s10  }
0x32: {  	s10 =	sld [smem:$0x3FA9];
	_ =	sdelay $0x3  }
0x33: {  	p0 =	seq.s32 s10, $0x1;
	s10 =	sld [smem:$0x3FAB];
	_ =	sdelay $0x3  }
0x34: {  	[smem:$0x3FAB] =	sst s10  }
0x35: {  	s10 =	sld [smem:$0x3FAA];
	_ =	sdelay $0x3  }
0x36: {  	p1 =	seq.s32 s10, $0x1;
	s10 =	sld [smem:$0x3FAB];
	_ =	sdelay $0x3  }
0x37: {  	[smem:$0x3FAB] =	sst s10  }
0x38: {  	s10 =	sld [smem:$0x3FAC]  }
0x39: {  	_ = 	snop;
	(pc) =	sbr.ind lr, $3  }
0x3a: {  	_ = 	snop  }
0x3b: {  	_ = 	snop  }
0x3c: {  	p2 =	seq.s32 s10, $0x1;
	s10 =	sld [smem:$0x3FAB]  }
0x3d: {  	_ =	shalt  }
0x3e: {  	_ =	shalt  }
0x3f: {  	_ =	shalt  }
0x40: {  	_ =	shalt  }
0x41: {  	_ =	shalt  }
0x42: {  	_ =	shalt  }
0x43: {  	_ =	shalt  }
0x44: {  	_ =	shalt  }
0x45: {  	_ =	shalt  }
0x46: {  	_ =	shalt  }
0x47: {  	_ =	shalt  }
0x48: {  	_ =	shalt  }
0x49: {  	_ =	shalt  }
0x4a: {  	_ =	shalt  }
0x4b: {  	_ =	shalt  }
0x4c: {  	_ =	shalt  }
0x4d: {  	_ =	shalt  }
0x4e: {  	_ =	shalt  }
0x4f: {  	_ =	shalt  }
0x50: {  	_ =	shalt  }
0x51: {  	_ =	shalt  }
0x52: {  	_ =	shalt  }
0x53: {  	_ =	shalt  }
0x54: {  	_ =	shalt  }
0x55: {  	_ =	shalt  }
0x56: {  	_ =	shalt  }
0x57: {  	_ =	shalt  }
0x58: {  	_ =	shalt  }
0x59: {  	_ =	shalt  }
0x5a: {  	_ =	shalt  }
0x5b: {  	_ =	shalt  }
0x5c: {  	_ =	shalt  }
0x5d: {  	_ =	shalt  }
0x5e: {  	_ =	shalt  }
0x5f: {  	_ =	shalt  }
0x60: {  	_ =	shalt  }
0x61: {  	_ =	shalt  }
0x62: {  	_ =	shalt  }
0x63: {  	_ =	shalt  }
0x64: {  	_ =	shalt  }
0x65: {  	_ =	shalt  }
0x66: {  	_ =	shalt  }
0x67: {  	_ =	shalt  }
0x68: {  	_ =	shalt  }
0x69: {  	_ =	shalt  }
0x6a: {  	_ =	shalt  }
0x6b: {  	_ =	shalt  }
0x6c: {  	_ =	shalt  }
0x6d: {  	_ =	shalt  }
0x6e: {  	_ =	shalt  }
0x6f: {  	_ =	shalt  }
0x70: {  	_ =	shalt  }
0x71: {  	_ =	shalt  }
0x72: {  	_ =	shalt  }
0x73: {  	_ =	shalt  }
0x74: {  	_ =	shalt  }
0x75: {  	_ =	shalt  }
0x76: {  	_ =	shalt  }
0x77: {  	_ =	shalt  }
0x78: {  	_ =	shalt  }
0x79: {  	_ =	shalt  }
0x7a: {  	_ =	shalt  }
0x7b: {  	_ =	shalt  }
0x7c: {  	_ =	shalt  }
0x7d: {  	_ =	shalt  }
0x7e: {  	_ =	shalt  }
0x7f: {  	_ =	shalt  }
0x80: {  	_ =	shalt  }
0x81: {  	_ =	shalt  }
0x82: {  	_ =	shalt  }
0x83: {  	_ =	shalt  }
0x84: {  	_ =	shalt  }
0x85: {  	_ =	shalt  }
0x86: {  	_ =	shalt  }
0x87: {  	_ =	shalt  }
.Lfunc_end0:
.L_simem_size_0:
called_computation.3_lowered:
.L_overlay_start_0:
0x88: {  	s2 =	sld [smem:$0x3FD9]  }
0x89: {  	s3 =	sld [smem:$0x3FFE];
	_ =	sdelay $0x1  }
0x8a: {  	s1 =	srdreg.scid  }
0x8b: {  	s0 =	sand.u32 $0x1, s1  }
0x8c: {  	s16 =	sshll.u32 s0, $0xA;
	s2 =	sadd.s32 s3, s2  }
0x8d: {  	s2 =	sadd.s32 s2, s16  }
0x8e: {  	[smem:$0x3FB7] =	sst s2  }
0x8f: {  	_ = 	snop  }
0x90: {  	(tm) =	ssettm $0x1  }
0x91: {  	s17 =	sld [smem:$0x3FFB];
	_ =	sdelay $0x3  }
0x92: {  	_ =	strace s17  }
0x93: {  	s2 =	sld [smem:$0x3FFC];
	_ =	sdelay $0x3  }
0x94: {  	_ =	strace s2  }
0x95: {  	s2 =	sld [smem:$0x3FFD];
	_ =	sdelay $0x3  }
0x96: {  	_ =	strace s2  }
0x97: {  	_ =	strace $0x8FFFFFFF  }
0x98: {  	s18 =	sld [smem:$0x3FDB];
	_ =	sdelay $0x1  }
0x99: {  	s19 =	simm.s32 $_scs_section_size  }
0x9a: {  	s4 =	simm.s32 $_size__tile_overlayer_lowered;
	s5 =	simm.s32 $_tile_overlayer_lowered  }
0x9b: {  	s22 =	simm.s32 $0x1BFF;
	s21 =	sshll.u32 s5, $0x1;
	s2 =	sadd.s32 s19, s18  }
0x9c: {  	s6 =	simm.s32 $0x0;
	s20 =	sshll.u32 s4, $0x1;
	s4 =	sadd.s32 s21, s2  }
0x9d: {  	[timem:s6], [sflag:s22] =	dma.local [hbm:s4], s20  }
0x9e: {  	_ =	swait.ge [sflag:s22], s20  }
0x9f: {  	s3 =	ssub.s32 $0x0, s20;
	[sflag:s22] =	ssyncset.done $0x0  }
0xa0: {  	[sflag:s22] =	ssyncadd.s32 s3;
	_ =	sdelay $0x1  }
0xa1: {  	s23 =	simm.s32 $0x1B8B  }
0xa2: {  	_ =	swait.ge [sflag:s23], $0x1  }
0xa3: {  	[sflag:s23] =	ssyncset.done $0x0  }
0xa4: {  	s25 =	simm.s32 $0x1B8E;
	s24 =	sld [smem:$0x3FFE];
	[sflag:s23] =	ssyncadd.s32 $0xFFFFFFFF  }
0xa5: {  	s26 =	simm.s32 $execute0_lowered;
	[smem:$0x3FD2] =	sst s25  }
0xa6: {  	s4 =	sshll.u32 s26, $0x1;
	_ =	strace $0x8000004F;
	[dreg:$0x1] =	wrdreg $0xFFFFFFFF  }
0xa7: {  	s28 =	simm.s32 $_size_execute0_lowered;
	s2 =	sadd.s32 s2, s4;
	[dreg:$0x0] =	wrdreg $0x0  }
0xa8: {  	s4 =	sshll.u32 s28, $0x1;
	[dreg:$0x2] =	wrdreg s2  }
0xa9: {  	[dreg:$0x3] =	wrdreg s4  }
0xaa: {  	[dreg:$0x4] =	wrdreg $0xC0  }
0xab: {  	_ =	task [dreg:s6], $0x5FFFF  }
0xac: {  	[dreg:$0x1] =	wrdreg $0xFFFFFFFF  }
0xad: {  	[dreg:$0x0] =	wrdreg $0x60  }
0xae: {  	[dreg:$0x2] =	wrdreg s24  }
0xaf: {  	[dreg:$0x3] =	wrdreg $0xB4000  }
0xb0: {  	[dreg:$0x4] =	wrdreg $0x9  }
0xb1: {  	_ =	task.clear_ibuf [dreg:s6], $0x5FFFF;
	_ =	strace $0x9000004F  }
0xb2: {  	s29 =	simm.s32 $0x9;
	_ =	strace $0x80000051  }
0xb3: {  	_ =	swait.ge [sflag:s29], $0x1  }
0xb4: {  	[sflag:s29] =	ssyncadd.s32 $0xFFFFFFFF  }
0xb5: {  	_ =	strace $0x90000051  }
0xb6: {  	_ =	sfence  }
0xb7: {  	s30 =	sld [smem:$0x0];
	_ =	sdelay $0x2  }
0xb8: {  	s31 =	sshll.u32 s1, $0xD;
	s1 =	sshrl.u32 s1, $0x2  }
0xb9: {  	s3 =	sand.u32 $0x4000, s31;
	s1 =	sadd.s32 s1, s30  }
0xba: {  	s0 =	sor.u32 s3, s0;
	s1 =	sshll.u32 s1, $0x11  }
0xbb: {  	s0 =	sor.u32 s1, s0  }
0xbc: {  	s0 =	sadd.s32 $0x8F2B, s0  }
0xbd: {  	[sflag:s0] =	ssyncadd.remote.s32 $0x1  }
0xbe: {  	_ =	sfence.sel $0xFFFF  }
0xbf: {  	[dreg:$0x0] =	wrdreg $0xFFFFFFFF;
	(pc) =	sbr.abs _section_cstart, $3  }
0xc0: {  	[dreg:$0x1] =	wrdreg $0xFFFFFFFF  }
0xc1: {  	_ =	task.clear_ibuf [dreg:s6], $0x2FFFF;
	_ =	strace $0x9FFFFFFF  }
0xc2: {  	(tm) =	ssettm $0x7FFFFFFF  }
0xc3: {  	_ =	shalt  }
tec
execute0_lowered:
.L_overlay_start_1:
0x0: {  	(tag) =	ssettag $0x1  }
0x1: {  	s5 =	rddreg [dreg:$0x0]  }
0x2: {  	s1 =	rddreg [dreg:$0x1]  }
0x3: {  	s2 =	srdreg.scid;
	s0 =	rddreg [dreg:$0x2]  }
0x4: {  	s3 =	simm.s32 $0x0;
	s14 =	simm.s32 $0x7400;
	s15 =	simm.s32 $0x2  }
0x5: {  	s16 =	simm.s32 $0x80;
	s17 =	simm.s32 $0x1;
	s6 =	sand.u32 $0x1, s2  }
0x6: {  	s20 =	simm.s32 $0x0;
	s2 =	stileid.u32;
	s7 =	smul.u32 $0x140000, s6  }
0x7: {  	[smem:$0x7FF] =	sst s3;
	s4 =	sshll.u32 s2, $0x1;
	s8 =	smul.u32 $0x14000, s2  }
0x8: {  	_ =	strace $0x80000050;
	s30 =	ssub.s32 $0x2, s6;
	s10 =	smul.u32 $0x50000, s2  }
0x9: {  	p0 =	seq.s32 s6, $0x0;
	s18 =	sshll.u32 s2, $0x6;
	s9 =	sor.u32 s6, s4  }
0xa: {  	s4 =	sadd.s32 $0x86E00, s5;
	s31 =	sshrl.u32 s30, $0x1;
	s18 =	sor.u32 $0x1C02, s18  }
0xb: {  	s9 =	smul.u32 $0xE80, s9;
	s7 =	sadd.s32 s8, s7;
	s10 =	sshrl.u32 s10, $0x2  }
0xc: {  	s12 =	ssub.s32 s30, s31;
	s7 =	sshrl.u32 s7, $0x3;
	s6 =	sadd.s32 s10, s1  }
0xd: {  	s9 =	sadd.s32 s9, s5;
	s11 =	sadd.s32 s7, s5;
	s5 =	simm.s32 $0x74  }
0xe: {  	s10 =	sadd.s32 $0x4000, s6;
	s13 =	sadd.s32 $0x10000, s6;
	s19 =	sshrl.u32 s6, $0x3  }
0xf: {  	s5 =	simm.s32 @!p0 $0x2C;
	s7 =	sadd.s32 $0x69E00, s9;
	s8 =	sadd.s32 $0xAEE00, s11  }
0x10: {  	v0 =	vimm.f32 $0.0e+00;
	s9 =	smax.u32 s12, $0x1;
	s11 =	sadd.s32 $0x8000, s6;
	s12 =	sadd.s32 $0xC000, s6  }
.LBB2_1:
0x11: {  	s21 =	simm.s32 $0x0;
	s22 =	simm.s32 $0x200  }
.LBB2_2:
0x12: {  	p0 =	sne.s32 s22, $0xFE00;
	[tilespmem:s21+$0x7470] =	vst v0  }
0x13: {  	[tilespmem:s21+$0x7400] =	vst v0  }
0x14: {  	[tilespmem:s21+$0x7410] =	vst v0  }
.Ltmp0:
0x15: {  	[tilespmem:s21+$0x7420] =	vst v0;
	(pc) =	sbr.rel @p0 .LBB2_2-.Ltmp0, $4  }
0x16: {  	[tilespmem:s21+$0x7430] =	vst v0  }
0x17: {  	[tilespmem:s21+$0x7440] =	vst v0  }
0x18: {  	[tilespmem:s21+$0x7450] =	vst v0  }
0x19: {  	[tilespmem:s21+$0x7460] =	vst v0;
	s21 =	sshra.s32 s22, $0x2;
	s22 =	sadd.s32 $0x200, s22  }
0x1a: {  	[tilespmem:s21+$0x7470] =	vst v0  }
0x1b: {  	[tilespmem:s21+$0x7400] =	vst v0  }
0x1c: {  	[tilespmem:s21+$0x7410] =	vst v0  }
0x1d: {  	[tilespmem:s21+$0x7420] =	vst v0  }
0x1e: {  	[tilespmem:s21+$0x7430] =	vst v0  }
0x1f: {  	[tilespmem:s21+$0x7440] =	vst v0  }
0x20: {  	[tilespmem:s21+$0x7450] =	vst v0  }
0x21: {  	[tilespmem:s21+$0x7460] =	vst v0  }
0x22: {  	[spmem:s6] =	stream.linear.scatter [tilespmem:s14], [sflag:$0x2], $0x4000, $0x38;
	[tilespmem:$0x1F400] =	vst v63  }
0x23: {  	_ =	swait.ge [sflag:s15], $0x4000  }
0x24: {  	[sflag:s15] =	ssyncset.done $0x0  }
0x25: {  	[sflag:s15] =	ssyncadd.s32 $0xFFFFC000  }
0x26: {  	[spmem:s10] =	stream.linear.scatter [tilespmem:s14], [sflag:$0x2], $0x4000, $0x38;
	[tilespmem:$0x1F400] =	vst v63  }
0x27: {  	_ =	swait.ge [sflag:s15], $0x4000  }
0x28: {  	[sflag:s15] =	ssyncset.done $0x0  }
0x29: {  	[sflag:s15] =	ssyncadd.s32 $0xFFFFC000  }
0x2a: {  	[spmem:s11] =	stream.linear.scatter [tilespmem:s14], [sflag:$0x2], $0x4000, $0x38;
	[tilespmem:$0x1F400] =	vst v63  }
0x2b: {  	_ =	swait.ge [sflag:s15], $0x4000  }
0x2c: {  	[sflag:s15] =	ssyncset.done $0x0  }
0x2d: {  	[sflag:s15] =	ssyncadd.s32 $0xFFFFC000  }
0x2e: {  	[spmem:s12] =	stream.linear.scatter [tilespmem:s14], [sflag:$0x2], $0x4000, $0x38;
	[tilespmem:$0x1F400] =	vst v63  }
0x2f: {  	_ =	swait.ge [sflag:s15], $0x4000  }
0x30: {  	[sflag:s15] =	ssyncset.done $0x0  }
0x31: {  	[sflag:s15] =	ssyncadd.s32 $0xFFFFC000  }
0x32: {  	[spmem:s13] =	stream.linear.scatter [tilespmem:s14], [sflag:$0x2], $0x4000, $0x38;
	[tilespmem:$0x1F400] =	vst v63  }
0x33: {  	_ =	swait.ge [sflag:s15], $0x4000  }
0x34: {  	[sflag:s15] =	ssyncset.done $0x0  }
0x35: {  	p1 =	sne.s32 s5, $0x1;
	[sflag:s15] =	ssyncadd.s32 $0xFFFFC000  }
.Ltmp1:
0x36: {  	[bflag:$0x0] =	sbarrier.arrive $0xFFFF;
	(pc) =	sbr.rel @!p1 .LBB2_6-.Ltmp1, $4  }
0x37: {  	[tilespmem:s3], [sflag:$0x2] =	stream.linear.gather [hbm4b:s7+s3], $0x7400, $0x38;
	[tilespmem:$0x1F400] =	vst v63  }
0x38: {  	_ =	swait.ge [sflag:s15], $0x7400  }
0x39: {  	s21 =	simm.s32 $0x3A00;
	[sflag:s15] =	ssyncset.done $0x0  }
0x3a: {  	s22 =	sadd.s32 $0xFFFFFFFF, s5;
	p0 =	por $0x0, $0x0;
	[sflag:s15] =	ssyncadd.s32 $0xFFFF8C00  }
0x3b: {  	s23 =	simm.s32 $0x0  }
0x3c: {  	[tilespmem:s14], [sflag:$0x1] =	stream.indirect.gather [hbm4b:s4+s16], $0x80, s23, s16, $0xb8;
	[tilespmem:$0x1F400] =	vst v63  }
0x3d: {  	p1 =	sne.s32 s22, $0x1;
	_ =	swait.ge [sflag:s17], $0x4000  }
.Ltmp2:
0x3e: {  	[sflag:s17] =	ssyncset.done $0x0;
	(pc) =	sbr.rel @!p1 .LBB2_6-.Ltmp2, $4  }
0x3f: {  	[sflag:s17] =	ssyncadd.s32 $0xFFFFC000  }
0x40: {  	[spmem:s1] =	stream.indirect.scatter.add.f32 [tilespmem:s14], [sflag:$0x2], $0x80, s21, s16, $0xb8;
	[tilespmem:$0x1F400] =	vst v63  }
0x41: {  	s22 =	sadd.s32 $0xFFFFFFFF, s22;
	_ =	swait.ge [sflag:s15], $0x4000  }
0x42: {  	p0 =	por $0x1, $0x1;
	s21 =	simm.s32 $0x3A80;
	[sflag:s15] =	ssyncset.done $0x0  }
.LBB2_5:
0x43: {  	p1 =	sne.s32 s22, $0x1;
	s23 =	sadd.s32 $0xFFFFC600, s21;
	[sflag:s15] =	ssyncadd.s32 $0xFFFFC000  }
0x44: {  	[tilespmem:s14], [sflag:$0x1] =	stream.indirect.gather [hbm4b:s4+s16], $0x80, s23, s16, $0xb8;
	[tilespmem:$0x1F400] =	vst v63  }
0x45: {  	s22 =	sadd.s32 $0xFFFFFFFF, s22;
	_ =	swait.ge [sflag:s17], $0x4000  }
.Ltmp3:
0x46: {  	[sflag:s17] =	ssyncset.done $0x0;
	(pc) =	sbr.rel @p1 .LBB2_5-.Ltmp3, $4  }
0x47: {  	[sflag:s17] =	ssyncadd.s32 $0xFFFFC000  }
0x48: {  	[spmem:s1] =	stream.indirect.scatter.add.f32 [tilespmem:s14], [sflag:$0x2], $0x80, s21, s16, $0xb8;
	[tilespmem:$0x1F400] =	vst v63  }
0x49: {  	_ =	swait.ge [sflag:s15], $0x4000  }
0x4a: {  	s21 =	sadd.s32 $0x80, s21;
	[sflag:s15] =	ssyncset.done $0x0  }
.LBB2_6:
0x4b: {  	s22 =	sadd.s32 $0xFFFFC600, s21;
	[sflag:s15] =	ssyncadd.s32 @p0 $0xFFFFC000  }
0x4c: {  	[tilespmem:s14], [sflag:$0x1] =	stream.indirect.gather [hbm4b:s4+s16], $0x80, s22, s16, $0xb8;
	[tilespmem:$0x1F400] =	vst v63  }
0x4d: {  	_ =	swait.ge [sflag:s17], $0x4000  }
0x4e: {  	[sflag:s17] =	ssyncset.done $0x0  }
0x4f: {  	[sflag:s17] =	ssyncadd.s32 $0xFFFFC000  }
0x50: {  	[spmem:s1] =	stream.indirect.scatter.add.f32 [tilespmem:s14], [sflag:$0x2], $0x80, s21, s16, $0xb8;
	[tilespmem:$0x1F400] =	vst v63  }
0x51: {  	_ =	swait.ge [sflag:s15], $0x4000  }
0x52: {  	s20 =	sadd.s32 $0x1, s20;
	[sflag:s15] =	ssyncset.done $0x0  }
0x53: {  	p0 =	sne.s32 s20, s9;
	[sflag:s15] =	ssyncadd.s32 $0xFFFFC000  }
.Ltmp4:
0x54: {  	[bflag:$0x0] =	sbarrier.arrive $0xFFFF;
	(pc) =	sbr.rel @p0 .LBB2_1-.Ltmp4, $4  }
0x55: {  	[hbm:s8], [sflag:s18] =	dma.local [spmem:s19], $0x2800  }
0x56: {  	_ =	swait.ge [sflag:s15], $0x2800  }
0x57: {  	[sflag:s15] =	ssyncset.done $0x0  }
0x58: {  	[sflag:s15] =	ssyncadd.s32 $0xFFFFD800  }
0x59: {  	_ =	sfence.sel $0x180000  }
0x5a: {  	[bflag:$0x0] =	sbarrier.arrive $0xFFFF  }
0x5b: {  	p0 =	sne.s32 s2, $0x0;
	_ =	strace $0x90000050  }
0x5c: {  	s0 =	sadd.s32 @!p0 $0x100000, s0;
	[bflag:$0x2] =	sbarrier.arrive $0xFFFF  }
0x5d: {  	[sflag:s0] =	ssyncadd.tile.s32 @!p0 $0x1;
	_ =	shalt  }
.Lfunc_end2:
_tile_overlayer_lowered:
.L_overlay_start_2:
0x5e: {  	(tag) =	ssettag $0x2  }
0x5f: {  	s0 =	rddreg [dreg:$0x0];
	s2 =	stileid.u32  }
0x60: {  	s1 =	rddreg [dreg:$0x1];
	p0 =	sne.s32 s2, $0x0  }
0x61: {  	s3 =	rddreg [dreg:$0x2];
	[bflag:$0x3] =	sbarrier.arrive $0xFFFF;
	s2 =	simm.s32 @!p0 $0x1C02  }
0x62: {  	[timem:s3], [sflag:s2] =	dma.local @!p0 [hbm:s0], s1  }
0x63: {  	s0 =	simm.s32 @!p0 $0x2  }
0x64: {  	_ =	swait.ge @!p0 [sflag:s0], s1  }
0x65: {  	s1 =	ssub.s32 @!p0 $0x0, s1;
	[sflag:s0] =	ssyncset.done @!p0 $0x0  }
0x66: {  	[sflag:s0] =	ssyncadd.s32 @!p0 s1  }
0x67: {  	[bflag:$0x3] =	sbarrier.arrive $0xFFFF  }
0x68: {  	_ =	shalt  }

</sc_bundles>
